<compile_context>
chip_gen: v7x
topology: tpu7x:2x2x1
jax: 0.10.2.dev20260603
libtpu: 0.0.44.dev20260713+nightly
codegen_flags: <defaults>
</compile_context>

<pallas_src>
import jax
import jax.numpy as jnp
from jax import lax
from jax.experimental import pallas as pl
from jax.experimental.pallas import tpu as pltpu
from jax.experimental.pallas import tpu_sc as plsc

_N = 10000
_E = 320000
_D = 128

_NC = 2
_NS = 16
_NW = _NC * _NS

_EPW = 10240
_EPAD = _EPW * _NW
_NPAD = _N + 8
_SLAB = 624
_TAIL = _NPAD - _SLAB * _NS
_DTAIL = _N - _SLAB * _NS

_CHD = 128
_NCHD = _EPW // _CHD

_CH = 64
_NCHA = _EPAD // _CH
_SG = 32
_PIPE = 4
_FAST = 0
_CF = 256
_CS = _NCHA // _NS - _CF

_mesh = plsc.VectorSubcoreMesh(core_axis_name="c", subcore_axis_name="s")



def _deg_body(dst_hbm, ones_hbm, zeros_hbm, out_hbm, didx, ones_v, acc,
              dsem0, dsem1):
    c = lax.axis_index("c")
    s = lax.axis_index("s")
    wid = s * _NC + c
    pltpu.sync_copy(zeros_hbm.at[pl.ds(0, _SLAB)],
                    acc.at[pl.ds(s * _SLAB, _SLAB)])

    @pl.when(s == 0)
    def _():
        pltpu.sync_copy(zeros_hbm.at[pl.ds(0, _TAIL)],
                        acc.at[pl.ds(_SLAB * _NS, _TAIL)])

    pltpu.sync_copy(ones_hbm, ones_v)
    pltpu.sync_copy(dst_hbm.at[pl.ds(wid * _NCHD, _NCHD)], didx)
    plsc.subcore_barrier()

    def step(j, carry):
        pltpu.async_copy(ones_v, acc.at[didx.at[2 * j]], dsem0, add=True)
        pltpu.async_copy(ones_v, acc.at[didx.at[2 * j + 1]], dsem1, add=True)
        pltpu.make_async_copy(ones_v, acc.at[didx.at[2 * j]], dsem0).wait()
        pltpu.make_async_copy(ones_v, acc.at[didx.at[2 * j + 1]], dsem1).wait()
        return carry

    lax.fori_loop(0, _NCHD // 2, step, 0)
    plsc.subcore_barrier()
    pltpu.sync_copy(acc.at[pl.ds(s * _SLAB, _SLAB)],
                    out_hbm.at[c, pl.ds(s * _SLAB, _SLAB)])

    @pl.when(s == 0)
    def _():
        pltpu.sync_copy(acc.at[pl.ds(_SLAB * _NS, _DTAIL)],
                        out_hbm.at[c, pl.ds(_SLAB * _NS, _DTAIL)])


_deg = pl.kernel(
    _deg_body,
    out_type=jax.ShapeDtypeStruct((_NC, _N, _D), jnp.float32),
    mesh=_mesh,
    scratch_types=[
        pltpu.VMEM((_NCHD, _CHD), jnp.int32),
        pltpu.VMEM((_CHD, _D), jnp.float32),
        pltpu.VMEM_SHARED((_NPAD, _D), jnp.float32),
        pltpu.SemaphoreType.DMA,
        pltpu.SemaphoreType.DMA,
    ],
)



def _agg_body(g_hbm, src_hbm, dst_hbm, zeros_hbm, out_hbm,
              sidx, didx, rows0, rows1, rows2, rows3,
              acc, semg0, semg1, semg2, semg3,
              sems0, sems1, sems2, sems3):
    c = lax.axis_index("c")
    s = lax.axis_index("s")
    rows = (rows0, rows1, rows2, rows3)
    semg = (semg0, semg1, semg2, semg3)
    sems = (sems0, sems1, sems2, sems3)
    pltpu.sync_copy(zeros_hbm.at[pl.ds(0, _SLAB)],
                    acc.at[pl.ds(s * _SLAB, _SLAB)])

    @pl.when(s == 0)
    def _():
        pltpu.sync_copy(zeros_hbm.at[pl.ds(0, _TAIL)],
                        acc.at[pl.ds(_SLAB * _NS, _TAIL)])

    plsc.subcore_barrier()

    base_chunk = jnp.where(c == _FAST, s * _CF, _NS * _CF + s * _CS)
    n_super = jnp.where(c == _FAST, _CF // _SG, _CS // _SG)

    def super_body(k, carry):
        cb = base_chunk + k * _SG
        pltpu.sync_copy(src_hbm.at[pl.ds(cb, _SG)], sidx)
        pltpu.sync_copy(dst_hbm.at[pl.ds(cb, _SG)], didx)

        def blk(j, carry2):
            for b in range(_PIPE):
                pltpu.async_copy(g_hbm.at[sidx.at[j * _PIPE + b]],
                                 rows[b], semg[b])
            for b in range(_PIPE):
                pltpu.make_async_copy(g_hbm.at[sidx.at[j * _PIPE + b]],
                                      rows[b], semg[b]).wait()
                pltpu.async_copy(rows[b], acc.at[didx.at[j * _PIPE + b]],
                                 sems[b], add=True)
            for b in range(_PIPE):
                pltpu.make_async_copy(rows[b], acc.at[didx.at[j * _PIPE + b]],
                                      sems[b]).wait()
            return carry2

        lax.fori_loop(0, _SG // _PIPE, blk, 0)
        return carry

    lax.fori_loop(0, n_super, super_body, 0)
    plsc.subcore_barrier()
    pltpu.sync_copy(acc.at[pl.ds(s * _SLAB, _SLAB)],
                    out_hbm.at[c, pl.ds(s * _SLAB, _SLAB)])

    @pl.when(s == 0)
    def _():
        pltpu.sync_copy(acc.at[pl.ds(_SLAB * _NS, _DTAIL)],
                        out_hbm.at[c, pl.ds(_SLAB * _NS, _DTAIL)])


_AGG_SCRATCH = (
    [
        pltpu.VMEM((_SG, _CH), jnp.int32),
        pltpu.VMEM((_SG, _CH), jnp.int32),
    ]
    + [pltpu.VMEM((_CH, _D), jnp.float32) for _ in range(_PIPE)]
    + [pltpu.VMEM_SHARED((_NPAD, _D), jnp.float32)]
    + [pltpu.SemaphoreType.DMA for _ in range(2 * _PIPE)]
)

_agg = pl.kernel(
    _agg_body,
    out_type=jax.ShapeDtypeStruct((_NC, _N, _D), jnp.float32),
    mesh=_mesh,
    scratch_types=_AGG_SCRATCH,
)



_BN = 1000


def _tc1_body(degp_ref, x_ref, w_ref, g_ref, dinv_ref):
    d = degp_ref[0][:, :1] + degp_ref[1][:, :1] + 1.0
    dinv = lax.rsqrt(jnp.maximum(d, 1e-12))
    h = jnp.dot(x_ref[...], w_ref[...], preferred_element_type=jnp.float32)
    g_ref[...] = dinv * h
    dinv_ref[...] = jnp.broadcast_to(dinv, dinv_ref.shape)


def _tc1(degp, x, w):
    return pl.pallas_call(
        _tc1_body,
        grid=(_N // _BN,),
        in_specs=[
            pl.BlockSpec((_NC, _BN, _D), lambda i: (0, i, 0)),
            pl.BlockSpec((_BN, _D), lambda i: (i, 0)),
            pl.BlockSpec((_D, _D), lambda i: (0, 0)),
        ],
        out_specs=[
            pl.BlockSpec((_BN, _D), lambda i: (i, 0)),
            pl.BlockSpec((_BN, 8), lambda i: (i, 0)),
        ],
        out_shape=[
            jax.ShapeDtypeStruct((_N, _D), jnp.float32),
            jax.ShapeDtypeStruct((_N, 8), jnp.float32),
        ],
    )(degp, x, w)


def _tc2_body(accp_ref, g1_ref, dinv_ref, b_ref, w_ref, g2_ref):
    sc = dinv_ref[:, :1]
    h = sc * (accp_ref[0] + accp_ref[1] + g1_ref[...]) + b_ref[...]
    h = jnp.maximum(h, 0.0)
    g2_ref[...] = sc * jnp.dot(h, w_ref[...],
                               preferred_element_type=jnp.float32)


def _tc2(accp, g1, dinv8, b, w):
    return pl.pallas_call(
        _tc2_body,
        grid=(_N // _BN,),
        in_specs=[
            pl.BlockSpec((_NC, _BN, _D), lambda i: (0, i, 0)),
            pl.BlockSpec((_BN, _D), lambda i: (i, 0)),
            pl.BlockSpec((_BN, 8), lambda i: (i, 0)),
            pl.BlockSpec((1, _D), lambda i: (0, 0)),
            pl.BlockSpec((_D, _D), lambda i: (0, 0)),
        ],
        out_specs=pl.BlockSpec((_BN, _D), lambda i: (i, 0)),
        out_shape=jax.ShapeDtypeStruct((_N, _D), jnp.float32),
    )(accp, g1, dinv8, b, w)


def _tc3_body(accp_ref, g2_ref, dinv_ref, b_ref, out_ref):
    sc = dinv_ref[:, :1]
    out_ref[...] = sc * (accp_ref[0] + accp_ref[1] + g2_ref[...]) + b_ref[...]


def _tc3(accp, g2, dinv8, b):
    return pl.pallas_call(
        _tc3_body,
        grid=(_N // _BN,),
        in_specs=[
            pl.BlockSpec((_NC, _BN, _D), lambda i: (0, i, 0)),
            pl.BlockSpec((_BN, _D), lambda i: (i, 0)),
            pl.BlockSpec((_BN, 8), lambda i: (i, 0)),
            pl.BlockSpec((1, _D), lambda i: (0, 0)),
        ],
        out_specs=pl.BlockSpec((_BN, _D), lambda i: (i, 0)),
        out_shape=jax.ShapeDtypeStruct((_N, _D), jnp.float32),
    )(accp, g2, dinv8, b)



def kernel(x, edge_index, W1, b1, W2, b2):
    src = edge_index[0]
    dst = edge_index[1]
    npad = _EPAD - _E
    src_pad = jnp.concatenate([src, jnp.zeros((npad,), jnp.int32)])
    dst_pad = jnp.concatenate([dst, jnp.full((npad,), _N, jnp.int32)])
    src64 = src_pad.reshape(_NCHA, _CH)
    dst64 = dst_pad.reshape(_NCHA, _CH)
    dst128 = dst_pad.reshape(_EPAD // _CHD, _CHD)
    zeros_d = jnp.zeros((_SLAB, _D), jnp.float32)
    ones_d = jnp.ones((_CHD, _D), jnp.float32)

    degp = _deg(dst128, ones_d, zeros_d)
    g1, dinv8 = _tc1(degp, x, W1)
    accp1 = _agg(g1, src64, dst64, zeros_d)
    g2 = _tc2(accp1, g1, dinv8, b1.reshape(1, _D), W2)
    accp2 = _agg(g2, src64, dst64, zeros_d)
    out = _tc3(accp2, g2, dinv8, b2.reshape(1, _D))
    return out

# --- scband reference (transcript-rebuilt; emitter-appended) ---
"""Pipeline reference for scband-gcnmodel-optimized-16999480557914 (READ-ONLY COPY).

The authoritative reference and input builder live on the scoring server;
editing this copy changes nothing except your own understanding.
"""

import jax, jax.numpy as jnp
import numpy as np

N = 10000
E = 320000
D = 128


def setup_inputs(seed: int = 0) -> dict:
    key = jax.random.key(seed)
    k1, k2, k3, k4, k5, k6 = jax.random.split(key, 6)
    x = jax.random.normal(k1, (N, D), dtype=jnp.float32)
    edge_index = jax.random.randint(k2, (2, E), 0, N, dtype=jnp.int32)
    W1 = jax.random.normal(k3, (D, D), dtype=jnp.float32) * 0.05
    b1 = jnp.zeros((D,), dtype=jnp.float32)
    W2 = jax.random.normal(k4, (D, D), dtype=jnp.float32) * 0.05
    b2 = jnp.zeros((D,), dtype=jnp.float32)
    return {"x": x, "edge_index": edge_index, "W1": W1, "b1": b1, "W2": W2, "b2": b2}


def _gcn_conv(x, src, dst, W, b):
    # GCNConv with self-loops and symmetric degree normalization (PyG default)
    loop = jnp.arange(N, dtype=src.dtype)
    src_sl = jnp.concatenate([src, loop])
    dst_sl = jnp.concatenate([dst, loop])
    deg = jax.ops.segment_sum(jnp.ones_like(dst_sl, dtype=x.dtype), dst_sl, num_segments=N)
    dinv = jax.lax.rsqrt(jnp.maximum(deg, 1e-12))
    norm = dinv[src_sl] * dinv[dst_sl]
    h = x @ W
    msg = h[src_sl] * norm[:, None]
    out = jax.ops.segment_sum(msg, dst_sl, num_segments=N)
    return out + b


def reference(x, edge_index, W1, b1, W2, b2):
    src, dst = edge_index[0], edge_index[1]
    h = jax.nn.relu(_gcn_conv(x, src, dst, W1, b1))
    out = _gcn_conv(h, src, dst, W2, b2)
    return out

if __name__ == "__main__":
    import jax
    _d = setup_inputs()
    print(jax.jit(kernel)(*tuple(_d.values())))

</pallas_src>

<mosaic_0001>
#map = affine_map<(d0, d1) -> (0, 0)>
#map1 = affine_map<(d0, d1) -> (0, 0, 0)>
module attributes {stable_mosaic.version = 14 : i64} {
  func.func @_agg_body(%arg0: i32, %arg1: i32, %arg2: memref<10000x128xf32, #tpu.memory_space<hbm>>, %arg3: memref<5120x64xi32, #tpu.memory_space<hbm>>, %arg4: memref<5120x64xi32, #tpu.memory_space<hbm>>, %arg5: memref<624x128xf32, #tpu.memory_space<hbm>>, %arg6: memref<2x10000x128xf32, #tpu.memory_space<hbm>>, %arg7: memref<32x64xi32, #tpu.memory_space<vmem>>, %arg8: memref<32x64xi32, #tpu.memory_space<vmem>>, %arg9: memref<64x128xf32, #tpu.memory_space<vmem>>, %arg10: memref<64x128xf32, #tpu.memory_space<vmem>>, %arg11: memref<64x128xf32, #tpu.memory_space<vmem>>, %arg12: memref<64x128xf32, #tpu.memory_space<vmem>>, %arg13: memref<10008x128xf32, #tpu.memory_space<vmem_shared>>, %arg14: memref<!tpu.dma_semaphore, #tpu.memory_space<semaphore_mem>>, %arg15: memref<!tpu.dma_semaphore, #tpu.memory_space<semaphore_mem>>, %arg16: memref<!tpu.dma_semaphore, #tpu.memory_space<semaphore_mem>>, %arg17: memref<!tpu.dma_semaphore, #tpu.memory_space<semaphore_mem>>, %arg18: memref<!tpu.dma_semaphore, #tpu.memory_space<semaphore_mem>>, %arg19: memref<!tpu.dma_semaphore, #tpu.memory_space<semaphore_mem>>, %arg20: memref<!tpu.dma_semaphore, #tpu.memory_space<semaphore_mem>>, %arg21: memref<!tpu.dma_semaphore, #tpu.memory_space<semaphore_mem>>) attributes {dimension_semantics = [#tpu.dimension_semantics<core_parallel>, #tpu.dimension_semantics<subcore_parallel>], iteration_bounds = array<i64: 2, 16>, scalar_prefetch = 0 : i64, scratch_operands = 15 : i64, tpu.core_type = #tpu.core_type<sc_vector_subcore>, window_params = [{transform_indices = #map}, {transform_indices = #map}, {transform_indices = #map}, {transform_indices = #map}, {transform_indices = #map1}]} {
    %mul3A = arith.constant 624 : i32
    %mul3A_0 = arith.muli %arg1, %mul3A : i32
    "tpu.region"() ({
      %run_scoped3A = tpu.sem_alloc : memref<!tpu.dma_semaphore, #tpu.memory_space<semaphore_mem>>
      %dma_start3A = arith.constant 0 : i32
      %dma_start3A_33 = tpu.memref_slice %arg13[%mul3A_0, %dma_start3A] : memref<10008x128xf32, #tpu.memory_space<vmem_shared>> -> memref<624x128xf32, #tpu.memory_space<vmem_shared>>
      %dma_start3A_34 = arith.constant 0 : i32
      %dma_start3A_35 = arith.constant 0 : i32
      %dma_start3A_36 = tpu.memref_slice %arg5[%dma_start3A_34, %dma_start3A_35] : memref<624x128xf32, #tpu.memory_space<hbm>> -> memref<624x128xf32, #tpu.memory_space<hbm>>
      tpu.enqueue_dma source(%dma_start3A_36 : memref<624x128xf32, #tpu.memory_space<hbm>>) target(%dma_start3A_33 : memref<624x128xf32, #tpu.memory_space<vmem_shared>>) target_semaphore(%run_scoped3A : memref<!tpu.dma_semaphore, #tpu.memory_space<semaphore_mem>>)
      %dma_wait3A = arith.constant 0 : i32
      %dma_wait3A_37 = tpu.memref_slice %arg13[%mul3A_0, %dma_wait3A] : memref<10008x128xf32, #tpu.memory_space<vmem_shared>> -> memref<624x128xf32, #tpu.memory_space<vmem_shared>>
      %dma_wait3A_38 = arith.constant 0 : i32
      %dma_wait3A_39 = arith.constant 0 : i32
      %dma_wait3A_40 = tpu.memref_slice %arg5[%dma_wait3A_38, %dma_wait3A_39] : memref<624x128xf32, #tpu.memory_space<hbm>> -> memref<624x128xf32, #tpu.memory_space<hbm>>
      tpu.wait_dma2 semaphore(%run_scoped3A : memref<!tpu.dma_semaphore, #tpu.memory_space<semaphore_mem>>) src(%dma_wait3A_40 : memref<624x128xf32, #tpu.memory_space<hbm>>) dst(%dma_wait3A_37 : memref<624x128xf32, #tpu.memory_space<vmem_shared>>)
      tpu.yield
    }) : () -> ()
    %eq3A = arith.constant 0 : i32
    %eq3A_1 = arith.cmpi eq, %arg1, %eq3A : i32
    %convert_element_type3A = arith.extui %eq3A_1 : i1 to i32
    %cond3A = arith.constant 0 : i32
    %cond3A_2 = arith.cmpi ne, %convert_element_type3A, %cond3A : i32
    scf.if %cond3A_2 {
      "tpu.region"() ({
        %run_scoped3A = tpu.sem_alloc : memref<!tpu.dma_semaphore, #tpu.memory_space<semaphore_mem>>
        %dma_start3A = arith.constant 9984 : i32
        %dma_start3A_33 = arith.constant 0 : i32
        %dma_start3A_34 = tpu.memref_slice %arg13[%dma_start3A, %dma_start3A_33] : memref<10008x128xf32, #tpu.memory_space<vmem_shared>> -> memref<24x128xf32, #tpu.memory_space<vmem_shared>>
        %dma_start3A_35 = arith.constant 0 : i32
        %dma_start3A_36 = arith.constant 0 : i32
        %dma_start3A_37 = tpu.memref_slice %arg5[%dma_start3A_35, %dma_start3A_36] : memref<624x128xf32, #tpu.memory_space<hbm>> -> memref<24x128xf32, #tpu.memory_space<hbm>>
        tpu.enqueue_dma source(%dma_start3A_37 : memref<24x128xf32, #tpu.memory_space<hbm>>) target(%dma_start3A_34 : memref<24x128xf32, #tpu.memory_space<vmem_shared>>) target_semaphore(%run_scoped3A : memref<!tpu.dma_semaphore, #tpu.memory_space<semaphore_mem>>)
        %dma_wait3A = arith.constant 9984 : i32
        %dma_wait3A_38 = arith.constant 0 : i32
        %dma_wait3A_39 = tpu.memref_slice %arg13[%dma_wait3A, %dma_wait3A_38] : memref<10008x128xf32, #tpu.memory_space<vmem_shared>> -> memref<24x128xf32, #tpu.memory_space<vmem_shared>>
        %dma_wait3A_40 = arith.constant 0 : i32
        %dma_wait3A_41 = arith.constant 0 : i32
        %dma_wait3A_42 = tpu.memref_slice %arg5[%dma_wait3A_40, %dma_wait3A_41] : memref<624x128xf32, #tpu.memory_space<hbm>> -> memref<24x128xf32, #tpu.memory_space<hbm>>
        tpu.wait_dma2 semaphore(%run_scoped3A : memref<!tpu.dma_semaphore, #tpu.memory_space<semaphore_mem>>) src(%dma_wait3A_42 : memref<24x128xf32, #tpu.memory_space<hbm>>) dst(%dma_wait3A_39 : memref<24x128xf32, #tpu.memory_space<vmem_shared>>)
        tpu.yield
      }) : () -> ()
    } else {
    }
    %barrier3A = arith.constant 0 : index
    tpu.barrier barrier_id(%barrier3A)
    %eq3A_3 = arith.constant 0 : i32
    %eq3A_4 = arith.cmpi eq, %arg0, %eq3A_3 : i32
    %mul3A_5 = arith.constant 256 : i32
    %mul3A_6 = arith.muli %arg1, %mul3A_5 : i32
    %mul3A_7 = arith.constant 64 : i32
    %mul3A_8 = arith.muli %arg1, %mul3A_7 : i32
    %add3A = arith.constant 4096 : i32
    %add3A_9 = arith.addi %add3A, %mul3A_8 : i32
    %select_n3A = arith.select %eq3A_4, %mul3A_6, %add3A_9 : i32
    %eq3A_10 = arith.constant 0 : i32
    %eq3A_11 = arith.cmpi eq, %arg0, %eq3A_10 : i32
    %jit3A = arith.constant 8 : i32
    %jit3A_12 = arith.constant 2 : i32
    %select_n3A_13 = arith.select %eq3A_11, %jit3A, %jit3A_12 : i32
    %while3A = arith.constant 0 : i32
    %while3A_14 = arith.constant 0 : i32
    %while3A_15 = arith.subi %select_n3A_13, %while3A_14 : i32
    %while3A_16 = arith.addi %while3A_14, %while3A_15 : i32
    %while3A_17 = arith.constant 1 : i32
    %while3A_18 = arith.divsi %while3A_15, %while3A_17 : i32
    %while3A_19 = arith.muli %while3A_18, %while3A_17 : i32
    %while3A_20 = arith.addi %while3A_14, %while3A_19 : i32
    %while3A_21 = arith.constant 1 : i32
    scf.for %while3A_33 = %while3A_14 to %while3A_20 step %while3A_21  : i32 {
      %mul3A_34 = arith.constant 32 : i32
      %mul3A_35 = arith.muli %while3A_33, %mul3A_34 : i32
      %add3A_36 = arith.addi %select_n3A, %mul3A_35 : i32
      "tpu.region"() ({
        %run_scoped3A = tpu.sem_alloc : memref<!tpu.dma_semaphore, #tpu.memory_space<semaphore_mem>>
        %dma_start3A = arith.constant 0 : i32
        %dma_start3A_42 = tpu.memref_slice %arg3[%add3A_36, %dma_start3A] : memref<5120x64xi32, #tpu.memory_space<hbm>> -> memref<32x64xi32, #tpu.memory_space<hbm>>
        %dma_start3A_43 = arith.constant 0 : i32
        %dma_start3A_44 = tpu.memref_slice %arg3[%add3A_36, %dma_start3A_43] : memref<5120x64xi32, #tpu.memory_space<hbm>> -> memref<32x64xi32, #tpu.memory_space<hbm>>
        tpu.enqueue_dma source(%dma_start3A_44 : memref<32x64xi32, #tpu.memory_space<hbm>>) target(%arg7 : memref<32x64xi32, #tpu.memory_space<vmem>>) target_semaphore(%run_scoped3A : memref<!tpu.dma_semaphore, #tpu.memory_space<semaphore_mem>>)
        %dma_wait3A = arith.constant 0 : i32
        %dma_wait3A_45 = tpu.memref_slice %arg3[%add3A_36, %dma_wait3A] : memref<5120x64xi32, #tpu.memory_space<hbm>> -> memref<32x64xi32, #tpu.memory_space<hbm>>
        %dma_wait3A_46 = arith.constant 0 : i32
        %dma_wait3A_47 = tpu.memref_slice %arg3[%add3A_36, %dma_wait3A_46] : memref<5120x64xi32, #tpu.memory_space<hbm>> -> memref<32x64xi32, #tpu.memory_space<hbm>>
        tpu.wait_dma2 semaphore(%run_scoped3A : memref<!tpu.dma_semaphore, #tpu.memory_space<semaphore_mem>>) src(%dma_wait3A_47 : memref<32x64xi32, #tpu.memory_space<hbm>>) dst(%arg7 : memref<32x64xi32, #tpu.memory_space<vmem>>)
        tpu.yield
      }) : () -> ()
      "tpu.region"() ({
        %run_scoped3A = tpu.sem_alloc : memref<!tpu.dma_semaphore, #tpu.memory_space<semaphore_mem>>
        %dma_start3A = arith.constant 0 : i32
        %dma_start3A_42 = tpu.memref_slice %arg4[%add3A_36, %dma_start3A] : memref<5120x64xi32, #tpu.memory_space<hbm>> -> memref<32x64xi32, #tpu.memory_space<hbm>>
        %dma_start3A_43 = arith.constant 0 : i32
        %dma_start3A_44 = tpu.memref_slice %arg4[%add3A_36, %dma_start3A_43] : memref<5120x64xi32, #tpu.memory_space<hbm>> -> memref<32x64xi32, #tpu.memory_space<hbm>>
        tpu.enqueue_dma source(%dma_start3A_44 : memref<32x64xi32, #tpu.memory_space<hbm>>) target(%arg8 : memref<32x64xi32, #tpu.memory_space<vmem>>) target_semaphore(%run_scoped3A : memref<!tpu.dma_semaphore, #tpu.memory_space<semaphore_mem>>)
        %dma_wait3A = arith.constant 0 : i32
        %dma_wait3A_45 = tpu.memref_slice %arg4[%add3A_36, %dma_wait3A] : memref<5120x64xi32, #tpu.memory_space<hbm>> -> memref<32x64xi32, #tpu.memory_space<hbm>>
        %dma_wait3A_46 = arith.constant 0 : i32
        %dma_wait3A_47 = tpu.memref_slice %arg4[%add3A_36, %dma_wait3A_46] : memref<5120x64xi32, #tpu.memory_space<hbm>> -> memref<32x64xi32, #tpu.memory_space<hbm>>
        tpu.wait_dma2 semaphore(%run_scoped3A : memref<!tpu.dma_semaphore, #tpu.memory_space<semaphore_mem>>) src(%dma_wait3A_47 : memref<32x64xi32, #tpu.memory_space<hbm>>) dst(%arg8 : memref<32x64xi32, #tpu.memory_space<vmem>>)
        tpu.yield
      }) : () -> ()
      %scan3A = arith.constant 0 : i32
      %scan3A_37 = arith.constant 0 : i32
      %scan3A_38 = arith.constant 8 : i32
      %scan3A_39 = arith.addi %scan3A_37, %scan3A_38 : i32
      %scan3A_40 = arith.constant 1 : i32
      scf.for %scan3A_42 = %scan3A_37 to %scan3A_39 step %scan3A_40  : i32 {
        %mul3A_43 = arith.constant 4 : i32
        %mul3A_44 = arith.muli %scan3A_42, %mul3A_43 : i32
        %add3A_45 = arith.constant 0 : i32
        %add3A_46 = arith.addi %mul3A_44, %add3A_45 : i32
        %dma_start3A = arith.constant 0 : i32
        %dma_start3A_47 = tpu.memref_slice %arg7[%add3A_46, %dma_start3A] : memref<32x64xi32, #tpu.memory_space<vmem>> -> memref<1x64xi32, #tpu.memory_space<vmem>>
        %dma_start3A_48 = tpu.memref_squeeze %dma_start3A_47 : memref<1x64xi32, #tpu.memory_space<vmem>> -> memref<64xi32, #tpu.memory_space<vmem>>
        %dma_start3A_49 = arith.constant 0 : i32
        %dma_start3A_50 = arith.constant 0 : i32
        %dma_start3A_51 = tpu.memref_slice %arg2[%dma_start3A_49, %dma_start3A_50] : memref<10000x128xf32, #tpu.memory_space<hbm>> -> memref<10000x128xf32, #tpu.memory_space<hbm>>
        tpu.enqueue_indirect_dma source(%dma_start3A_51 : memref<10000x128xf32, #tpu.memory_space<hbm>>) target(%arg9 : memref<64x128xf32, #tpu.memory_space<vmem>>) offsets(%dma_start3A_48 : memref<64xi32, #tpu.memory_space<vmem>>) semaphore(%arg14 : memref<!tpu.dma_semaphore, #tpu.memory_space<semaphore_mem>>)
        %mul3A_52 = arith.constant 4 : i32
        %mul3A_53 = arith.muli %scan3A_42, %mul3A_52 : i32
        %add3A_54 = arith.constant 1 : i32
        %add3A_55 = arith.addi %mul3A_53, %add3A_54 : i32
        %dma_start3A_56 = arith.constant 0 : i32
        %dma_start3A_57 = tpu.memref_slice %arg7[%add3A_55, %dma_start3A_56] : memref<32x64xi32, #tpu.memory_space<vmem>> -> memref<1x64xi32, #tpu.memory_space<vmem>>
        %dma_start3A_58 = tpu.memref_squeeze %dma_start3A_57 : memref<1x64xi32, #tpu.memory_space<vmem>> -> memref<64xi32, #tpu.memory_space<vmem>>
        %dma_start3A_59 = arith.constant 0 : i32
        %dma_start3A_60 = arith.constant 0 : i32
        %dma_start3A_61 = tpu.memref_slice %arg2[%dma_start3A_59, %dma_start3A_60] : memref<10000x128xf32, #tpu.memory_space<hbm>> -> memref<10000x128xf32, #tpu.memory_space<hbm>>
        tpu.enqueue_indirect_dma source(%dma_start3A_61 : memref<10000x128xf32, #tpu.memory_space<hbm>>) target(%arg10 : memref<64x128xf32, #tpu.memory_space<vmem>>) offsets(%dma_start3A_58 : memref<64xi32, #tpu.memory_space<vmem>>) semaphore(%arg15 : memref<!tpu.dma_semaphore, #tpu.memory_space<semaphore_mem>>)
        %mul3A_62 = arith.constant 4 : i32
        %mul3A_63 = arith.muli %scan3A_42, %mul3A_62 : i32
        %add3A_64 = arith.constant 2 : i32
        %add3A_65 = arith.addi %mul3A_63, %add3A_64 : i32
        %dma_start3A_66 = arith.constant 0 : i32
        %dma_start3A_67 = tpu.memref_slice %arg7[%add3A_65, %dma_start3A_66] : memref<32x64xi32, #tpu.memory_space<vmem>> -> memref<1x64xi32, #tpu.memory_space<vmem>>
        %dma_start3A_68 = tpu.memref_squeeze %dma_start3A_67 : memref<1x64xi32, #tpu.memory_space<vmem>> -> memref<64xi32, #tpu.memory_space<vmem>>
        %dma_start3A_69 = arith.constant 0 : i32
        %dma_start3A_70 = arith.constant 0 : i32
        %dma_start3A_71 = tpu.memref_slice %arg2[%dma_start3A_69, %dma_start3A_70] : memref<10000x128xf32, #tpu.memory_space<hbm>> -> memref<10000x128xf32, #tpu.memory_space<hbm>>
        tpu.enqueue_indirect_dma source(%dma_start3A_71 : memref<10000x128xf32, #tpu.memory_space<hbm>>) target(%arg11 : memref<64x128xf32, #tpu.memory_space<vmem>>) offsets(%dma_start3A_68 : memref<64xi32, #tpu.memory_space<vmem>>) semaphore(%arg16 : memref<!tpu.dma_semaphore, #tpu.memory_space<semaphore_mem>>)
        %mul3A_72 = arith.constant 4 : i32
        %mul3A_73 = arith.muli %scan3A_42, %mul3A_72 : i32
        %add3A_74 = arith.constant 3 : i32
        %add3A_75 = arith.addi %mul3A_73, %add3A_74 : i32
        %dma_start3A_76 = arith.constant 0 : i32
        %dma_start3A_77 = tpu.memref_slice %arg7[%add3A_75, %dma_start3A_76] : memref<32x64xi32, #tpu.memory_space<vmem>> -> memref<1x64xi32, #tpu.memory_space<vmem>>
        %dma_start3A_78 = tpu.memref_squeeze %dma_start3A_77 : memref<1x64xi32, #tpu.memory_space<vmem>> -> memref<64xi32, #tpu.memory_space<vmem>>
        %dma_start3A_79 = arith.constant 0 : i32
        %dma_start3A_80 = arith.constant 0 : i32
        %dma_start3A_81 = tpu.memref_slice %arg2[%dma_start3A_79, %dma_start3A_80] : memref<10000x128xf32, #tpu.memory_space<hbm>> -> memref<10000x128xf32, #tpu.memory_space<hbm>>
        tpu.enqueue_indirect_dma source(%dma_start3A_81 : memref<10000x128xf32, #tpu.memory_space<hbm>>) target(%arg12 : memref<64x128xf32, #tpu.memory_space<vmem>>) offsets(%dma_start3A_78 : memref<64xi32, #tpu.memory_space<vmem>>) semaphore(%arg17 : memref<!tpu.dma_semaphore, #tpu.memory_space<semaphore_mem>>)
        %mul3A_82 = arith.constant 4 : i32
        %mul3A_83 = arith.muli %scan3A_42, %mul3A_82 : i32
        %add3A_84 = arith.constant 0 : i32
        %add3A_85 = arith.addi %mul3A_83, %add3A_84 : i32
        %dma_wait3A = arith.constant 0 : i32
        %dma_wait3A_86 = tpu.memref_slice %arg7[%add3A_85, %dma_wait3A] : memref<32x64xi32, #tpu.memory_space<vmem>> -> memref<1x64xi32, #tpu.memory_space<vmem>>
        %dma_wait3A_87 = tpu.memref_squeeze %dma_wait3A_86 : memref<1x64xi32, #tpu.memory_space<vmem>> -> memref<64xi32, #tpu.memory_space<vmem>>
        %dma_wait3A_88 = arith.constant 0 : i32
        %dma_wait3A_89 = arith.constant 0 : i32
        %dma_wait3A_90 = tpu.memref_slice %arg2[%dma_wait3A_88, %dma_wait3A_89] : memref<10000x128xf32, #tpu.memory_space<hbm>> -> memref<10000x128xf32, #tpu.memory_space<hbm>>
        tpu.wait_indirect_dma semaphore(%arg14 : memref<!tpu.dma_semaphore, #tpu.memory_space<semaphore_mem>>) src(%dma_wait3A_90 : memref<10000x128xf32, #tpu.memory_space<hbm>>) dst(%arg9 : memref<64x128xf32, #tpu.memory_space<vmem>>)
        %mul3A_91 = arith.constant 4 : i32
        %mul3A_92 = arith.muli %scan3A_42, %mul3A_91 : i32
        %add3A_93 = arith.constant 0 : i32
        %add3A_94 = arith.addi %mul3A_92, %add3A_93 : i32
        %dma_start3A_95 = arith.constant 0 : i32
        %dma_start3A_96 = tpu.memref_slice %arg8[%add3A_94, %dma_start3A_95] : memref<32x64xi32, #tpu.memory_space<vmem>> -> memref<1x64xi32, #tpu.memory_space<vmem>>
        %dma_start3A_97 = tpu.memref_squeeze %dma_start3A_96 : memref<1x64xi32, #tpu.memory_space<vmem>> -> memref<64xi32, #tpu.memory_space<vmem>>
        %dma_start3A_98 = arith.constant 0 : i32
        %dma_start3A_99 = arith.constant 0 : i32
        %dma_start3A_100 = tpu.memref_slice %arg13[%dma_start3A_98, %dma_start3A_99] : memref<10008x128xf32, #tpu.memory_space<vmem_shared>> -> memref<10008x128xf32, #tpu.memory_space<vmem_shared>>
        tpu.enqueue_indirect_dma source(%arg9 : memref<64x128xf32, #tpu.memory_space<vmem>>) target(%dma_start3A_100 : memref<10008x128xf32, #tpu.memory_space<vmem_shared>>) offsets(%dma_start3A_97 : memref<64xi32, #tpu.memory_space<vmem>>) semaphore(%arg18 : memref<!tpu.dma_semaphore, #tpu.memory_space<semaphore_mem>>) {add = true}
        %mul3A_101 = arith.constant 4 : i32
        %mul3A_102 = arith.muli %scan3A_42, %mul3A_101 : i32
        %add3A_103 = arith.constant 1 : i32
        %add3A_104 = arith.addi %mul3A_102, %add3A_103 : i32
        %dma_wait3A_105 = arith.constant 0 : i32
        %dma_wait3A_106 = tpu.memref_slice %arg7[%add3A_104, %dma_wait3A_105] : memref<32x64xi32, #tpu.memory_space<vmem>> -> memref<1x64xi32, #tpu.memory_space<vmem>>
        %dma_wait3A_107 = tpu.memref_squeeze %dma_wait3A_106 : memref<1x64xi32, #tpu.memory_space<vmem>> -> memref<64xi32, #tpu.memory_space<vmem>>
        %dma_wait3A_108 = arith.constant 0 : i32
        %dma_wait3A_109 = arith.constant 0 : i32
        %dma_wait3A_110 = tpu.memref_slice %arg2[%dma_wait3A_108, %dma_wait3A_109] : memref<10000x128xf32, #tpu.memory_space<hbm>> -> memref<10000x128xf32, #tpu.memory_space<hbm>>
        tpu.wait_indirect_dma semaphore(%arg15 : memref<!tpu.dma_semaphore, #tpu.memory_space<semaphore_mem>>) src(%dma_wait3A_110 : memref<10000x128xf32, #tpu.memory_space<hbm>>) dst(%arg10 : memref<64x128xf32, #tpu.memory_space<vmem>>)
        %mul3A_111 = arith.constant 4 : i32
        %mul3A_112 = arith.muli %scan3A_42, %mul3A_111 : i32
        %add3A_113 = arith.constant 1 : i32
        %add3A_114 = arith.addi %mul3A_112, %add3A_113 : i32
        %dma_start3A_115 = arith.constant 0 : i32
        %dma_start3A_116 = tpu.memref_slice %arg8[%add3A_114, %dma_start3A_115] : memref<32x64xi32, #tpu.memory_space<vmem>> -> memref<1x64xi32, #tpu.memory_space<vmem>>
        %dma_start3A_117 = tpu.memref_squeeze %dma_start3A_116 : memref<1x64xi32, #tpu.memory_space<vmem>> -> memref<64xi32, #tpu.memory_space<vmem>>
        %dma_start3A_118 = arith.constant 0 : i32
        %dma_start3A_119 = arith.constant 0 : i32
        %dma_start3A_120 = tpu.memref_slice %arg13[%dma_start3A_118, %dma_start3A_119] : memref<10008x128xf32, #tpu.memory_space<vmem_shared>> -> memref<10008x128xf32, #tpu.memory_space<vmem_shared>>
        tpu.enqueue_indirect_dma source(%arg10 : memref<64x128xf32, #tpu.memory_space<vmem>>) target(%dma_start3A_120 : memref<10008x128xf32, #tpu.memory_space<vmem_shared>>) offsets(%dma_start3A_117 : memref<64xi32, #tpu.memory_space<vmem>>) semaphore(%arg19 : memref<!tpu.dma_semaphore, #tpu.memory_space<semaphore_mem>>) {add = true}
        %mul3A_121 = arith.constant 4 : i32
        %mul3A_122 = arith.muli %scan3A_42, %mul3A_121 : i32
        %add3A_123 = arith.constant 2 : i32
        %add3A_124 = arith.addi %mul3A_122, %add3A_123 : i32
        %dma_wait3A_125 = arith.constant 0 : i32
        %dma_wait3A_126 = tpu.memref_slice %arg7[%add3A_124, %dma_wait3A_125] : memref<32x64xi32, #tpu.memory_space<vmem>> -> memref<1x64xi32, #tpu.memory_space<vmem>>
        %dma_wait3A_127 = tpu.memref_squeeze %dma_wait3A_126 : memref<1x64xi32, #tpu.memory_space<vmem>> -> memref<64xi32, #tpu.memory_space<vmem>>
        %dma_wait3A_128 = arith.constant 0 : i32
        %dma_wait3A_129 = arith.constant 0 : i32
        %dma_wait3A_130 = tpu.memref_slice %arg2[%dma_wait3A_128, %dma_wait3A_129] : memref<10000x128xf32, #tpu.memory_space<hbm>> -> memref<10000x128xf32, #tpu.memory_space<hbm>>
        tpu.wait_indirect_dma semaphore(%arg16 : memref<!tpu.dma_semaphore, #tpu.memory_space<semaphore_mem>>) src(%dma_wait3A_130 : memref<10000x128xf32, #tpu.memory_space<hbm>>) dst(%arg11 : memref<64x128xf32, #tpu.memory_space<vmem>>)
        %mul3A_131 = arith.constant 4 : i32
        %mul3A_132 = arith.muli %scan3A_42, %mul3A_131 : i32
        %add3A_133 = arith.constant 2 : i32
        %add3A_134 = arith.addi %mul3A_132, %add3A_133 : i32
        %dma_start3A_135 = arith.constant 0 : i32
        %dma_start3A_136 = tpu.memref_slice %arg8[%add3A_134, %dma_start3A_135] : memref<32x64xi32, #tpu.memory_space<vmem>> -> memref<1x64xi32, #tpu.memory_space<vmem>>
        %dma_start3A_137 = tpu.memref_squeeze %dma_start3A_136 : memref<1x64xi32, #tpu.memory_space<vmem>> -> memref<64xi32, #tpu.memory_space<vmem>>
        %dma_start3A_138 = arith.constant 0 : i32
        %dma_start3A_139 = arith.constant 0 : i32
        %dma_start3A_140 = tpu.memref_slice %arg13[%dma_start3A_138, %dma_start3A_139] : memref<10008x128xf32, #tpu.memory_space<vmem_shared>> -> memref<10008x128xf32, #tpu.memory_space<vmem_shared>>
        tpu.enqueue_indirect_dma source(%arg11 : memref<64x128xf32, #tpu.memory_space<vmem>>) target(%dma_start3A_140 : memref<10008x128xf32, #tpu.memory_space<vmem_shared>>) offsets(%dma_start3A_137 : memref<64xi32, #tpu.memory_space<vmem>>) semaphore(%arg20 : memref<!tpu.dma_semaphore, #tpu.memory_space<semaphore_mem>>) {add = true}
        %mul3A_141 = arith.constant 4 : i32
        %mul3A_142 = arith.muli %scan3A_42, %mul3A_141 : i32
        %add3A_143 = arith.constant 3 : i32
        %add3A_144 = arith.addi %mul3A_142, %add3A_143 : i32
        %dma_wait3A_145 = arith.constant 0 : i32
        %dma_wait3A_146 = tpu.memref_slice %arg7[%add3A_144, %dma_wait3A_145] : memref<32x64xi32, #tpu.memory_space<vmem>> -> memref<1x64xi32, #tpu.memory_space<vmem>>
        %dma_wait3A_147 = tpu.memref_squeeze %dma_wait3A_146 : memref<1x64xi32, #tpu.memory_space<vmem>> -> memref<64xi32, #tpu.memory_space<vmem>>
        %dma_wait3A_148 = arith.constant 0 : i32
        %dma_wait3A_149 = arith.constant 0 : i32
        %dma_wait3A_150 = tpu.memref_slice %arg2[%dma_wait3A_148, %dma_wait3A_149] : memref<10000x128xf32, #tpu.memory_space<hbm>> -> memref<10000x128xf32, #tpu.memory_space<hbm>>
        tpu.wait_indirect_dma semaphore(%arg17 : memref<!tpu.dma_semaphore, #tpu.memory_space<semaphore_mem>>) src(%dma_wait3A_150 : memref<10000x128xf32, #tpu.memory_space<hbm>>) dst(%arg12 : memref<64x128xf32, #tpu.memory_space<vmem>>)
        %mul3A_151 = arith.constant 4 : i32
        %mul3A_152 = arith.muli %scan3A_42, %mul3A_151 : i32
        %add3A_153 = arith.constant 3 : i32
        %add3A_154 = arith.addi %mul3A_152, %add3A_153 : i32
        %dma_start3A_155 = arith.constant 0 : i32
        %dma_start3A_156 = tpu.memref_slice %arg8[%add3A_154, %dma_start3A_155] : memref<32x64xi32, #tpu.memory_space<vmem>> -> memref<1x64xi32, #tpu.memory_space<vmem>>
        %dma_start3A_157 = tpu.memref_squeeze %dma_start3A_156 : memref<1x64xi32, #tpu.memory_space<vmem>> -> memref<64xi32, #tpu.memory_space<vmem>>
        %dma_start3A_158 = arith.constant 0 : i32
        %dma_start3A_159 = arith.constant 0 : i32
        %dma_start3A_160 = tpu.memref_slice %arg13[%dma_start3A_158, %dma_start3A_159] : memref<10008x128xf32, #tpu.memory_space<vmem_shared>> -> memref<10008x128xf32, #tpu.memory_space<vmem_shared>>
        tpu.enqueue_indirect_dma source(%arg12 : memref<64x128xf32, #tpu.memory_space<vmem>>) target(%dma_start3A_160 : memref<10008x128xf32, #tpu.memory_space<vmem_shared>>) offsets(%dma_start3A_157 : memref<64xi32, #tpu.memory_space<vmem>>) semaphore(%arg21 : memref<!tpu.dma_semaphore, #tpu.memory_space<semaphore_mem>>) {add = true}
        %mul3A_161 = arith.constant 4 : i32
        %mul3A_162 = arith.muli %scan3A_42, %mul3A_161 : i32
        %add3A_163 = arith.constant 0 : i32
        %add3A_164 = arith.addi %mul3A_162, %add3A_163 : i32
        %dma_wait3A_165 = arith.constant 0 : i32
        %dma_wait3A_166 = tpu.memref_slice %arg8[%add3A_164, %dma_wait3A_165] : memref<32x64xi32, #tpu.memory_space<vmem>> -> memref<1x64xi32, #tpu.memory_space<vmem>>
        %dma_wait3A_167 = tpu.memref_squeeze %dma_wait3A_166 : memref<1x64xi32, #tpu.memory_space<vmem>> -> memref<64xi32, #tpu.memory_space<vmem>>
        %dma_wait3A_168 = arith.constant 0 : i32
        %dma_wait3A_169 = arith.constant 0 : i32
        %dma_wait3A_170 = tpu.memref_slice %arg13[%dma_wait3A_168, %dma_wait3A_169] : memref<10008x128xf32, #tpu.memory_space<vmem_shared>> -> memref<10008x128xf32, #tpu.memory_space<vmem_shared>>
        tpu.wait_indirect_dma semaphore(%arg18 : memref<!tpu.dma_semaphore, #tpu.memory_space<semaphore_mem>>) src(%arg9 : memref<64x128xf32, #tpu.memory_space<vmem>>) dst(%dma_wait3A_170 : memref<10008x128xf32, #tpu.memory_space<vmem_shared>>)
        %mul3A_171 = arith.constant 4 : i32
        %mul3A_172 = arith.muli %scan3A_42, %mul3A_171 : i32
        %add3A_173 = arith.constant 1 : i32
        %add3A_174 = arith.addi %mul3A_172, %add3A_173 : i32
        %dma_wait3A_175 = arith.constant 0 : i32
        %dma_wait3A_176 = tpu.memref_slice %arg8[%add3A_174, %dma_wait3A_175] : memref<32x64xi32, #tpu.memory_space<vmem>> -> memref<1x64xi32, #tpu.memory_space<vmem>>
        %dma_wait3A_177 = tpu.memref_squeeze %dma_wait3A_176 : memref<1x64xi32, #tpu.memory_space<vmem>> -> memref<64xi32, #tpu.memory_space<vmem>>
        %dma_wait3A_178 = arith.constant 0 : i32
        %dma_wait3A_179 = arith.constant 0 : i32
        %dma_wait3A_180 = tpu.memref_slice %arg13[%dma_wait3A_178, %dma_wait3A_179] : memref<10008x128xf32, #tpu.memory_space<vmem_shared>> -> memref<10008x128xf32, #tpu.memory_space<vmem_shared>>
        tpu.wait_indirect_dma semaphore(%arg19 : memref<!tpu.dma_semaphore, #tpu.memory_space<semaphore_mem>>) src(%arg10 : memref<64x128xf32, #tpu.memory_space<vmem>>) dst(%dma_wait3A_180 : memref<10008x128xf32, #tpu.memory_space<vmem_shared>>)
        %mul3A_181 = arith.constant 4 : i32
        %mul3A_182 = arith.muli %scan3A_42, %mul3A_181 : i32
        %add3A_183 = arith.constant 2 : i32
        %add3A_184 = arith.addi %mul3A_182, %add3A_183 : i32
        %dma_wait3A_185 = arith.constant 0 : i32
        %dma_wait3A_186 = tpu.memref_slice %arg8[%add3A_184, %dma_wait3A_185] : memref<32x64xi32, #tpu.memory_space<vmem>> -> memref<1x64xi32, #tpu.memory_space<vmem>>
        %dma_wait3A_187 = tpu.memref_squeeze %dma_wait3A_186 : memref<1x64xi32, #tpu.memory_space<vmem>> -> memref<64xi32, #tpu.memory_space<vmem>>
        %dma_wait3A_188 = arith.constant 0 : i32
        %dma_wait3A_189 = arith.constant 0 : i32
        %dma_wait3A_190 = tpu.memref_slice %arg13[%dma_wait3A_188, %dma_wait3A_189] : memref<10008x128xf32, #tpu.memory_space<vmem_shared>> -> memref<10008x128xf32, #tpu.memory_space<vmem_shared>>
        tpu.wait_indirect_dma semaphore(%arg20 : memref<!tpu.dma_semaphore, #tpu.memory_space<semaphore_mem>>) src(%arg11 : memref<64x128xf32, #tpu.memory_space<vmem>>) dst(%dma_wait3A_190 : memref<10008x128xf32, #tpu.memory_space<vmem_shared>>)
        %mul3A_191 = arith.constant 4 : i32
        %mul3A_192 = arith.muli %scan3A_42, %mul3A_191 : i32
        %add3A_193 = arith.constant 3 : i32
        %add3A_194 = arith.addi %mul3A_192, %add3A_193 : i32
        %dma_wait3A_195 = arith.constant 0 : i32
        %dma_wait3A_196 = tpu.memref_slice %arg8[%add3A_194, %dma_wait3A_195] : memref<32x64xi32, #tpu.memory_space<vmem>> -> memref<1x64xi32, #tpu.memory_space<vmem>>
        %dma_wait3A_197 = tpu.memref_squeeze %dma_wait3A_196 : memref<1x64xi32, #tpu.memory_space<vmem>> -> memref<64xi32, #tpu.memory_space<vmem>>
        %dma_wait3A_198 = arith.constant 0 : i32
        %dma_wait3A_199 = arith.constant 0 : i32
        %dma_wait3A_200 = tpu.memref_slice %arg13[%dma_wait3A_198, %dma_wait3A_199] : memref<10008x128xf32, #tpu.memory_space<vmem_shared>> -> memref<10008x128xf32, #tpu.memory_space<vmem_shared>>
        tpu.wait_indirect_dma semaphore(%arg21 : memref<!tpu.dma_semaphore, #tpu.memory_space<semaphore_mem>>) src(%arg12 : memref<64x128xf32, #tpu.memory_space<vmem>>) dst(%dma_wait3A_200 : memref<10008x128xf32, #tpu.memory_space<vmem_shared>>)
      }
      %scan3A_41 = arith.constant 8 : i32
    }
    %while3A_22 = arith.constant 1 : i32
    scf.for %while3A_33 = %while3A_20 to %while3A_16 step %while3A_22  : i32 {
      %mul3A_34 = arith.constant 32 : i32
      %mul3A_35 = arith.muli %while3A_33, %mul3A_34 : i32
      %add3A_36 = arith.addi %select_n3A, %mul3A_35 : i32
      "tpu.region"() ({
        %run_scoped3A = tpu.sem_alloc : memref<!tpu.dma_semaphore, #tpu.memory_space<semaphore_mem>>
        %dma_start3A = arith.constant 0 : i32
        %dma_start3A_42 = tpu.memref_slice %arg3[%add3A_36, %dma_start3A] : memref<5120x64xi32, #tpu.memory_space<hbm>> -> memref<32x64xi32, #tpu.memory_space<hbm>>
        %dma_start3A_43 = arith.constant 0 : i32
        %dma_start3A_44 = tpu.memref_slice %arg3[%add3A_36, %dma_start3A_43] : memref<5120x64xi32, #tpu.memory_space<hbm>> -> memref<32x64xi32, #tpu.memory_space<hbm>>
        tpu.enqueue_dma source(%dma_start3A_44 : memref<32x64xi32, #tpu.memory_space<hbm>>) target(%arg7 : memref<32x64xi32, #tpu.memory_space<vmem>>) target_semaphore(%run_scoped3A : memref<!tpu.dma_semaphore, #tpu.memory_space<semaphore_mem>>)
        %dma_wait3A = arith.constant 0 : i32
        %dma_wait3A_45 = tpu.memref_slice %arg3[%add3A_36, %dma_wait3A] : memref<5120x64xi32, #tpu.memory_space<hbm>> -> memref<32x64xi32, #tpu.memory_space<hbm>>
        %dma_wait3A_46 = arith.constant 0 : i32
        %dma_wait3A_47 = tpu.memref_slice %arg3[%add3A_36, %dma_wait3A_46] : memref<5120x64xi32, #tpu.memory_space<hbm>> -> memref<32x64xi32, #tpu.memory_space<hbm>>
        tpu.wait_dma2 semaphore(%run_scoped3A : memref<!tpu.dma_semaphore, #tpu.memory_space<semaphore_mem>>) src(%dma_wait3A_47 : memref<32x64xi32, #tpu.memory_space<hbm>>) dst(%arg7 : memref<32x64xi32, #tpu.memory_space<vmem>>)
        tpu.yield
      }) : () -> ()
      "tpu.region"() ({
        %run_scoped3A = tpu.sem_alloc : memref<!tpu.dma_semaphore, #tpu.memory_space<semaphore_mem>>
        %dma_start3A = arith.constant 0 : i32
        %dma_start3A_42 = tpu.memref_slice %arg4[%add3A_36, %dma_start3A] : memref<5120x64xi32, #tpu.memory_space<hbm>> -> memref<32x64xi32, #tpu.memory_space<hbm>>
        %dma_start3A_43 = arith.constant 0 : i32
        %dma_start3A_44 = tpu.memref_slice %arg4[%add3A_36, %dma_start3A_43] : memref<5120x64xi32, #tpu.memory_space<hbm>> -> memref<32x64xi32, #tpu.memory_space<hbm>>
        tpu.enqueue_dma source(%dma_start3A_44 : memref<32x64xi32, #tpu.memory_space<hbm>>) target(%arg8 : memref<32x64xi32, #tpu.memory_space<vmem>>) target_semaphore(%run_scoped3A : memref<!tpu.dma_semaphore, #tpu.memory_space<semaphore_mem>>)
        %dma_wait3A = arith.constant 0 : i32
        %dma_wait3A_45 = tpu.memref_slice %arg4[%add3A_36, %dma_wait3A] : memref<5120x64xi32, #tpu.memory_space<hbm>> -> memref<32x64xi32, #tpu.memory_space<hbm>>
        %dma_wait3A_46 = arith.constant 0 : i32
        %dma_wait3A_47 = tpu.memref_slice %arg4[%add3A_36, %dma_wait3A_46] : memref<5120x64xi32, #tpu.memory_space<hbm>> -> memref<32x64xi32, #tpu.memory_space<hbm>>
        tpu.wait_dma2 semaphore(%run_scoped3A : memref<!tpu.dma_semaphore, #tpu.memory_space<semaphore_mem>>) src(%dma_wait3A_47 : memref<32x64xi32, #tpu.memory_space<hbm>>) dst(%arg8 : memref<32x64xi32, #tpu.memory_space<vmem>>)
        tpu.yield
      }) : () -> ()
      %scan3A = arith.constant 0 : i32
      %scan3A_37 = arith.constant 0 : i32
      %scan3A_38 = arith.constant 8 : i32
      %scan3A_39 = arith.addi %scan3A_37, %scan3A_38 : i32
      %scan3A_40 = arith.constant 1 : i32
      scf.for %scan3A_42 = %scan3A_37 to %scan3A_39 step %scan3A_40  : i32 {
        %mul3A_43 = arith.constant 4 : i32
        %mul3A_44 = arith.muli %scan3A_42, %mul3A_43 : i32
        %add3A_45 = arith.constant 0 : i32
        %add3A_46 = arith.addi %mul3A_44, %add3A_45 : i32
        %dma_start3A = arith.constant 0 : i32
        %dma_start3A_47 = tpu.memref_slice %arg7[%add3A_46, %dma_start3A] : memref<32x64xi32, #tpu.memory_space<vmem>> -> memref<1x64xi32, #tpu.memory_space<vmem>>
        %dma_start3A_48 = tpu.memref_squeeze %dma_start3A_47 : memref<1x64xi32, #tpu.memory_space<vmem>> -> memref<64xi32, #tpu.memory_space<vmem>>
        %dma_start3A_49 = arith.constant 0 : i32
        %dma_start3A_50 = arith.constant 0 : i32
        %dma_start3A_51 = tpu.memref_slice %arg2[%dma_start3A_49, %dma_start3A_50] : memref<10000x128xf32, #tpu.memory_space<hbm>> -> memref<10000x128xf32, #tpu.memory_space<hbm>>
        tpu.enqueue_indirect_dma source(%dma_start3A_51 : memref<10000x128xf32, #tpu.memory_space<hbm>>) target(%arg9 : memref<64x128xf32, #tpu.memory_space<vmem>>) offsets(%dma_start3A_48 : memref<64xi32, #tpu.memory_space<vmem>>) semaphore(%arg14 : memref<!tpu.dma_semaphore, #tpu.memory_space<semaphore_mem>>)
        %mul3A_52 = arith.constant 4 : i32
        %mul3A_53 = arith.muli %scan3A_42, %mul3A_52 : i32
        %add3A_54 = arith.constant 1 : i32
        %add3A_55 = arith.addi %mul3A_53, %add3A_54 : i32
        %dma_start3A_56 = arith.constant 0 : i32
        %dma_start3A_57 = tpu.memref_slice %arg7[%add3A_55, %dma_start3A_56] : memref<32x64xi32, #tpu.memory_space<vmem>> -> memref<1x64xi32, #tpu.memory_space<vmem>>
        %dma_start3A_58 = tpu.memref_squeeze %dma_start3A_57 : memref<1x64xi32, #tpu.memory_space<vmem>> -> memref<64xi32, #tpu.memory_space<vmem>>
        %dma_start3A_59 = arith.constant 0 : i32
        %dma_start3A_60 = arith.constant 0 : i32
        %dma_start3A_61 = tpu.memref_slice %arg2[%dma_start3A_59, %dma_start3A_60] : memref<10000x128xf32, #tpu.memory_space<hbm>> -> memref<10000x128xf32, #tpu.memory_space<hbm>>
        tpu.enqueue_indirect_dma source(%dma_start3A_61 : memref<10000x128xf32, #tpu.memory_space<hbm>>) target(%arg10 : memref<64x128xf32, #tpu.memory_space<vmem>>) offsets(%dma_start3A_58 : memref<64xi32, #tpu.memory_space<vmem>>) semaphore(%arg15 : memref<!tpu.dma_semaphore, #tpu.memory_space<semaphore_mem>>)
        %mul3A_62 = arith.constant 4 : i32
        %mul3A_63 = arith.muli %scan3A_42, %mul3A_62 : i32
        %add3A_64 = arith.constant 2 : i32
        %add3A_65 = arith.addi %mul3A_63, %add3A_64 : i32
        %dma_start3A_66 = arith.constant 0 : i32
        %dma_start3A_67 = tpu.memref_slice %arg7[%add3A_65, %dma_start3A_66] : memref<32x64xi32, #tpu.memory_space<vmem>> -> memref<1x64xi32, #tpu.memory_space<vmem>>
        %dma_start3A_68 = tpu.memref_squeeze %dma_start3A_67 : memref<1x64xi32, #tpu.memory_space<vmem>> -> memref<64xi32, #tpu.memory_space<vmem>>
        %dma_start3A_69 = arith.constant 0 : i32
        %dma_start3A_70 = arith.constant 0 : i32
        %dma_start3A_71 = tpu.memref_slice %arg2[%dma_start3A_69, %dma_start3A_70] : memref<10000x128xf32, #tpu.memory_space<hbm>> -> memref<10000x128xf32, #tpu.memory_space<hbm>>
        tpu.enqueue_indirect_dma source(%dma_start3A_71 : memref<10000x128xf32, #tpu.memory_space<hbm>>) target(%arg11 : memref<64x128xf32, #tpu.memory_space<vmem>>) offsets(%dma_start3A_68 : memref<64xi32, #tpu.memory_space<vmem>>) semaphore(%arg16 : memref<!tpu.dma_semaphore, #tpu.memory_space<semaphore_mem>>)
        %mul3A_72 = arith.constant 4 : i32
        %mul3A_73 = arith.muli %scan3A_42, %mul3A_72 : i32
        %add3A_74 = arith.constant 3 : i32
        %add3A_75 = arith.addi %mul3A_73, %add3A_74 : i32
        %dma_start3A_76 = arith.constant 0 : i32
        %dma_start3A_77 = tpu.memref_slice %arg7[%add3A_75, %dma_start3A_76] : memref<32x64xi32, #tpu.memory_space<vmem>> -> memref<1x64xi32, #tpu.memory_space<vmem>>
        %dma_start3A_78 = tpu.memref_squeeze %dma_start3A_77 : memref<1x64xi32, #tpu.memory_space<vmem>> -> memref<64xi32, #tpu.memory_space<vmem>>
        %dma_start3A_79 = arith.constant 0 : i32
        %dma_start3A_80 = arith.constant 0 : i32
        %dma_start3A_81 = tpu.memref_slice %arg2[%dma_start3A_79, %dma_start3A_80] : memref<10000x128xf32, #tpu.memory_space<hbm>> -> memref<10000x128xf32, #tpu.memory_space<hbm>>
        tpu.enqueue_indirect_dma source(%dma_start3A_81 : memref<10000x128xf32, #tpu.memory_space<hbm>>) target(%arg12 : memref<64x128xf32, #tpu.memory_space<vmem>>) offsets(%dma_start3A_78 : memref<64xi32, #tpu.memory_space<vmem>>) semaphore(%arg17 : memref<!tpu.dma_semaphore, #tpu.memory_space<semaphore_mem>>)
        %mul3A_82 = arith.constant 4 : i32
        %mul3A_83 = arith.muli %scan3A_42, %mul3A_82 : i32
        %add3A_84 = arith.constant 0 : i32
        %add3A_85 = arith.addi %mul3A_83, %add3A_84 : i32
        %dma_wait3A = arith.constant 0 : i32
        %dma_wait3A_86 = tpu.memref_slice %arg7[%add3A_85, %dma_wait3A] : memref<32x64xi32, #tpu.memory_space<vmem>> -> memref<1x64xi32, #tpu.memory_space<vmem>>
        %dma_wait3A_87 = tpu.memref_squeeze %dma_wait3A_86 : memref<1x64xi32, #tpu.memory_space<vmem>> -> memref<64xi32, #tpu.memory_space<vmem>>
        %dma_wait3A_88 = arith.constant 0 : i32
        %dma_wait3A_89 = arith.constant 0 : i32
        %dma_wait3A_90 = tpu.memref_slice %arg2[%dma_wait3A_88, %dma_wait3A_89] : memref<10000x128xf32, #tpu.memory_space<hbm>> -> memref<10000x128xf32, #tpu.memory_space<hbm>>
        tpu.wait_indirect_dma semaphore(%arg14 : memref<!tpu.dma_semaphore, #tpu.memory_space<semaphore_mem>>) src(%dma_wait3A_90 : memref<10000x128xf32, #tpu.memory_space<hbm>>) dst(%arg9 : memref<64x128xf32, #tpu.memory_space<vmem>>)
        %mul3A_91 = arith.constant 4 : i32
        %mul3A_92 = arith.muli %scan3A_42, %mul3A_91 : i32
        %add3A_93 = arith.constant 0 : i32
        %add3A_94 = arith.addi %mul3A_92, %add3A_93 : i32
        %dma_start3A_95 = arith.constant 0 : i32
        %dma_start3A_96 = tpu.memref_slice %arg8[%add3A_94, %dma_start3A_95] : memref<32x64xi32, #tpu.memory_space<vmem>> -> memref<1x64xi32, #tpu.memory_space<vmem>>
        %dma_start3A_97 = tpu.memref_squeeze %dma_start3A_96 : memref<1x64xi32, #tpu.memory_space<vmem>> -> memref<64xi32, #tpu.memory_space<vmem>>
        %dma_start3A_98 = arith.constant 0 : i32
        %dma_start3A_99 = arith.constant 0 : i32
        %dma_start3A_100 = tpu.memref_slice %arg13[%dma_start3A_98, %dma_start3A_99] : memref<10008x128xf32, #tpu.memory_space<vmem_shared>> -> memref<10008x128xf32, #tpu.memory_space<vmem_shared>>
        tpu.enqueue_indirect_dma source(%arg9 : memref<64x128xf32, #tpu.memory_space<vmem>>) target(%dma_start3A_100 : memref<10008x128xf32, #tpu.memory_space<vmem_shared>>) offsets(%dma_start3A_97 : memref<64xi32, #tpu.memory_space<vmem>>) semaphore(%arg18 : memref<!tpu.dma_semaphore, #tpu.memory_space<semaphore_mem>>) {add = true}
        %mul3A_101 = arith.constant 4 : i32
        %mul3A_102 = arith.muli %scan3A_42, %mul3A_101 : i32
        %add3A_103 = arith.constant 1 : i32
        %add3A_104 = arith.addi %mul3A_102, %add3A_103 : i32
        %dma_wait3A_105 = arith.constant 0 : i32
        %dma_wait3A_106 = tpu.memref_slice %arg7[%add3A_104, %dma_wait3A_105] : memref<32x64xi32, #tpu.memory_space<vmem>> -> memref<1x64xi32, #tpu.memory_space<vmem>>
        %dma_wait3A_107 = tpu.memref_squeeze %dma_wait3A_106 : memref<1x64xi32, #tpu.memory_space<vmem>> -> memref<64xi32, #tpu.memory_space<vmem>>
        %dma_wait3A_108 = arith.constant 0 : i32
        %dma_wait3A_109 = arith.constant 0 : i32
        %dma_wait3A_110 = tpu.memref_slice %arg2[%dma_wait3A_108, %dma_wait3A_109] : memref<10000x128xf32, #tpu.memory_space<hbm>> -> memref<10000x128xf32, #tpu.memory_space<hbm>>
        tpu.wait_indirect_dma semaphore(%arg15 : memref<!tpu.dma_semaphore, #tpu.memory_space<semaphore_mem>>) src(%dma_wait3A_110 : memref<10000x128xf32, #tpu.memory_space<hbm>>) dst(%arg10 : memref<64x128xf32, #tpu.memory_space<vmem>>)
        %mul3A_111 = arith.constant 4 : i32
        %mul3A_112 = arith.muli %scan3A_42, %mul3A_111 : i32
        %add3A_113 = arith.constant 1 : i32
        %add3A_114 = arith.addi %mul3A_112, %add3A_113 : i32
        %dma_start3A_115 = arith.constant 0 : i32
        %dma_start3A_116 = tpu.memref_slice %arg8[%add3A_114, %dma_start3A_115] : memref<32x64xi32, #tpu.memory_space<vmem>> -> memref<1x64xi32, #tpu.memory_space<vmem>>
        %dma_start3A_117 = tpu.memref_squeeze %dma_start3A_116 : memref<1x64xi32, #tpu.memory_space<vmem>> -> memref<64xi32, #tpu.memory_space<vmem>>
        %dma_start3A_118 = arith.constant 0 : i32
        %dma_start3A_119 = arith.constant 0 : i32
        %dma_start3A_120 = tpu.memref_slice %arg13[%dma_start3A_118, %dma_start3A_119] : memref<10008x128xf32, #tpu.memory_space<vmem_shared>> -> memref<10008x128xf32, #tpu.memory_space<vmem_shared>>
        tpu.enqueue_indirect_dma source(%arg10 : memref<64x128xf32, #tpu.memory_space<vmem>>) target(%dma_start3A_120 : memref<10008x128xf32, #tpu.memory_space<vmem_shared>>) offsets(%dma_start3A_117 : memref<64xi32, #tpu.memory_space<vmem>>) semaphore(%arg19 : memref<!tpu.dma_semaphore, #tpu.memory_space<semaphore_mem>>) {add = true}
        %mul3A_121 = arith.constant 4 : i32
        %mul3A_122 = arith.muli %scan3A_42, %mul3A_121 : i32
        %add3A_123 = arith.constant 2 : i32
        %add3A_124 = arith.addi %mul3A_122, %add3A_123 : i32
        %dma_wait3A_125 = arith.constant 0 : i32
        %dma_wait3A_126 = tpu.memref_slice %arg7[%add3A_124, %dma_wait3A_125] : memref<32x64xi32, #tpu.memory_space<vmem>> -> memref<1x64xi32, #tpu.memory_space<vmem>>
        %dma_wait3A_127 = tpu.memref_squeeze %dma_wait3A_126 : memref<1x64xi32, #tpu.memory_space<vmem>> -> memref<64xi32, #tpu.memory_space<vmem>>
        %dma_wait3A_128 = arith.constant 0 : i32
        %dma_wait3A_129 = arith.constant 0 : i32
        %dma_wait3A_130 = tpu.memref_slice %arg2[%dma_wait3A_128, %dma_wait3A_129] : memref<10000x128xf32, #tpu.memory_space<hbm>> -> memref<10000x128xf32, #tpu.memory_space<hbm>>
        tpu.wait_indirect_dma semaphore(%arg16 : memref<!tpu.dma_semaphore, #tpu.memory_space<semaphore_mem>>) src(%dma_wait3A_130 : memref<10000x128xf32, #tpu.memory_space<hbm>>) dst(%arg11 : memref<64x128xf32, #tpu.memory_space<vmem>>)
        %mul3A_131 = arith.constant 4 : i32
        %mul3A_132 = arith.muli %scan3A_42, %mul3A_131 : i32
        %add3A_133 = arith.constant 2 : i32
        %add3A_134 = arith.addi %mul3A_132, %add3A_133 : i32
        %dma_start3A_135 = arith.constant 0 : i32
        %dma_start3A_136 = tpu.memref_slice %arg8[%add3A_134, %dma_start3A_135] : memref<32x64xi32, #tpu.memory_space<vmem>> -> memref<1x64xi32, #tpu.memory_space<vmem>>
        %dma_start3A_137 = tpu.memref_squeeze %dma_start3A_136 : memref<1x64xi32, #tpu.memory_space<vmem>> -> memref<64xi32, #tpu.memory_space<vmem>>
        %dma_start3A_138 = arith.constant 0 : i32
        %dma_start3A_139 = arith.constant 0 : i32
        %dma_start3A_140 = tpu.memref_slice %arg13[%dma_start3A_138, %dma_start3A_139] : memref<10008x128xf32, #tpu.memory_space<vmem_shared>> -> memref<10008x128xf32, #tpu.memory_space<vmem_shared>>
        tpu.enqueue_indirect_dma source(%arg11 : memref<64x128xf32, #tpu.memory_space<vmem>>) target(%dma_start3A_140 : memref<10008x128xf32, #tpu.memory_space<vmem_shared>>) offsets(%dma_start3A_137 : memref<64xi32, #tpu.memory_space<vmem>>) semaphore(%arg20 : memref<!tpu.dma_semaphore, #tpu.memory_space<semaphore_mem>>) {add = true}
        %mul3A_141 = arith.constant 4 : i32
        %mul3A_142 = arith.muli %scan3A_42, %mul3A_141 : i32
        %add3A_143 = arith.constant 3 : i32
        %add3A_144 = arith.addi %mul3A_142, %add3A_143 : i32
        %dma_wait3A_145 = arith.constant 0 : i32
        %dma_wait3A_146 = tpu.memref_slice %arg7[%add3A_144, %dma_wait3A_145] : memref<32x64xi32, #tpu.memory_space<vmem>> -> memref<1x64xi32, #tpu.memory_space<vmem>>
        %dma_wait3A_147 = tpu.memref_squeeze %dma_wait3A_146 : memref<1x64xi32, #tpu.memory_space<vmem>> -> memref<64xi32, #tpu.memory_space<vmem>>
        %dma_wait3A_148 = arith.constant 0 : i32
        %dma_wait3A_149 = arith.constant 0 : i32
        %dma_wait3A_150 = tpu.memref_slice %arg2[%dma_wait3A_148, %dma_wait3A_149] : memref<10000x128xf32, #tpu.memory_space<hbm>> -> memref<10000x128xf32, #tpu.memory_space<hbm>>
        tpu.wait_indirect_dma semaphore(%arg17 : memref<!tpu.dma_semaphore, #tpu.memory_space<semaphore_mem>>) src(%dma_wait3A_150 : memref<10000x128xf32, #tpu.memory_space<hbm>>) dst(%arg12 : memref<64x128xf32, #tpu.memory_space<vmem>>)
        %mul3A_151 = arith.constant 4 : i32
        %mul3A_152 = arith.muli %scan3A_42, %mul3A_151 : i32
        %add3A_153 = arith.constant 3 : i32
        %add3A_154 = arith.addi %mul3A_152, %add3A_153 : i32
        %dma_start3A_155 = arith.constant 0 : i32
        %dma_start3A_156 = tpu.memref_slice %arg8[%add3A_154, %dma_start3A_155] : memref<32x64xi32, #tpu.memory_space<vmem>> -> memref<1x64xi32, #tpu.memory_space<vmem>>
        %dma_start3A_157 = tpu.memref_squeeze %dma_start3A_156 : memref<1x64xi32, #tpu.memory_space<vmem>> -> memref<64xi32, #tpu.memory_space<vmem>>
        %dma_start3A_158 = arith.constant 0 : i32
        %dma_start3A_159 = arith.constant 0 : i32
        %dma_start3A_160 = tpu.memref_slice %arg13[%dma_start3A_158, %dma_start3A_159] : memref<10008x128xf32, #tpu.memory_space<vmem_shared>> -> memref<10008x128xf32, #tpu.memory_space<vmem_shared>>
        tpu.enqueue_indirect_dma source(%arg12 : memref<64x128xf32, #tpu.memory_space<vmem>>) target(%dma_start3A_160 : memref<10008x128xf32, #tpu.memory_space<vmem_shared>>) offsets(%dma_start3A_157 : memref<64xi32, #tpu.memory_space<vmem>>) semaphore(%arg21 : memref<!tpu.dma_semaphore, #tpu.memory_space<semaphore_mem>>) {add = true}
        %mul3A_161 = arith.constant 4 : i32
        %mul3A_162 = arith.muli %scan3A_42, %mul3A_161 : i32
        %add3A_163 = arith.constant 0 : i32
        %add3A_164 = arith.addi %mul3A_162, %add3A_163 : i32
        %dma_wait3A_165 = arith.constant 0 : i32
        %dma_wait3A_166 = tpu.memref_slice %arg8[%add3A_164, %dma_wait3A_165] : memref<32x64xi32, #tpu.memory_space<vmem>> -> memref<1x64xi32, #tpu.memory_space<vmem>>
        %dma_wait3A_167 = tpu.memref_squeeze %dma_wait3A_166 : memref<1x64xi32, #tpu.memory_space<vmem>> -> memref<64xi32, #tpu.memory_space<vmem>>
        %dma_wait3A_168 = arith.constant 0 : i32
        %dma_wait3A_169 = arith.constant 0 : i32
        %dma_wait3A_170 = tpu.memref_slice %arg13[%dma_wait3A_168, %dma_wait3A_169] : memref<10008x128xf32, #tpu.memory_space<vmem_shared>> -> memref<10008x128xf32, #tpu.memory_space<vmem_shared>>
        tpu.wait_indirect_dma semaphore(%arg18 : memref<!tpu.dma_semaphore, #tpu.memory_space<semaphore_mem>>) src(%arg9 : memref<64x128xf32, #tpu.memory_space<vmem>>) dst(%dma_wait3A_170 : memref<10008x128xf32, #tpu.memory_space<vmem_shared>>)
        %mul3A_171 = arith.constant 4 : i32
        %mul3A_172 = arith.muli %scan3A_42, %mul3A_171 : i32
        %add3A_173 = arith.constant 1 : i32
        %add3A_174 = arith.addi %mul3A_172, %add3A_173 : i32
        %dma_wait3A_175 = arith.constant 0 : i32
        %dma_wait3A_176 = tpu.memref_slice %arg8[%add3A_174, %dma_wait3A_175] : memref<32x64xi32, #tpu.memory_space<vmem>> -> memref<1x64xi32, #tpu.memory_space<vmem>>
        %dma_wait3A_177 = tpu.memref_squeeze %dma_wait3A_176 : memref<1x64xi32, #tpu.memory_space<vmem>> -> memref<64xi32, #tpu.memory_space<vmem>>
        %dma_wait3A_178 = arith.constant 0 : i32
        %dma_wait3A_179 = arith.constant 0 : i32
        %dma_wait3A_180 = tpu.memref_slice %arg13[%dma_wait3A_178, %dma_wait3A_179] : memref<10008x128xf32, #tpu.memory_space<vmem_shared>> -> memref<10008x128xf32, #tpu.memory_space<vmem_shared>>
        tpu.wait_indirect_dma semaphore(%arg19 : memref<!tpu.dma_semaphore, #tpu.memory_space<semaphore_mem>>) src(%arg10 : memref<64x128xf32, #tpu.memory_space<vmem>>) dst(%dma_wait3A_180 : memref<10008x128xf32, #tpu.memory_space<vmem_shared>>)
        %mul3A_181 = arith.constant 4 : i32
        %mul3A_182 = arith.muli %scan3A_42, %mul3A_181 : i32
        %add3A_183 = arith.constant 2 : i32
        %add3A_184 = arith.addi %mul3A_182, %add3A_183 : i32
        %dma_wait3A_185 = arith.constant 0 : i32
        %dma_wait3A_186 = tpu.memref_slice %arg8[%add3A_184, %dma_wait3A_185] : memref<32x64xi32, #tpu.memory_space<vmem>> -> memref<1x64xi32, #tpu.memory_space<vmem>>
        %dma_wait3A_187 = tpu.memref_squeeze %dma_wait3A_186 : memref<1x64xi32, #tpu.memory_space<vmem>> -> memref<64xi32, #tpu.memory_space<vmem>>
        %dma_wait3A_188 = arith.constant 0 : i32
        %dma_wait3A_189 = arith.constant 0 : i32
        %dma_wait3A_190 = tpu.memref_slice %arg13[%dma_wait3A_188, %dma_wait3A_189] : memref<10008x128xf32, #tpu.memory_space<vmem_shared>> -> memref<10008x128xf32, #tpu.memory_space<vmem_shared>>
        tpu.wait_indirect_dma semaphore(%arg20 : memref<!tpu.dma_semaphore, #tpu.memory_space<semaphore_mem>>) src(%arg11 : memref<64x128xf32, #tpu.memory_space<vmem>>) dst(%dma_wait3A_190 : memref<10008x128xf32, #tpu.memory_space<vmem_shared>>)
        %mul3A_191 = arith.constant 4 : i32
        %mul3A_192 = arith.muli %scan3A_42, %mul3A_191 : i32
        %add3A_193 = arith.constant 3 : i32
        %add3A_194 = arith.addi %mul3A_192, %add3A_193 : i32
        %dma_wait3A_195 = arith.constant 0 : i32
        %dma_wait3A_196 = tpu.memref_slice %arg8[%add3A_194, %dma_wait3A_195] : memref<32x64xi32, #tpu.memory_space<vmem>> -> memref<1x64xi32, #tpu.memory_space<vmem>>
        %dma_wait3A_197 = tpu.memref_squeeze %dma_wait3A_196 : memref<1x64xi32, #tpu.memory_space<vmem>> -> memref<64xi32, #tpu.memory_space<vmem>>
        %dma_wait3A_198 = arith.constant 0 : i32
        %dma_wait3A_199 = arith.constant 0 : i32
        %dma_wait3A_200 = tpu.memref_slice %arg13[%dma_wait3A_198, %dma_wait3A_199] : memref<10008x128xf32, #tpu.memory_space<vmem_shared>> -> memref<10008x128xf32, #tpu.memory_space<vmem_shared>>
        tpu.wait_indirect_dma semaphore(%arg21 : memref<!tpu.dma_semaphore, #tpu.memory_space<semaphore_mem>>) src(%arg12 : memref<64x128xf32, #tpu.memory_space<vmem>>) dst(%dma_wait3A_200 : memref<10008x128xf32, #tpu.memory_space<vmem_shared>>)
      }
      %scan3A_41 = arith.constant 8 : i32
    }
    %barrier3A_23 = arith.constant 0 : index
    tpu.barrier barrier_id(%barrier3A_23)
    %mul3A_24 = arith.constant 624 : i32
    %mul3A_25 = arith.muli %arg1, %mul3A_24 : i32
    %mul3A_26 = arith.constant 624 : i32
    %mul3A_27 = arith.muli %arg1, %mul3A_26 : i32
    "tpu.region"() ({
      %run_scoped3A = tpu.sem_alloc : memref<!tpu.dma_semaphore, #tpu.memory_space<semaphore_mem>>
      %dma_start3A = arith.constant 0 : i32
      %dma_start3A_33 = tpu.memref_slice %arg6[%arg0, %mul3A_27, %dma_start3A] : memref<2x10000x128xf32, #tpu.memory_space<hbm>> -> memref<1x624x128xf32, #tpu.memory_space<hbm>>
      %dma_start3A_34 = tpu.memref_squeeze %dma_start3A_33 : memref<1x624x128xf32, #tpu.memory_space<hbm>> -> memref<624x128xf32, #tpu.memory_space<hbm>>
      %dma_start3A_35 = arith.constant 0 : i32
      %dma_start3A_36 = tpu.memref_slice %arg13[%mul3A_25, %dma_start3A_35] : memref<10008x128xf32, #tpu.memory_space<vmem_shared>> -> memref<624x128xf32, #tpu.memory_space<vmem_shared>>
      tpu.enqueue_dma source(%dma_start3A_36 : memref<624x128xf32, #tpu.memory_space<vmem_shared>>) target(%dma_start3A_34 : memref<624x128xf32, #tpu.memory_space<hbm>>) target_semaphore(%run_scoped3A : memref<!tpu.dma_semaphore, #tpu.memory_space<semaphore_mem>>)
      %dma_wait3A = arith.constant 0 : i32
      %dma_wait3A_37 = tpu.memref_slice %arg6[%arg0, %mul3A_27, %dma_wait3A] : memref<2x10000x128xf32, #tpu.memory_space<hbm>> -> memref<1x624x128xf32, #tpu.memory_space<hbm>>
      %dma_wait3A_38 = tpu.memref_squeeze %dma_wait3A_37 : memref<1x624x128xf32, #tpu.memory_space<hbm>> -> memref<624x128xf32, #tpu.memory_space<hbm>>
      %dma_wait3A_39 = arith.constant 0 : i32
      %dma_wait3A_40 = tpu.memref_slice %arg13[%mul3A_25, %dma_wait3A_39] : memref<10008x128xf32, #tpu.memory_space<vmem_shared>> -> memref<624x128xf32, #tpu.memory_space<vmem_shared>>
      tpu.wait_dma2 semaphore(%run_scoped3A : memref<!tpu.dma_semaphore, #tpu.memory_space<semaphore_mem>>) src(%dma_wait3A_40 : memref<624x128xf32, #tpu.memory_space<vmem_shared>>) dst(%dma_wait3A_38 : memref<624x128xf32, #tpu.memory_space<hbm>>)
      tpu.yield
    }) : () -> ()
    %eq3A_28 = arith.constant 0 : i32
    %eq3A_29 = arith.cmpi eq, %arg1, %eq3A_28 : i32
    %convert_element_type3A_30 = arith.extui %eq3A_29 : i1 to i32
    %cond3A_31 = arith.constant 0 : i32
    %cond3A_32 = arith.cmpi ne, %convert_element_type3A_30, %cond3A_31 : i32
    scf.if %cond3A_32 {
      "tpu.region"() ({
        %run_scoped3A = tpu.sem_alloc : memref<!tpu.dma_semaphore, #tpu.memory_space<semaphore_mem>>
        %dma_start3A = arith.constant 9984 : i32
        %dma_start3A_33 = arith.constant 0 : i32
        %dma_start3A_34 = tpu.memref_slice %arg6[%arg0, %dma_start3A, %dma_start3A_33] : memref<2x10000x128xf32, #tpu.memory_space<hbm>> -> memref<1x16x128xf32, #tpu.memory_space<hbm>>
        %dma_start3A_35 = tpu.memref_squeeze %dma_start3A_34 : memref<1x16x128xf32, #tpu.memory_space<hbm>> -> memref<16x128xf32, #tpu.memory_space<hbm>>
        %dma_start3A_36 = arith.constant 9984 : i32
        %dma_start3A_37 = arith.constant 0 : i32
        %dma_start3A_38 = tpu.memref_slice %arg13[%dma_start3A_36, %dma_start3A_37] : memref<10008x128xf32, #tpu.memory_space<vmem_shared>> -> memref<16x128xf32, #tpu.memory_space<vmem_shared>>
        tpu.enqueue_dma source(%dma_start3A_38 : memref<16x128xf32, #tpu.memory_space<vmem_shared>>) target(%dma_start3A_35 : memref<16x128xf32, #tpu.memory_space<hbm>>) target_semaphore(%run_scoped3A : memref<!tpu.dma_semaphore, #tpu.memory_space<semaphore_mem>>)
        %dma_wait3A = arith.constant 9984 : i32
        %dma_wait3A_39 = arith.constant 0 : i32
        %dma_wait3A_40 = tpu.memref_slice %arg6[%arg0, %dma_wait3A, %dma_wait3A_39] : memref<2x10000x128xf32, #tpu.memory_space<hbm>> -> memref<1x16x128xf32, #tpu.memory_space<hbm>>
        %dma_wait3A_41 = tpu.memref_squeeze %dma_wait3A_40 : memref<1x16x128xf32, #tpu.memory_space<hbm>> -> memref<16x128xf32, #tpu.memory_space<hbm>>
        %dma_wait3A_42 = arith.constant 9984 : i32
        %dma_wait3A_43 = arith.constant 0 : i32
        %dma_wait3A_44 = tpu.memref_slice %arg13[%dma_wait3A_42, %dma_wait3A_43] : memref<10008x128xf32, #tpu.memory_space<vmem_shared>> -> memref<16x128xf32, #tpu.memory_space<vmem_shared>>
        tpu.wait_dma2 semaphore(%run_scoped3A : memref<!tpu.dma_semaphore, #tpu.memory_space<semaphore_mem>>) src(%dma_wait3A_44 : memref<16x128xf32, #tpu.memory_space<vmem_shared>>) dst(%dma_wait3A_41 : memref<16x128xf32, #tpu.memory_space<hbm>>)
        tpu.yield
      }) : () -> ()
    } else {
    }
    return
  }
}

#map = affine_map<(d0, d1) -> (0, 0)>
#map1 = affine_map<(d0, d1) -> (0, 0, 0)>
module attributes {stable_mosaic.version = 14 : i64} {
  func.func @_agg_body(%arg0: i32, %arg1: i32, %arg2: memref<10000x128xf32, #tpu.memory_space<hbm>>, %arg3: memref<5120x64xi32, #tpu.memory_space<hbm>>, %arg4: memref<5120x64xi32, #tpu.memory_space<hbm>>, %arg5: memref<624x128xf32, #tpu.memory_space<hbm>>, %arg6: memref<2x10000x128xf32, #tpu.memory_space<hbm>>, %arg7: memref<32x64xi32, #tpu.memory_space<vmem>>, %arg8: memref<32x64xi32, #tpu.memory_space<vmem>>, %arg9: memref<64x128xf32, #tpu.memory_space<vmem>>, %arg10: memref<64x128xf32, #tpu.memory_space<vmem>>, %arg11: memref<64x128xf32, #tpu.memory_space<vmem>>, %arg12: memref<64x128xf32, #tpu.memory_space<vmem>>, %arg13: memref<10008x128xf32, #tpu.memory_space<vmem_shared>>, %arg14: memref<!tpu.dma_semaphore, #tpu.memory_space<semaphore_mem>>, %arg15: memref<!tpu.dma_semaphore, #tpu.memory_space<semaphore_mem>>, %arg16: memref<!tpu.dma_semaphore, #tpu.memory_space<semaphore_mem>>, %arg17: memref<!tpu.dma_semaphore, #tpu.memory_space<semaphore_mem>>, %arg18: memref<!tpu.dma_semaphore, #tpu.memory_space<semaphore_mem>>, %arg19: memref<!tpu.dma_semaphore, #tpu.memory_space<semaphore_mem>>, %arg20: memref<!tpu.dma_semaphore, #tpu.memory_space<semaphore_mem>>, %arg21: memref<!tpu.dma_semaphore, #tpu.memory_space<semaphore_mem>>) attributes {dimension_semantics = [#tpu.dimension_semantics<core_parallel>, #tpu.dimension_semantics<subcore_parallel>], iteration_bounds = array<i64: 2, 16>, scalar_prefetch = 0 : i64, scratch_operands = 15 : i64, tpu.core_type = #tpu.core_type<sc_vector_subcore>, window_params = [{transform_indices = #map}, {transform_indices = #map}, {transform_indices = #map}, {transform_indices = #map}, {transform_indices = #map1}]} {
    %mul3A = arith.constant 624 : i32
    %mul3A_0 = arith.muli %arg1, %mul3A : i32
    "tpu.region"() ({
      %run_scoped3A = tpu.sem_alloc : memref<!tpu.dma_semaphore, #tpu.memory_space<semaphore_mem>>
      %dma_start3A = arith.constant 0 : i32
      %dma_start3A_33 = tpu.memref_slice %arg13[%mul3A_0, %dma_start3A] : memref<10008x128xf32, #tpu.memory_space<vmem_shared>> -> memref<624x128xf32, #tpu.memory_space<vmem_shared>>
      %dma_start3A_34 = arith.constant 0 : i32
      %dma_start3A_35 = arith.constant 0 : i32
      %dma_start3A_36 = tpu.memref_slice %arg5[%dma_start3A_34, %dma_start3A_35] : memref<624x128xf32, #tpu.memory_space<hbm>> -> memref<624x128xf32, #tpu.memory_space<hbm>>
      tpu.enqueue_dma source(%dma_start3A_36 : memref<624x128xf32, #tpu.memory_space<hbm>>) target(%dma_start3A_33 : memref<624x128xf32, #tpu.memory_space<vmem_shared>>) target_semaphore(%run_scoped3A : memref<!tpu.dma_semaphore, #tpu.memory_space<semaphore_mem>>)
      %dma_wait3A = arith.constant 0 : i32
      %dma_wait3A_37 = tpu.memref_slice %arg13[%mul3A_0, %dma_wait3A] : memref<10008x128xf32, #tpu.memory_space<vmem_shared>> -> memref<624x128xf32, #tpu.memory_space<vmem_shared>>
      %dma_wait3A_38 = arith.constant 0 : i32
      %dma_wait3A_39 = arith.constant 0 : i32
      %dma_wait3A_40 = tpu.memref_slice %arg5[%dma_wait3A_38, %dma_wait3A_39] : memref<624x128xf32, #tpu.memory_space<hbm>> -> memref<624x128xf32, #tpu.memory_space<hbm>>
      tpu.wait_dma2 semaphore(%run_scoped3A : memref<!tpu.dma_semaphore, #tpu.memory_space<semaphore_mem>>) src(%dma_wait3A_40 : memref<624x128xf32, #tpu.memory_space<hbm>>) dst(%dma_wait3A_37 : memref<624x128xf32, #tpu.memory_space<vmem_shared>>)
      tpu.yield
    }) : () -> ()
    %eq3A = arith.constant 0 : i32
    %eq3A_1 = arith.cmpi eq, %arg1, %eq3A : i32
    %convert_element_type3A = arith.extui %eq3A_1 : i1 to i32
    %cond3A = arith.constant 0 : i32
    %cond3A_2 = arith.cmpi ne, %convert_element_type3A, %cond3A : i32
    scf.if %cond3A_2 {
      "tpu.region"() ({
        %run_scoped3A = tpu.sem_alloc : memref<!tpu.dma_semaphore, #tpu.memory_space<semaphore_mem>>
        %dma_start3A = arith.constant 9984 : i32
        %dma_start3A_33 = arith.constant 0 : i32
        %dma_start3A_34 = tpu.memref_slice %arg13[%dma_start3A, %dma_start3A_33] : memref<10008x128xf32, #tpu.memory_space<vmem_shared>> -> memref<24x128xf32, #tpu.memory_space<vmem_shared>>
        %dma_start3A_35 = arith.constant 0 : i32
        %dma_start3A_36 = arith.constant 0 : i32
        %dma_start3A_37 = tpu.memref_slice %arg5[%dma_start3A_35, %dma_start3A_36] : memref<624x128xf32, #tpu.memory_space<hbm>> -> memref<24x128xf32, #tpu.memory_space<hbm>>
        tpu.enqueue_dma source(%dma_start3A_37 : memref<24x128xf32, #tpu.memory_space<hbm>>) target(%dma_start3A_34 : memref<24x128xf32, #tpu.memory_space<vmem_shared>>) target_semaphore(%run_scoped3A : memref<!tpu.dma_semaphore, #tpu.memory_space<semaphore_mem>>)
        %dma_wait3A = arith.constant 9984 : i32
        %dma_wait3A_38 = arith.constant 0 : i32
        %dma_wait3A_39 = tpu.memref_slice %arg13[%dma_wait3A, %dma_wait3A_38] : memref<10008x128xf32, #tpu.memory_space<vmem_shared>> -> memref<24x128xf32, #tpu.memory_space<vmem_shared>>
        %dma_wait3A_40 = arith.constant 0 : i32
        %dma_wait3A_41 = arith.constant 0 : i32
        %dma_wait3A_42 = tpu.memref_slice %arg5[%dma_wait3A_40, %dma_wait3A_41] : memref<624x128xf32, #tpu.memory_space<hbm>> -> memref<24x128xf32, #tpu.memory_space<hbm>>
        tpu.wait_dma2 semaphore(%run_scoped3A : memref<!tpu.dma_semaphore, #tpu.memory_space<semaphore_mem>>) src(%dma_wait3A_42 : memref<24x128xf32, #tpu.memory_space<hbm>>) dst(%dma_wait3A_39 : memref<24x128xf32, #tpu.memory_space<vmem_shared>>)
        tpu.yield
      }) : () -> ()
    } else {
    }
    %barrier3A = arith.constant 0 : index
    tpu.barrier barrier_id(%barrier3A)
    %eq3A_3 = arith.constant 0 : i32
    %eq3A_4 = arith.cmpi eq, %arg0, %eq3A_3 : i32
    %mul3A_5 = arith.constant 256 : i32
    %mul3A_6 = arith.muli %arg1, %mul3A_5 : i32
    %mul3A_7 = arith.constant 64 : i32
    %mul3A_8 = arith.muli %arg1, %mul3A_7 : i32
    %add3A = arith.constant 4096 : i32
    %add3A_9 = arith.addi %add3A, %mul3A_8 : i32
    %select_n3A = arith.select %eq3A_4, %mul3A_6, %add3A_9 : i32
    %eq3A_10 = arith.constant 0 : i32
    %eq3A_11 = arith.cmpi eq, %arg0, %eq3A_10 : i32
    %jit3A = arith.constant 8 : i32
    %jit3A_12 = arith.constant 2 : i32
    %select_n3A_13 = arith.select %eq3A_11, %jit3A, %jit3A_12 : i32
    %while3A = arith.constant 0 : i32
    %while3A_14 = arith.constant 0 : i32
    %while3A_15 = arith.subi %select_n3A_13, %while3A_14 : i32
    %while3A_16 = arith.addi %while3A_14, %while3A_15 : i32
    %while3A_17 = arith.constant 1 : i32
    %while3A_18 = arith.divsi %while3A_15, %while3A_17 : i32
    %while3A_19 = arith.muli %while3A_18, %while3A_17 : i32
    %while3A_20 = arith.addi %while3A_14, %while3A_19 : i32
    %while3A_21 = arith.constant 1 : i32
    scf.for %while3A_33 = %while3A_14 to %while3A_20 step %while3A_21  : i32 {
      %mul3A_34 = arith.constant 32 : i32
      %mul3A_35 = arith.muli %while3A_33, %mul3A_34 : i32
      %add3A_36 = arith.addi %select_n3A, %mul3A_35 : i32
      "tpu.region"() ({
        %run_scoped3A = tpu.sem_alloc : memref<!tpu.dma_semaphore, #tpu.memory_space<semaphore_mem>>
        %dma_start3A = arith.constant 0 : i32
        %dma_start3A_42 = tpu.memref_slice %arg3[%add3A_36, %dma_start3A] : memref<5120x64xi32, #tpu.memory_space<hbm>> -> memref<32x64xi32, #tpu.memory_space<hbm>>
        %dma_start3A_43 = arith.constant 0 : i32
        %dma_start3A_44 = tpu.memref_slice %arg3[%add3A_36, %dma_start3A_43] : memref<5120x64xi32, #tpu.memory_space<hbm>> -> memref<32x64xi32, #tpu.memory_space<hbm>>
        tpu.enqueue_dma source(%dma_start3A_44 : memref<32x64xi32, #tpu.memory_space<hbm>>) target(%arg7 : memref<32x64xi32, #tpu.memory_space<vmem>>) target_semaphore(%run_scoped3A : memref<!tpu.dma_semaphore, #tpu.memory_space<semaphore_mem>>)
        %dma_wait3A = arith.constant 0 : i32
        %dma_wait3A_45 = tpu.memref_slice %arg3[%add3A_36, %dma_wait3A] : memref<5120x64xi32, #tpu.memory_space<hbm>> -> memref<32x64xi32, #tpu.memory_space<hbm>>
        %dma_wait3A_46 = arith.constant 0 : i32
        %dma_wait3A_47 = tpu.memref_slice %arg3[%add3A_36, %dma_wait3A_46] : memref<5120x64xi32, #tpu.memory_space<hbm>> -> memref<32x64xi32, #tpu.memory_space<hbm>>
        tpu.wait_dma2 semaphore(%run_scoped3A : memref<!tpu.dma_semaphore, #tpu.memory_space<semaphore_mem>>) src(%dma_wait3A_47 : memref<32x64xi32, #tpu.memory_space<hbm>>) dst(%arg7 : memref<32x64xi32, #tpu.memory_space<vmem>>)
        tpu.yield
      }) : () -> ()
      "tpu.region"() ({
        %run_scoped3A = tpu.sem_alloc : memref<!tpu.dma_semaphore, #tpu.memory_space<semaphore_mem>>
        %dma_start3A = arith.constant 0 : i32
        %dma_start3A_42 = tpu.memref_slice %arg4[%add3A_36, %dma_start3A] : memref<5120x64xi32, #tpu.memory_space<hbm>> -> memref<32x64xi32, #tpu.memory_space<hbm>>
        %dma_start3A_43 = arith.constant 0 : i32
        %dma_start3A_44 = tpu.memref_slice %arg4[%add3A_36, %dma_start3A_43] : memref<5120x64xi32, #tpu.memory_space<hbm>> -> memref<32x64xi32, #tpu.memory_space<hbm>>
        tpu.enqueue_dma source(%dma_start3A_44 : memref<32x64xi32, #tpu.memory_space<hbm>>) target(%arg8 : memref<32x64xi32, #tpu.memory_space<vmem>>) target_semaphore(%run_scoped3A : memref<!tpu.dma_semaphore, #tpu.memory_space<semaphore_mem>>)
        %dma_wait3A = arith.constant 0 : i32
        %dma_wait3A_45 = tpu.memref_slice %arg4[%add3A_36, %dma_wait3A] : memref<5120x64xi32, #tpu.memory_space<hbm>> -> memref<32x64xi32, #tpu.memory_space<hbm>>
        %dma_wait3A_46 = arith.constant 0 : i32
        %dma_wait3A_47 = tpu.memref_slice %arg4[%add3A_36, %dma_wait3A_46] : memref<5120x64xi32, #tpu.memory_space<hbm>> -> memref<32x64xi32, #tpu.memory_space<hbm>>
        tpu.wait_dma2 semaphore(%run_scoped3A : memref<!tpu.dma_semaphore, #tpu.memory_space<semaphore_mem>>) src(%dma_wait3A_47 : memref<32x64xi32, #tpu.memory_space<hbm>>) dst(%arg8 : memref<32x64xi32, #tpu.memory_space<vmem>>)
        tpu.yield
      }) : () -> ()
      %scan3A = arith.constant 0 : i32
      %scan3A_37 = arith.constant 0 : i32
      %scan3A_38 = arith.constant 8 : i32
      %scan3A_39 = arith.addi %scan3A_37, %scan3A_38 : i32
      %scan3A_40 = arith.constant 1 : i32
      scf.for %scan3A_42 = %scan3A_37 to %scan3A_39 step %scan3A_40  : i32 {
        %mul3A_43 = arith.constant 4 : i32
        %mul3A_44 = arith.muli %scan3A_42, %mul3A_43 : i32
        %add3A_45 = arith.constant 0 : i32
        %add3A_46 = arith.addi %mul3A_44, %add3A_45 : i32
        %dma_start3A = arith.constant 0 : i32
        %dma_start3A_47 = tpu.memref_slice %arg7[%add3A_46, %dma_start3A] : memref<32x64xi32, #tpu.memory_space<vmem>> -> memref<1x64xi32, #tpu.memory_space<vmem>>
        %dma_start3A_48 = tpu.memref_squeeze %dma_start3A_47 : memref<1x64xi32, #tpu.memory_space<vmem>> -> memref<64xi32, #tpu.memory_space<vmem>>
        %dma_start3A_49 = arith.constant 0 : i32
        %dma_start3A_50 = arith.constant 0 : i32
        %dma_start3A_51 = tpu.memref_slice %arg2[%dma_start3A_49, %dma_start3A_50] : memref<10000x128xf32, #tpu.memory_space<hbm>> -> memref<10000x128xf32, #tpu.memory_space<hbm>>
        tpu.enqueue_indirect_dma source(%dma_start3A_51 : memref<10000x128xf32, #tpu.memory_space<hbm>>) target(%arg9 : memref<64x128xf32, #tpu.memory_space<vmem>>) offsets(%dma_start3A_48 : memref<64xi32, #tpu.memory_space<vmem>>) semaphore(%arg14 : memref<!tpu.dma_semaphore, #tpu.memory_space<semaphore_mem>>)
        %mul3A_52 = arith.constant 4 : i32
        %mul3A_53 = arith.muli %scan3A_42, %mul3A_52 : i32
        %add3A_54 = arith.constant 1 : i32
        %add3A_55 = arith.addi %mul3A_53, %add3A_54 : i32
        %dma_start3A_56 = arith.constant 0 : i32
        %dma_start3A_57 = tpu.memref_slice %arg7[%add3A_55, %dma_start3A_56] : memref<32x64xi32, #tpu.memory_space<vmem>> -> memref<1x64xi32, #tpu.memory_space<vmem>>
        %dma_start3A_58 = tpu.memref_squeeze %dma_start3A_57 : memref<1x64xi32, #tpu.memory_space<vmem>> -> memref<64xi32, #tpu.memory_space<vmem>>
        %dma_start3A_59 = arith.constant 0 : i32
        %dma_start3A_60 = arith.constant 0 : i32
        %dma_start3A_61 = tpu.memref_slice %arg2[%dma_start3A_59, %dma_start3A_60] : memref<10000x128xf32, #tpu.memory_space<hbm>> -> memref<10000x128xf32, #tpu.memory_space<hbm>>
        tpu.enqueue_indirect_dma source(%dma_start3A_61 : memref<10000x128xf32, #tpu.memory_space<hbm>>) target(%arg10 : memref<64x128xf32, #tpu.memory_space<vmem>>) offsets(%dma_start3A_58 : memref<64xi32, #tpu.memory_space<vmem>>) semaphore(%arg15 : memref<!tpu.dma_semaphore, #tpu.memory_space<semaphore_mem>>)
        %mul3A_62 = arith.constant 4 : i32
        %mul3A_63 = arith.muli %scan3A_42, %mul3A_62 : i32
        %add3A_64 = arith.constant 2 : i32
        %add3A_65 = arith.addi %mul3A_63, %add3A_64 : i32
        %dma_start3A_66 = arith.constant 0 : i32
        %dma_start3A_67 = tpu.memref_slice %arg7[%add3A_65, %dma_start3A_66] : memref<32x64xi32, #tpu.memory_space<vmem>> -> memref<1x64xi32, #tpu.memory_space<vmem>>
        %dma_start3A_68 = tpu.memref_squeeze %dma_start3A_67 : memref<1x64xi32, #tpu.memory_space<vmem>> -> memref<64xi32, #tpu.memory_space<vmem>>
        %dma_start3A_69 = arith.constant 0 : i32
        %dma_start3A_70 = arith.constant 0 : i32
        %dma_start3A_71 = tpu.memref_slice %arg2[%dma_start3A_69, %dma_start3A_70] : memref<10000x128xf32, #tpu.memory_space<hbm>> -> memref<10000x128xf32, #tpu.memory_space<hbm>>
        tpu.enqueue_indirect_dma source(%dma_start3A_71 : memref<10000x128xf32, #tpu.memory_space<hbm>>) target(%arg11 : memref<64x128xf32, #tpu.memory_space<vmem>>) offsets(%dma_start3A_68 : memref<64xi32, #tpu.memory_space<vmem>>) semaphore(%arg16 : memref<!tpu.dma_semaphore, #tpu.memory_space<semaphore_mem>>)
        %mul3A_72 = arith.constant 4 : i32
        %mul3A_73 = arith.muli %scan3A_42, %mul3A_72 : i32
        %add3A_74 = arith.constant 3 : i32
        %add3A_75 = arith.addi %mul3A_73, %add3A_74 : i32
        %dma_start3A_76 = arith.constant 0 : i32
        %dma_start3A_77 = tpu.memref_slice %arg7[%add3A_75, %dma_start3A_76] : memref<32x64xi32, #tpu.memory_space<vmem>> -> memref<1x64xi32, #tpu.memory_space<vmem>>
        %dma_start3A_78 = tpu.memref_squeeze %dma_start3A_77 : memref<1x64xi32, #tpu.memory_space<vmem>> -> memref<64xi32, #tpu.memory_space<vmem>>
        %dma_start3A_79 = arith.constant 0 : i32
        %dma_start3A_80 = arith.constant 0 : i32
        %dma_start3A_81 = tpu.memref_slice %arg2[%dma_start3A_79, %dma_start3A_80] : memref<10000x128xf32, #tpu.memory_space<hbm>> -> memref<10000x128xf32, #tpu.memory_space<hbm>>
        tpu.enqueue_indirect_dma source(%dma_start3A_81 : memref<10000x128xf32, #tpu.memory_space<hbm>>) target(%arg12 : memref<64x128xf32, #tpu.memory_space<vmem>>) offsets(%dma_start3A_78 : memref<64xi32, #tpu.memory_space<vmem>>) semaphore(%arg17 : memref<!tpu.dma_semaphore, #tpu.memory_space<semaphore_mem>>)
        %mul3A_82 = arith.constant 4 : i32
        %mul3A_83 = arith.muli %scan3A_42, %mul3A_82 : i32
        %add3A_84 = arith.constant 0 : i32
        %add3A_85 = arith.addi %mul3A_83, %add3A_84 : i32
        %dma_wait3A = arith.constant 0 : i32
        %dma_wait3A_86 = tpu.memref_slice %arg7[%add3A_85, %dma_wait3A] : memref<32x64xi32, #tpu.memory_space<vmem>> -> memref<1x64xi32, #tpu.memory_space<vmem>>
        %dma_wait3A_87 = tpu.memref_squeeze %dma_wait3A_86 : memref<1x64xi32, #tpu.memory_space<vmem>> -> memref<64xi32, #tpu.memory_space<vmem>>
        %dma_wait3A_88 = arith.constant 0 : i32
        %dma_wait3A_89 = arith.constant 0 : i32
        %dma_wait3A_90 = tpu.memref_slice %arg2[%dma_wait3A_88, %dma_wait3A_89] : memref<10000x128xf32, #tpu.memory_space<hbm>> -> memref<10000x128xf32, #tpu.memory_space<hbm>>
        tpu.wait_indirect_dma semaphore(%arg14 : memref<!tpu.dma_semaphore, #tpu.memory_space<semaphore_mem>>) src(%dma_wait3A_90 : memref<10000x128xf32, #tpu.memory_space<hbm>>) dst(%arg9 : memref<64x128xf32, #tpu.memory_space<vmem>>)
        %mul3A_91 = arith.constant 4 : i32
        %mul3A_92 = arith.muli %scan3A_42, %mul3A_91 : i32
        %add3A_93 = arith.constant 0 : i32
        %add3A_94 = arith.addi %mul3A_92, %add3A_93 : i32
        %dma_start3A_95 = arith.constant 0 : i32
        %dma_start3A_96 = tpu.memref_slice %arg8[%add3A_94, %dma_start3A_95] : memref<32x64xi32, #tpu.memory_space<vmem>> -> memref<1x64xi32, #tpu.memory_space<vmem>>
        %dma_start3A_97 = tpu.memref_squeeze %dma_start3A_96 : memref<1x64xi32, #tpu.memory_space<vmem>> -> memref<64xi32, #tpu.memory_space<vmem>>
        %dma_start3A_98 = arith.constant 0 : i32
        %dma_start3A_99 = arith.constant 0 : i32
        %dma_start3A_100 = tpu.memref_slice %arg13[%dma_start3A_98, %dma_start3A_99] : memref<10008x128xf32, #tpu.memory_space<vmem_shared>> -> memref<10008x128xf32, #tpu.memory_space<vmem_shared>>
        tpu.enqueue_indirect_dma source(%arg9 : memref<64x128xf32, #tpu.memory_space<vmem>>) target(%dma_start3A_100 : memref<10008x128xf32, #tpu.memory_space<vmem_shared>>) offsets(%dma_start3A_97 : memref<64xi32, #tpu.memory_space<vmem>>) semaphore(%arg18 : memref<!tpu.dma_semaphore, #tpu.memory_space<semaphore_mem>>) {add = true}
        %mul3A_101 = arith.constant 4 : i32
        %mul3A_102 = arith.muli %scan3A_42, %mul3A_101 : i32
        %add3A_103 = arith.constant 1 : i32
        %add3A_104 = arith.addi %mul3A_102, %add3A_103 : i32
        %dma_wait3A_105 = arith.constant 0 : i32
        %dma_wait3A_106 = tpu.memref_slice %arg7[%add3A_104, %dma_wait3A_105] : memref<32x64xi32, #tpu.memory_space<vmem>> -> memref<1x64xi32, #tpu.memory_space<vmem>>
        %dma_wait3A_107 = tpu.memref_squeeze %dma_wait3A_106 : memref<1x64xi32, #tpu.memory_space<vmem>> -> memref<64xi32, #tpu.memory_space<vmem>>
        %dma_wait3A_108 = arith.constant 0 : i32
        %dma_wait3A_109 = arith.constant 0 : i32
        %dma_wait3A_110 = tpu.memref_slice %arg2[%dma_wait3A_108, %dma_wait3A_109] : memref<10000x128xf32, #tpu.memory_space<hbm>> -> memref<10000x128xf32, #tpu.memory_space<hbm>>
        tpu.wait_indirect_dma semaphore(%arg15 : memref<!tpu.dma_semaphore, #tpu.memory_space<semaphore_mem>>) src(%dma_wait3A_110 : memref<10000x128xf32, #tpu.memory_space<hbm>>) dst(%arg10 : memref<64x128xf32, #tpu.memory_space<vmem>>)
        %mul3A_111 = arith.constant 4 : i32
        %mul3A_112 = arith.muli %scan3A_42, %mul3A_111 : i32
        %add3A_113 = arith.constant 1 : i32
        %add3A_114 = arith.addi %mul3A_112, %add3A_113 : i32
        %dma_start3A_115 = arith.constant 0 : i32
        %dma_start3A_116 = tpu.memref_slice %arg8[%add3A_114, %dma_start3A_115] : memref<32x64xi32, #tpu.memory_space<vmem>> -> memref<1x64xi32, #tpu.memory_space<vmem>>
        %dma_start3A_117 = tpu.memref_squeeze %dma_start3A_116 : memref<1x64xi32, #tpu.memory_space<vmem>> -> memref<64xi32, #tpu.memory_space<vmem>>
        %dma_start3A_118 = arith.constant 0 : i32
        %dma_start3A_119 = arith.constant 0 : i32
        %dma_start3A_120 = tpu.memref_slice %arg13[%dma_start3A_118, %dma_start3A_119] : memref<10008x128xf32, #tpu.memory_space<vmem_shared>> -> memref<10008x128xf32, #tpu.memory_space<vmem_shared>>
        tpu.enqueue_indirect_dma source(%arg10 : memref<64x128xf32, #tpu.memory_space<vmem>>) target(%dma_start3A_120 : memref<10008x128xf32, #tpu.memory_space<vmem_shared>>) offsets(%dma_start3A_117 : memref<64xi32, #tpu.memory_space<vmem>>) semaphore(%arg19 : memref<!tpu.dma_semaphore, #tpu.memory_space<semaphore_mem>>) {add = true}
        %mul3A_121 = arith.constant 4 : i32
        %mul3A_122 = arith.muli %scan3A_42, %mul3A_121 : i32
        %add3A_123 = arith.constant 2 : i32
        %add3A_124 = arith.addi %mul3A_122, %add3A_123 : i32
        %dma_wait3A_125 = arith.constant 0 : i32
        %dma_wait3A_126 = tpu.memref_slice %arg7[%add3A_124, %dma_wait3A_125] : memref<32x64xi32, #tpu.memory_space<vmem>> -> memref<1x64xi32, #tpu.memory_space<vmem>>
        %dma_wait3A_127 = tpu.memref_squeeze %dma_wait3A_126 : memref<1x64xi32, #tpu.memory_space<vmem>> -> memref<64xi32, #tpu.memory_space<vmem>>
        %dma_wait3A_128 = arith.constant 0 : i32
        %dma_wait3A_129 = arith.constant 0 : i32
        %dma_wait3A_130 = tpu.memref_slice %arg2[%dma_wait3A_128, %dma_wait3A_129] : memref<10000x128xf32, #tpu.memory_space<hbm>> -> memref<10000x128xf32, #tpu.memory_space<hbm>>
        tpu.wait_indirect_dma semaphore(%arg16 : memref<!tpu.dma_semaphore, #tpu.memory_space<semaphore_mem>>) src(%dma_wait3A_130 : memref<10000x128xf32, #tpu.memory_space<hbm>>) dst(%arg11 : memref<64x128xf32, #tpu.memory_space<vmem>>)
        %mul3A_131 = arith.constant 4 : i32
        %mul3A_132 = arith.muli %scan3A_42, %mul3A_131 : i32
        %add3A_133 = arith.constant 2 : i32
        %add3A_134 = arith.addi %mul3A_132, %add3A_133 : i32
        %dma_start3A_135 = arith.constant 0 : i32
        %dma_start3A_136 = tpu.memref_slice %arg8[%add3A_134, %dma_start3A_135] : memref<32x64xi32, #tpu.memory_space<vmem>> -> memref<1x64xi32, #tpu.memory_space<vmem>>
        %dma_start3A_137 = tpu.memref_squeeze %dma_start3A_136 : memref<1x64xi32, #tpu.memory_space<vmem>> -> memref<64xi32, #tpu.memory_space<vmem>>
        %dma_start3A_138 = arith.constant 0 : i32
        %dma_start3A_139 = arith.constant 0 : i32
        %dma_start3A_140 = tpu.memref_slice %arg13[%dma_start3A_138, %dma_start3A_139] : memref<10008x128xf32, #tpu.memory_space<vmem_shared>> -> memref<10008x128xf32, #tpu.memory_space<vmem_shared>>
        tpu.enqueue_indirect_dma source(%arg11 : memref<64x128xf32, #tpu.memory_space<vmem>>) target(%dma_start3A_140 : memref<10008x128xf32, #tpu.memory_space<vmem_shared>>) offsets(%dma_start3A_137 : memref<64xi32, #tpu.memory_space<vmem>>) semaphore(%arg20 : memref<!tpu.dma_semaphore, #tpu.memory_space<semaphore_mem>>) {add = true}
        %mul3A_141 = arith.constant 4 : i32
        %mul3A_142 = arith.muli %scan3A_42, %mul3A_141 : i32
        %add3A_143 = arith.constant 3 : i32
        %add3A_144 = arith.addi %mul3A_142, %add3A_143 : i32
        %dma_wait3A_145 = arith.constant 0 : i32
        %dma_wait3A_146 = tpu.memref_slice %arg7[%add3A_144, %dma_wait3A_145] : memref<32x64xi32, #tpu.memory_space<vmem>> -> memref<1x64xi32, #tpu.memory_space<vmem>>
        %dma_wait3A_147 = tpu.memref_squeeze %dma_wait3A_146 : memref<1x64xi32, #tpu.memory_space<vmem>> -> memref<64xi32, #tpu.memory_space<vmem>>
        %dma_wait3A_148 = arith.constant 0 : i32
        %dma_wait3A_149 = arith.constant 0 : i32
        %dma_wait3A_150 = tpu.memref_slice %arg2[%dma_wait3A_148, %dma_wait3A_149] : memref<10000x128xf32, #tpu.memory_space<hbm>> -> memref<10000x128xf32, #tpu.memory_space<hbm>>
        tpu.wait_indirect_dma semaphore(%arg17 : memref<!tpu.dma_semaphore, #tpu.memory_space<semaphore_mem>>) src(%dma_wait3A_150 : memref<10000x128xf32, #tpu.memory_space<hbm>>) dst(%arg12 : memref<64x128xf32, #tpu.memory_space<vmem>>)
        %mul3A_151 = arith.constant 4 : i32
        %mul3A_152 = arith.muli %scan3A_42, %mul3A_151 : i32
        %add3A_153 = arith.constant 3 : i32
        %add3A_154 = arith.addi %mul3A_152, %add3A_153 : i32
        %dma_start3A_155 = arith.constant 0 : i32
        %dma_start3A_156 = tpu.memref_slice %arg8[%add3A_154, %dma_start3A_155] : memref<32x64xi32, #tpu.memory_space<vmem>> -> memref<1x64xi32, #tpu.memory_space<vmem>>
        %dma_start3A_157 = tpu.memref_squeeze %dma_start3A_156 : memref<1x64xi32, #tpu.memory_space<vmem>> -> memref<64xi32, #tpu.memory_space<vmem>>
        %dma_start3A_158 = arith.constant 0 : i32
        %dma_start3A_159 = arith.constant 0 : i32
        %dma_start3A_160 = tpu.memref_slice %arg13[%dma_start3A_158, %dma_start3A_159] : memref<10008x128xf32, #tpu.memory_space<vmem_shared>> -> memref<10008x128xf32, #tpu.memory_space<vmem_shared>>
        tpu.enqueue_indirect_dma source(%arg12 : memref<64x128xf32, #tpu.memory_space<vmem>>) target(%dma_start3A_160 : memref<10008x128xf32, #tpu.memory_space<vmem_shared>>) offsets(%dma_start3A_157 : memref<64xi32, #tpu.memory_space<vmem>>) semaphore(%arg21 : memref<!tpu.dma_semaphore, #tpu.memory_space<semaphore_mem>>) {add = true}
        %mul3A_161 = arith.constant 4 : i32
        %mul3A_162 = arith.muli %scan3A_42, %mul3A_161 : i32
        %add3A_163 = arith.constant 0 : i32
        %add3A_164 = arith.addi %mul3A_162, %add3A_163 : i32
        %dma_wait3A_165 = arith.constant 0 : i32
        %dma_wait3A_166 = tpu.memref_slice %arg8[%add3A_164, %dma_wait3A_165] : memref<32x64xi32, #tpu.memory_space<vmem>> -> memref<1x64xi32, #tpu.memory_space<vmem>>
        %dma_wait3A_167 = tpu.memref_squeeze %dma_wait3A_166 : memref<1x64xi32, #tpu.memory_space<vmem>> -> memref<64xi32, #tpu.memory_space<vmem>>
        %dma_wait3A_168 = arith.constant 0 : i32
        %dma_wait3A_169 = arith.constant 0 : i32
        %dma_wait3A_170 = tpu.memref_slice %arg13[%dma_wait3A_168, %dma_wait3A_169] : memref<10008x128xf32, #tpu.memory_space<vmem_shared>> -> memref<10008x128xf32, #tpu.memory_space<vmem_shared>>
        tpu.wait_indirect_dma semaphore(%arg18 : memref<!tpu.dma_semaphore, #tpu.memory_space<semaphore_mem>>) src(%arg9 : memref<64x128xf32, #tpu.memory_space<vmem>>) dst(%dma_wait3A_170 : memref<10008x128xf32, #tpu.memory_space<vmem_shared>>)
        %mul3A_171 = arith.constant 4 : i32
        %mul3A_172 = arith.muli %scan3A_42, %mul3A_171 : i32
        %add3A_173 = arith.constant 1 : i32
        %add3A_174 = arith.addi %mul3A_172, %add3A_173 : i32
        %dma_wait3A_175 = arith.constant 0 : i32
        %dma_wait3A_176 = tpu.memref_slice %arg8[%add3A_174, %dma_wait3A_175] : memref<32x64xi32, #tpu.memory_space<vmem>> -> memref<1x64xi32, #tpu.memory_space<vmem>>
        %dma_wait3A_177 = tpu.memref_squeeze %dma_wait3A_176 : memref<1x64xi32, #tpu.memory_space<vmem>> -> memref<64xi32, #tpu.memory_space<vmem>>
        %dma_wait3A_178 = arith.constant 0 : i32
        %dma_wait3A_179 = arith.constant 0 : i32
        %dma_wait3A_180 = tpu.memref_slice %arg13[%dma_wait3A_178, %dma_wait3A_179] : memref<10008x128xf32, #tpu.memory_space<vmem_shared>> -> memref<10008x128xf32, #tpu.memory_space<vmem_shared>>
        tpu.wait_indirect_dma semaphore(%arg19 : memref<!tpu.dma_semaphore, #tpu.memory_space<semaphore_mem>>) src(%arg10 : memref<64x128xf32, #tpu.memory_space<vmem>>) dst(%dma_wait3A_180 : memref<10008x128xf32, #tpu.memory_space<vmem_shared>>)
        %mul3A_181 = arith.constant 4 : i32
        %mul3A_182 = arith.muli %scan3A_42, %mul3A_181 : i32
        %add3A_183 = arith.constant 2 : i32
        %add3A_184 = arith.addi %mul3A_182, %add3A_183 : i32
        %dma_wait3A_185 = arith.constant 0 : i32
        %dma_wait3A_186 = tpu.memref_slice %arg8[%add3A_184, %dma_wait3A_185] : memref<32x64xi32, #tpu.memory_space<vmem>> -> memref<1x64xi32, #tpu.memory_space<vmem>>
        %dma_wait3A_187 = tpu.memref_squeeze %dma_wait3A_186 : memref<1x64xi32, #tpu.memory_space<vmem>> -> memref<64xi32, #tpu.memory_space<vmem>>
        %dma_wait3A_188 = arith.constant 0 : i32
        %dma_wait3A_189 = arith.constant 0 : i32
        %dma_wait3A_190 = tpu.memref_slice %arg13[%dma_wait3A_188, %dma_wait3A_189] : memref<10008x128xf32, #tpu.memory_space<vmem_shared>> -> memref<10008x128xf32, #tpu.memory_space<vmem_shared>>
        tpu.wait_indirect_dma semaphore(%arg20 : memref<!tpu.dma_semaphore, #tpu.memory_space<semaphore_mem>>) src(%arg11 : memref<64x128xf32, #tpu.memory_space<vmem>>) dst(%dma_wait3A_190 : memref<10008x128xf32, #tpu.memory_space<vmem_shared>>)
        %mul3A_191 = arith.constant 4 : i32
        %mul3A_192 = arith.muli %scan3A_42, %mul3A_191 : i32
        %add3A_193 = arith.constant 3 : i32
        %add3A_194 = arith.addi %mul3A_192, %add3A_193 : i32
        %dma_wait3A_195 = arith.constant 0 : i32
        %dma_wait3A_196 = tpu.memref_slice %arg8[%add3A_194, %dma_wait3A_195] : memref<32x64xi32, #tpu.memory_space<vmem>> -> memref<1x64xi32, #tpu.memory_space<vmem>>
        %dma_wait3A_197 = tpu.memref_squeeze %dma_wait3A_196 : memref<1x64xi32, #tpu.memory_space<vmem>> -> memref<64xi32, #tpu.memory_space<vmem>>
        %dma_wait3A_198 = arith.constant 0 : i32
        %dma_wait3A_199 = arith.constant 0 : i32
        %dma_wait3A_200 = tpu.memref_slice %arg13[%dma_wait3A_198, %dma_wait3A_199] : memref<10008x128xf32, #tpu.memory_space<vmem_shared>> -> memref<10008x128xf32, #tpu.memory_space<vmem_shared>>
        tpu.wait_indirect_dma semaphore(%arg21 : memref<!tpu.dma_semaphore, #tpu.memory_space<semaphore_mem>>) src(%arg12 : memref<64x128xf32, #tpu.memory_space<vmem>>) dst(%dma_wait3A_200 : memref<10008x128xf32, #tpu.memory_space<vmem_shared>>)
      }
      %scan3A_41 = arith.constant 8 : i32
    }
    %while3A_22 = arith.constant 1 : i32
    scf.for %while3A_33 = %while3A_20 to %while3A_16 step %while3A_22  : i32 {
      %mul3A_34 = arith.constant 32 : i32
      %mul3A_35 = arith.muli %while3A_33, %mul3A_34 : i32
      %add3A_36 = arith.addi %select_n3A, %mul3A_35 : i32
      "tpu.region"() ({
        %run_scoped3A = tpu.sem_alloc : memref<!tpu.dma_semaphore, #tpu.memory_space<semaphore_mem>>
        %dma_start3A = arith.constant 0 : i32
        %dma_start3A_42 = tpu.memref_slice %arg3[%add3A_36, %dma_start3A] : memref<5120x64xi32, #tpu.memory_space<hbm>> -> memref<32x64xi32, #tpu.memory_space<hbm>>
        %dma_start3A_43 = arith.constant 0 : i32
        %dma_start3A_44 = tpu.memref_slice %arg3[%add3A_36, %dma_start3A_43] : memref<5120x64xi32, #tpu.memory_space<hbm>> -> memref<32x64xi32, #tpu.memory_space<hbm>>
        tpu.enqueue_dma source(%dma_start3A_44 : memref<32x64xi32, #tpu.memory_space<hbm>>) target(%arg7 : memref<32x64xi32, #tpu.memory_space<vmem>>) target_semaphore(%run_scoped3A : memref<!tpu.dma_semaphore, #tpu.memory_space<semaphore_mem>>)
        %dma_wait3A = arith.constant 0 : i32
        %dma_wait3A_45 = tpu.memref_slice %arg3[%add3A_36, %dma_wait3A] : memref<5120x64xi32, #tpu.memory_space<hbm>> -> memref<32x64xi32, #tpu.memory_space<hbm>>
        %dma_wait3A_46 = arith.constant 0 : i32
        %dma_wait3A_47 = tpu.memref_slice %arg3[%add3A_36, %dma_wait3A_46] : memref<5120x64xi32, #tpu.memory_space<hbm>> -> memref<32x64xi32, #tpu.memory_space<hbm>>
        tpu.wait_dma2 semaphore(%run_scoped3A : memref<!tpu.dma_semaphore, #tpu.memory_space<semaphore_mem>>) src(%dma_wait3A_47 : memref<32x64xi32, #tpu.memory_space<hbm>>) dst(%arg7 : memref<32x64xi32, #tpu.memory_space<vmem>>)
        tpu.yield
      }) : () -> ()
      "tpu.region"() ({
        %run_scoped3A = tpu.sem_alloc : memref<!tpu.dma_semaphore, #tpu.memory_space<semaphore_mem>>
        %dma_start3A = arith.constant 0 : i32
        %dma_start3A_42 = tpu.memref_slice %arg4[%add3A_36, %dma_start3A] : memref<5120x64xi32, #tpu.memory_space<hbm>> -> memref<32x64xi32, #tpu.memory_space<hbm>>
        %dma_start3A_43 = arith.constant 0 : i32
        %dma_start3A_44 = tpu.memref_slice %arg4[%add3A_36, %dma_start3A_43] : memref<5120x64xi32, #tpu.memory_space<hbm>> -> memref<32x64xi32, #tpu.memory_space<hbm>>
        tpu.enqueue_dma source(%dma_start3A_44 : memref<32x64xi32, #tpu.memory_space<hbm>>) target(%arg8 : memref<32x64xi32, #tpu.memory_space<vmem>>) target_semaphore(%run_scoped3A : memref<!tpu.dma_semaphore, #tpu.memory_space<semaphore_mem>>)
        %dma_wait3A = arith.constant 0 : i32
        %dma_wait3A_45 = tpu.memref_slice %arg4[%add3A_36, %dma_wait3A] : memref<5120x64xi32, #tpu.memory_space<hbm>> -> memref<32x64xi32, #tpu.memory_space<hbm>>
        %dma_wait3A_46 = arith.constant 0 : i32
        %dma_wait3A_47 = tpu.memref_slice %arg4[%add3A_36, %dma_wait3A_46] : memref<5120x64xi32, #tpu.memory_space<hbm>> -> memref<32x64xi32, #tpu.memory_space<hbm>>
        tpu.wait_dma2 semaphore(%run_scoped3A : memref<!tpu.dma_semaphore, #tpu.memory_space<semaphore_mem>>) src(%dma_wait3A_47 : memref<32x64xi32, #tpu.memory_space<hbm>>) dst(%arg8 : memref<32x64xi32, #tpu.memory_space<vmem>>)
        tpu.yield
      }) : () -> ()
      %scan3A = arith.constant 0 : i32
      %scan3A_37 = arith.constant 0 : i32
      %scan3A_38 = arith.constant 8 : i32
      %scan3A_39 = arith.addi %scan3A_37, %scan3A_38 : i32
      %scan3A_40 = arith.constant 1 : i32
      scf.for %scan3A_42 = %scan3A_37 to %scan3A_39 step %scan3A_40  : i32 {
        %mul3A_43 = arith.constant 4 : i32
        %mul3A_44 = arith.muli %scan3A_42, %mul3A_43 : i32
        %add3A_45 = arith.constant 0 : i32
        %add3A_46 = arith.addi %mul3A_44, %add3A_45 : i32
        %dma_start3A = arith.constant 0 : i32
        %dma_start3A_47 = tpu.memref_slice %arg7[%add3A_46, %dma_start3A] : memref<32x64xi32, #tpu.memory_space<vmem>> -> memref<1x64xi32, #tpu.memory_space<vmem>>
        %dma_start3A_48 = tpu.memref_squeeze %dma_start3A_47 : memref<1x64xi32, #tpu.memory_space<vmem>> -> memref<64xi32, #tpu.memory_space<vmem>>
        %dma_start3A_49 = arith.constant 0 : i32
        %dma_start3A_50 = arith.constant 0 : i32
        %dma_start3A_51 = tpu.memref_slice %arg2[%dma_start3A_49, %dma_start3A_50] : memref<10000x128xf32, #tpu.memory_space<hbm>> -> memref<10000x128xf32, #tpu.memory_space<hbm>>
        tpu.enqueue_indirect_dma source(%dma_start3A_51 : memref<10000x128xf32, #tpu.memory_space<hbm>>) target(%arg9 : memref<64x128xf32, #tpu.memory_space<vmem>>) offsets(%dma_start3A_48 : memref<64xi32, #tpu.memory_space<vmem>>) semaphore(%arg14 : memref<!tpu.dma_semaphore, #tpu.memory_space<semaphore_mem>>)
        %mul3A_52 = arith.constant 4 : i32
        %mul3A_53 = arith.muli %scan3A_42, %mul3A_52 : i32
        %add3A_54 = arith.constant 1 : i32
        %add3A_55 = arith.addi %mul3A_53, %add3A_54 : i32
        %dma_start3A_56 = arith.constant 0 : i32
        %dma_start3A_57 = tpu.memref_slice %arg7[%add3A_55, %dma_start3A_56] : memref<32x64xi32, #tpu.memory_space<vmem>> -> memref<1x64xi32, #tpu.memory_space<vmem>>
        %dma_start3A_58 = tpu.memref_squeeze %dma_start3A_57 : memref<1x64xi32, #tpu.memory_space<vmem>> -> memref<64xi32, #tpu.memory_space<vmem>>
        %dma_start3A_59 = arith.constant 0 : i32
        %dma_start3A_60 = arith.constant 0 : i32
        %dma_start3A_61 = tpu.memref_slice %arg2[%dma_start3A_59, %dma_start3A_60] : memref<10000x128xf32, #tpu.memory_space<hbm>> -> memref<10000x128xf32, #tpu.memory_space<hbm>>
        tpu.enqueue_indirect_dma source(%dma_start3A_61 : memref<10000x128xf32, #tpu.memory_space<hbm>>) target(%arg10 : memref<64x128xf32, #tpu.memory_space<vmem>>) offsets(%dma_start3A_58 : memref<64xi32, #tpu.memory_space<vmem>>) semaphore(%arg15 : memref<!tpu.dma_semaphore, #tpu.memory_space<semaphore_mem>>)
        %mul3A_62 = arith.constant 4 : i32
        %mul3A_63 = arith.muli %scan3A_42, %mul3A_62 : i32
        %add3A_64 = arith.constant 2 : i32
        %add3A_65 = arith.addi %mul3A_63, %add3A_64 : i32
        %dma_start3A_66 = arith.constant 0 : i32
        %dma_start3A_67 = tpu.memref_slice %arg7[%add3A_65, %dma_start3A_66] : memref<32x64xi32, #tpu.memory_space<vmem>> -> memref<1x64xi32, #tpu.memory_space<vmem>>
        %dma_start3A_68 = tpu.memref_squeeze %dma_start3A_67 : memref<1x64xi32, #tpu.memory_space<vmem>> -> memref<64xi32, #tpu.memory_space<vmem>>
        %dma_start3A_69 = arith.constant 0 : i32
        %dma_start3A_70 = arith.constant 0 : i32
        %dma_start3A_71 = tpu.memref_slice %arg2[%dma_start3A_69, %dma_start3A_70] : memref<10000x128xf32, #tpu.memory_space<hbm>> -> memref<10000x128xf32, #tpu.memory_space<hbm>>
        tpu.enqueue_indirect_dma source(%dma_start3A_71 : memref<10000x128xf32, #tpu.memory_space<hbm>>) target(%arg11 : memref<64x128xf32, #tpu.memory_space<vmem>>) offsets(%dma_start3A_68 : memref<64xi32, #tpu.memory_space<vmem>>) semaphore(%arg16 : memref<!tpu.dma_semaphore, #tpu.memory_space<semaphore_mem>>)
        %mul3A_72 = arith.constant 4 : i32
        %mul3A_73 = arith.muli %scan3A_42, %mul3A_72 : i32
        %add3A_74 = arith.constant 3 : i32
        %add3A_75 = arith.addi %mul3A_73, %add3A_74 : i32
        %dma_start3A_76 = arith.constant 0 : i32
        %dma_start3A_77 = tpu.memref_slice %arg7[%add3A_75, %dma_start3A_76] : memref<32x64xi32, #tpu.memory_space<vmem>> -> memref<1x64xi32, #tpu.memory_space<vmem>>
        %dma_start3A_78 = tpu.memref_squeeze %dma_start3A_77 : memref<1x64xi32, #tpu.memory_space<vmem>> -> memref<64xi32, #tpu.memory_space<vmem>>
        %dma_start3A_79 = arith.constant 0 : i32
        %dma_start3A_80 = arith.constant 0 : i32
        %dma_start3A_81 = tpu.memref_slice %arg2[%dma_start3A_79, %dma_start3A_80] : memref<10000x128xf32, #tpu.memory_space<hbm>> -> memref<10000x128xf32, #tpu.memory_space<hbm>>
        tpu.enqueue_indirect_dma source(%dma_start3A_81 : memref<10000x128xf32, #tpu.memory_space<hbm>>) target(%arg12 : memref<64x128xf32, #tpu.memory_space<vmem>>) offsets(%dma_start3A_78 : memref<64xi32, #tpu.memory_space<vmem>>) semaphore(%arg17 : memref<!tpu.dma_semaphore, #tpu.memory_space<semaphore_mem>>)
        %mul3A_82 = arith.constant 4 : i32
        %mul3A_83 = arith.muli %scan3A_42, %mul3A_82 : i32
        %add3A_84 = arith.constant 0 : i32
        %add3A_85 = arith.addi %mul3A_83, %add3A_84 : i32
        %dma_wait3A = arith.constant 0 : i32
        %dma_wait3A_86 = tpu.memref_slice %arg7[%add3A_85, %dma_wait3A] : memref<32x64xi32, #tpu.memory_space<vmem>> -> memref<1x64xi32, #tpu.memory_space<vmem>>
        %dma_wait3A_87 = tpu.memref_squeeze %dma_wait3A_86 : memref<1x64xi32, #tpu.memory_space<vmem>> -> memref<64xi32, #tpu.memory_space<vmem>>
        %dma_wait3A_88 = arith.constant 0 : i32
        %dma_wait3A_89 = arith.constant 0 : i32
        %dma_wait3A_90 = tpu.memref_slice %arg2[%dma_wait3A_88, %dma_wait3A_89] : memref<10000x128xf32, #tpu.memory_space<hbm>> -> memref<10000x128xf32, #tpu.memory_space<hbm>>
        tpu.wait_indirect_dma semaphore(%arg14 : memref<!tpu.dma_semaphore, #tpu.memory_space<semaphore_mem>>) src(%dma_wait3A_90 : memref<10000x128xf32, #tpu.memory_space<hbm>>) dst(%arg9 : memref<64x128xf32, #tpu.memory_space<vmem>>)
        %mul3A_91 = arith.constant 4 : i32
        %mul3A_92 = arith.muli %scan3A_42, %mul3A_91 : i32
        %add3A_93 = arith.constant 0 : i32
        %add3A_94 = arith.addi %mul3A_92, %add3A_93 : i32
        %dma_start3A_95 = arith.constant 0 : i32
        %dma_start3A_96 = tpu.memref_slice %arg8[%add3A_94, %dma_start3A_95] : memref<32x64xi32, #tpu.memory_space<vmem>> -> memref<1x64xi32, #tpu.memory_space<vmem>>
        %dma_start3A_97 = tpu.memref_squeeze %dma_start3A_96 : memref<1x64xi32, #tpu.memory_space<vmem>> -> memref<64xi32, #tpu.memory_space<vmem>>
        %dma_start3A_98 = arith.constant 0 : i32
        %dma_start3A_99 = arith.constant 0 : i32
        %dma_start3A_100 = tpu.memref_slice %arg13[%dma_start3A_98, %dma_start3A_99] : memref<10008x128xf32, #tpu.memory_space<vmem_shared>> -> memref<10008x128xf32, #tpu.memory_space<vmem_shared>>
        tpu.enqueue_indirect_dma source(%arg9 : memref<64x128xf32, #tpu.memory_space<vmem>>) target(%dma_start3A_100 : memref<10008x128xf32, #tpu.memory_space<vmem_shared>>) offsets(%dma_start3A_97 : memref<64xi32, #tpu.memory_space<vmem>>) semaphore(%arg18 : memref<!tpu.dma_semaphore, #tpu.memory_space<semaphore_mem>>) {add = true}
        %mul3A_101 = arith.constant 4 : i32
        %mul3A_102 = arith.muli %scan3A_42, %mul3A_101 : i32
        %add3A_103 = arith.constant 1 : i32
        %add3A_104 = arith.addi %mul3A_102, %add3A_103 : i32
        %dma_wait3A_105 = arith.constant 0 : i32
        %dma_wait3A_106 = tpu.memref_slice %arg7[%add3A_104, %dma_wait3A_105] : memref<32x64xi32, #tpu.memory_space<vmem>> -> memref<1x64xi32, #tpu.memory_space<vmem>>
        %dma_wait3A_107 = tpu.memref_squeeze %dma_wait3A_106 : memref<1x64xi32, #tpu.memory_space<vmem>> -> memref<64xi32, #tpu.memory_space<vmem>>
        %dma_wait3A_108 = arith.constant 0 : i32
        %dma_wait3A_109 = arith.constant 0 : i32
        %dma_wait3A_110 = tpu.memref_slice %arg2[%dma_wait3A_108, %dma_wait3A_109] : memref<10000x128xf32, #tpu.memory_space<hbm>> -> memref<10000x128xf32, #tpu.memory_space<hbm>>
        tpu.wait_indirect_dma semaphore(%arg15 : memref<!tpu.dma_semaphore, #tpu.memory_space<semaphore_mem>>) src(%dma_wait3A_110 : memref<10000x128xf32, #tpu.memory_space<hbm>>) dst(%arg10 : memref<64x128xf32, #tpu.memory_space<vmem>>)
        %mul3A_111 = arith.constant 4 : i32
        %mul3A_112 = arith.muli %scan3A_42, %mul3A_111 : i32
        %add3A_113 = arith.constant 1 : i32
        %add3A_114 = arith.addi %mul3A_112, %add3A_113 : i32
        %dma_start3A_115 = arith.constant 0 : i32
        %dma_start3A_116 = tpu.memref_slice %arg8[%add3A_114, %dma_start3A_115] : memref<32x64xi32, #tpu.memory_space<vmem>> -> memref<1x64xi32, #tpu.memory_space<vmem>>
        %dma_start3A_117 = tpu.memref_squeeze %dma_start3A_116 : memref<1x64xi32, #tpu.memory_space<vmem>> -> memref<64xi32, #tpu.memory_space<vmem>>
        %dma_start3A_118 = arith.constant 0 : i32
        %dma_start3A_119 = arith.constant 0 : i32
        %dma_start3A_120 = tpu.memref_slice %arg13[%dma_start3A_118, %dma_start3A_119] : memref<10008x128xf32, #tpu.memory_space<vmem_shared>> -> memref<10008x128xf32, #tpu.memory_space<vmem_shared>>
        tpu.enqueue_indirect_dma source(%arg10 : memref<64x128xf32, #tpu.memory_space<vmem>>) target(%dma_start3A_120 : memref<10008x128xf32, #tpu.memory_space<vmem_shared>>) offsets(%dma_start3A_117 : memref<64xi32, #tpu.memory_space<vmem>>) semaphore(%arg19 : memref<!tpu.dma_semaphore, #tpu.memory_space<semaphore_mem>>) {add = true}
        %mul3A_121 = arith.constant 4 : i32
        %mul3A_122 = arith.muli %scan3A_42, %mul3A_121 : i32
        %add3A_123 = arith.constant 2 : i32
        %add3A_124 = arith.addi %mul3A_122, %add3A_123 : i32
        %dma_wait3A_125 = arith.constant 0 : i32
        %dma_wait3A_126 = tpu.memref_slice %arg7[%add3A_124, %dma_wait3A_125] : memref<32x64xi32, #tpu.memory_space<vmem>> -> memref<1x64xi32, #tpu.memory_space<vmem>>
        %dma_wait3A_127 = tpu.memref_squeeze %dma_wait3A_126 : memref<1x64xi32, #tpu.memory_space<vmem>> -> memref<64xi32, #tpu.memory_space<vmem>>
        %dma_wait3A_128 = arith.constant 0 : i32
        %dma_wait3A_129 = arith.constant 0 : i32
        %dma_wait3A_130 = tpu.memref_slice %arg2[%dma_wait3A_128, %dma_wait3A_129] : memref<10000x128xf32, #tpu.memory_space<hbm>> -> memref<10000x128xf32, #tpu.memory_space<hbm>>
        tpu.wait_indirect_dma semaphore(%arg16 : memref<!tpu.dma_semaphore, #tpu.memory_space<semaphore_mem>>) src(%dma_wait3A_130 : memref<10000x128xf32, #tpu.memory_space<hbm>>) dst(%arg11 : memref<64x128xf32, #tpu.memory_space<vmem>>)
        %mul3A_131 = arith.constant 4 : i32
        %mul3A_132 = arith.muli %scan3A_42, %mul3A_131 : i32
        %add3A_133 = arith.constant 2 : i32
        %add3A_134 = arith.addi %mul3A_132, %add3A_133 : i32
        %dma_start3A_135 = arith.constant 0 : i32
        %dma_start3A_136 = tpu.memref_slice %arg8[%add3A_134, %dma_start3A_135] : memref<32x64xi32, #tpu.memory_space<vmem>> -> memref<1x64xi32, #tpu.memory_space<vmem>>
        %dma_start3A_137 = tpu.memref_squeeze %dma_start3A_136 : memref<1x64xi32, #tpu.memory_space<vmem>> -> memref<64xi32, #tpu.memory_space<vmem>>
        %dma_start3A_138 = arith.constant 0 : i32
        %dma_start3A_139 = arith.constant 0 : i32
        %dma_start3A_140 = tpu.memref_slice %arg13[%dma_start3A_138, %dma_start3A_139] : memref<10008x128xf32, #tpu.memory_space<vmem_shared>> -> memref<10008x128xf32, #tpu.memory_space<vmem_shared>>
        tpu.enqueue_indirect_dma source(%arg11 : memref<64x128xf32, #tpu.memory_space<vmem>>) target(%dma_start3A_140 : memref<10008x128xf32, #tpu.memory_space<vmem_shared>>) offsets(%dma_start3A_137 : memref<64xi32, #tpu.memory_space<vmem>>) semaphore(%arg20 : memref<!tpu.dma_semaphore, #tpu.memory_space<semaphore_mem>>) {add = true}
        %mul3A_141 = arith.constant 4 : i32
        %mul3A_142 = arith.muli %scan3A_42, %mul3A_141 : i32
        %add3A_143 = arith.constant 3 : i32
        %add3A_144 = arith.addi %mul3A_142, %add3A_143 : i32
        %dma_wait3A_145 = arith.constant 0 : i32
        %dma_wait3A_146 = tpu.memref_slice %arg7[%add3A_144, %dma_wait3A_145] : memref<32x64xi32, #tpu.memory_space<vmem>> -> memref<1x64xi32, #tpu.memory_space<vmem>>
        %dma_wait3A_147 = tpu.memref_squeeze %dma_wait3A_146 : memref<1x64xi32, #tpu.memory_space<vmem>> -> memref<64xi32, #tpu.memory_space<vmem>>
        %dma_wait3A_148 = arith.constant 0 : i32
        %dma_wait3A_149 = arith.constant 0 : i32
        %dma_wait3A_150 = tpu.memref_slice %arg2[%dma_wait3A_148, %dma_wait3A_149] : memref<10000x128xf32, #tpu.memory_space<hbm>> -> memref<10000x128xf32, #tpu.memory_space<hbm>>
        tpu.wait_indirect_dma semaphore(%arg17 : memref<!tpu.dma_semaphore, #tpu.memory_space<semaphore_mem>>) src(%dma_wait3A_150 : memref<10000x128xf32, #tpu.memory_space<hbm>>) dst(%arg12 : memref<64x128xf32, #tpu.memory_space<vmem>>)
        %mul3A_151 = arith.constant 4 : i32
        %mul3A_152 = arith.muli %scan3A_42, %mul3A_151 : i32
        %add3A_153 = arith.constant 3 : i32
        %add3A_154 = arith.addi %mul3A_152, %add3A_153 : i32
        %dma_start3A_155 = arith.constant 0 : i32
        %dma_start3A_156 = tpu.memref_slice %arg8[%add3A_154, %dma_start3A_155] : memref<32x64xi32, #tpu.memory_space<vmem>> -> memref<1x64xi32, #tpu.memory_space<vmem>>
        %dma_start3A_157 = tpu.memref_squeeze %dma_start3A_156 : memref<1x64xi32, #tpu.memory_space<vmem>> -> memref<64xi32, #tpu.memory_space<vmem>>
        %dma_start3A_158 = arith.constant 0 : i32
        %dma_start3A_159 = arith.constant 0 : i32
        %dma_start3A_160 = tpu.memref_slice %arg13[%dma_start3A_158, %dma_start3A_159] : memref<10008x128xf32, #tpu.memory_space<vmem_shared>> -> memref<10008x128xf32, #tpu.memory_space<vmem_shared>>
        tpu.enqueue_indirect_dma source(%arg12 : memref<64x128xf32, #tpu.memory_space<vmem>>) target(%dma_start3A_160 : memref<10008x128xf32, #tpu.memory_space<vmem_shared>>) offsets(%dma_start3A_157 : memref<64xi32, #tpu.memory_space<vmem>>) semaphore(%arg21 : memref<!tpu.dma_semaphore, #tpu.memory_space<semaphore_mem>>) {add = true}
        %mul3A_161 = arith.constant 4 : i32
        %mul3A_162 = arith.muli %scan3A_42, %mul3A_161 : i32
        %add3A_163 = arith.constant 0 : i32
        %add3A_164 = arith.addi %mul3A_162, %add3A_163 : i32
        %dma_wait3A_165 = arith.constant 0 : i32
        %dma_wait3A_166 = tpu.memref_slice %arg8[%add3A_164, %dma_wait3A_165] : memref<32x64xi32, #tpu.memory_space<vmem>> -> memref<1x64xi32, #tpu.memory_space<vmem>>
        %dma_wait3A_167 = tpu.memref_squeeze %dma_wait3A_166 : memref<1x64xi32, #tpu.memory_space<vmem>> -> memref<64xi32, #tpu.memory_space<vmem>>
        %dma_wait3A_168 = arith.constant 0 : i32
        %dma_wait3A_169 = arith.constant 0 : i32
        %dma_wait3A_170 = tpu.memref_slice %arg13[%dma_wait3A_168, %dma_wait3A_169] : memref<10008x128xf32, #tpu.memory_space<vmem_shared>> -> memref<10008x128xf32, #tpu.memory_space<vmem_shared>>
        tpu.wait_indirect_dma semaphore(%arg18 : memref<!tpu.dma_semaphore, #tpu.memory_space<semaphore_mem>>) src(%arg9 : memref<64x128xf32, #tpu.memory_space<vmem>>) dst(%dma_wait3A_170 : memref<10008x128xf32, #tpu.memory_space<vmem_shared>>)
        %mul3A_171 = arith.constant 4 : i32
        %mul3A_172 = arith.muli %scan3A_42, %mul3A_171 : i32
        %add3A_173 = arith.constant 1 : i32
        %add3A_174 = arith.addi %mul3A_172, %add3A_173 : i32
        %dma_wait3A_175 = arith.constant 0 : i32
        %dma_wait3A_176 = tpu.memref_slice %arg8[%add3A_174, %dma_wait3A_175] : memref<32x64xi32, #tpu.memory_space<vmem>> -> memref<1x64xi32, #tpu.memory_space<vmem>>
        %dma_wait3A_177 = tpu.memref_squeeze %dma_wait3A_176 : memref<1x64xi32, #tpu.memory_space<vmem>> -> memref<64xi32, #tpu.memory_space<vmem>>
        %dma_wait3A_178 = arith.constant 0 : i32
        %dma_wait3A_179 = arith.constant 0 : i32
        %dma_wait3A_180 = tpu.memref_slice %arg13[%dma_wait3A_178, %dma_wait3A_179] : memref<10008x128xf32, #tpu.memory_space<vmem_shared>> -> memref<10008x128xf32, #tpu.memory_space<vmem_shared>>
        tpu.wait_indirect_dma semaphore(%arg19 : memref<!tpu.dma_semaphore, #tpu.memory_space<semaphore_mem>>) src(%arg10 : memref<64x128xf32, #tpu.memory_space<vmem>>) dst(%dma_wait3A_180 : memref<10008x128xf32, #tpu.memory_space<vmem_shared>>)
        %mul3A_181 = arith.constant 4 : i32
        %mul3A_182 = arith.muli %scan3A_42, %mul3A_181 : i32
        %add3A_183 = arith.constant 2 : i32
        %add3A_184 = arith.addi %mul3A_182, %add3A_183 : i32
        %dma_wait3A_185 = arith.constant 0 : i32
        %dma_wait3A_186 = tpu.memref_slice %arg8[%add3A_184, %dma_wait3A_185] : memref<32x64xi32, #tpu.memory_space<vmem>> -> memref<1x64xi32, #tpu.memory_space<vmem>>
        %dma_wait3A_187 = tpu.memref_squeeze %dma_wait3A_186 : memref<1x64xi32, #tpu.memory_space<vmem>> -> memref<64xi32, #tpu.memory_space<vmem>>
        %dma_wait3A_188 = arith.constant 0 : i32
        %dma_wait3A_189 = arith.constant 0 : i32
        %dma_wait3A_190 = tpu.memref_slice %arg13[%dma_wait3A_188, %dma_wait3A_189] : memref<10008x128xf32, #tpu.memory_space<vmem_shared>> -> memref<10008x128xf32, #tpu.memory_space<vmem_shared>>
        tpu.wait_indirect_dma semaphore(%arg20 : memref<!tpu.dma_semaphore, #tpu.memory_space<semaphore_mem>>) src(%arg11 : memref<64x128xf32, #tpu.memory_space<vmem>>) dst(%dma_wait3A_190 : memref<10008x128xf32, #tpu.memory_space<vmem_shared>>)
        %mul3A_191 = arith.constant 4 : i32
        %mul3A_192 = arith.muli %scan3A_42, %mul3A_191 : i32
        %add3A_193 = arith.constant 3 : i32
        %add3A_194 = arith.addi %mul3A_192, %add3A_193 : i32
        %dma_wait3A_195 = arith.constant 0 : i32
        %dma_wait3A_196 = tpu.memref_slice %arg8[%add3A_194, %dma_wait3A_195] : memref<32x64xi32, #tpu.memory_space<vmem>> -> memref<1x64xi32, #tpu.memory_space<vmem>>
        %dma_wait3A_197 = tpu.memref_squeeze %dma_wait3A_196 : memref<1x64xi32, #tpu.memory_space<vmem>> -> memref<64xi32, #tpu.memory_space<vmem>>
        %dma_wait3A_198 = arith.constant 0 : i32
        %dma_wait3A_199 = arith.constant 0 : i32
        %dma_wait3A_200 = tpu.memref_slice %arg13[%dma_wait3A_198, %dma_wait3A_199] : memref<10008x128xf32, #tpu.memory_space<vmem_shared>> -> memref<10008x128xf32, #tpu.memory_space<vmem_shared>>
        tpu.wait_indirect_dma semaphore(%arg21 : memref<!tpu.dma_semaphore, #tpu.memory_space<semaphore_mem>>) src(%arg12 : memref<64x128xf32, #tpu.memory_space<vmem>>) dst(%dma_wait3A_200 : memref<10008x128xf32, #tpu.memory_space<vmem_shared>>)
      }
      %scan3A_41 = arith.constant 8 : i32
    }
    %barrier3A_23 = arith.constant 0 : index
    tpu.barrier barrier_id(%barrier3A_23)
    %mul3A_24 = arith.constant 624 : i32
    %mul3A_25 = arith.muli %arg1, %mul3A_24 : i32
    %mul3A_26 = arith.constant 624 : i32
    %mul3A_27 = arith.muli %arg1, %mul3A_26 : i32
    "tpu.region"() ({
      %run_scoped3A = tpu.sem_alloc : memref<!tpu.dma_semaphore, #tpu.memory_space<semaphore_mem>>
      %dma_start3A = arith.constant 0 : i32
      %dma_start3A_33 = tpu.memref_slice %arg6[%arg0, %mul3A_27, %dma_start3A] : memref<2x10000x128xf32, #tpu.memory_space<hbm>> -> memref<1x624x128xf32, #tpu.memory_space<hbm>>
      %dma_start3A_34 = tpu.memref_squeeze %dma_start3A_33 : memref<1x624x128xf32, #tpu.memory_space<hbm>> -> memref<624x128xf32, #tpu.memory_space<hbm>>
      %dma_start3A_35 = arith.constant 0 : i32
      %dma_start3A_36 = tpu.memref_slice %arg13[%mul3A_25, %dma_start3A_35] : memref<10008x128xf32, #tpu.memory_space<vmem_shared>> -> memref<624x128xf32, #tpu.memory_space<vmem_shared>>
      tpu.enqueue_dma source(%dma_start3A_36 : memref<624x128xf32, #tpu.memory_space<vmem_shared>>) target(%dma_start3A_34 : memref<624x128xf32, #tpu.memory_space<hbm>>) target_semaphore(%run_scoped3A : memref<!tpu.dma_semaphore, #tpu.memory_space<semaphore_mem>>)
      %dma_wait3A = arith.constant 0 : i32
      %dma_wait3A_37 = tpu.memref_slice %arg6[%arg0, %mul3A_27, %dma_wait3A] : memref<2x10000x128xf32, #tpu.memory_space<hbm>> -> memref<1x624x128xf32, #tpu.memory_space<hbm>>
      %dma_wait3A_38 = tpu.memref_squeeze %dma_wait3A_37 : memref<1x624x128xf32, #tpu.memory_space<hbm>> -> memref<624x128xf32, #tpu.memory_space<hbm>>
      %dma_wait3A_39 = arith.constant 0 : i32
      %dma_wait3A_40 = tpu.memref_slice %arg13[%mul3A_25, %dma_wait3A_39] : memref<10008x128xf32, #tpu.memory_space<vmem_shared>> -> memref<624x128xf32, #tpu.memory_space<vmem_shared>>
      tpu.wait_dma2 semaphore(%run_scoped3A : memref<!tpu.dma_semaphore, #tpu.memory_space<semaphore_mem>>) src(%dma_wait3A_40 : memref<624x128xf32, #tpu.memory_space<vmem_shared>>) dst(%dma_wait3A_38 : memref<624x128xf32, #tpu.memory_space<hbm>>)
      tpu.yield
    }) : () -> ()
    %eq3A_28 = arith.constant 0 : i32
    %eq3A_29 = arith.cmpi eq, %arg1, %eq3A_28 : i32
    %convert_element_type3A_30 = arith.extui %eq3A_29 : i1 to i32
    %cond3A_31 = arith.constant 0 : i32
    %cond3A_32 = arith.cmpi ne, %convert_element_type3A_30, %cond3A_31 : i32
    scf.if %cond3A_32 {
      "tpu.region"() ({
        %run_scoped3A = tpu.sem_alloc : memref<!tpu.dma_semaphore, #tpu.memory_space<semaphore_mem>>
        %dma_start3A = arith.constant 9984 : i32
        %dma_start3A_33 = arith.constant 0 : i32
        %dma_start3A_34 = tpu.memref_slice %arg6[%arg0, %dma_start3A, %dma_start3A_33] : memref<2x10000x128xf32, #tpu.memory_space<hbm>> -> memref<1x16x128xf32, #tpu.memory_space<hbm>>
        %dma_start3A_35 = tpu.memref_squeeze %dma_start3A_34 : memref<1x16x128xf32, #tpu.memory_space<hbm>> -> memref<16x128xf32, #tpu.memory_space<hbm>>
        %dma_start3A_36 = arith.constant 9984 : i32
        %dma_start3A_37 = arith.constant 0 : i32
        %dma_start3A_38 = tpu.memref_slice %arg13[%dma_start3A_36, %dma_start3A_37] : memref<10008x128xf32, #tpu.memory_space<vmem_shared>> -> memref<16x128xf32, #tpu.memory_space<vmem_shared>>
        tpu.enqueue_dma source(%dma_start3A_38 : memref<16x128xf32, #tpu.memory_space<vmem_shared>>) target(%dma_start3A_35 : memref<16x128xf32, #tpu.memory_space<hbm>>) target_semaphore(%run_scoped3A : memref<!tpu.dma_semaphore, #tpu.memory_space<semaphore_mem>>)
        %dma_wait3A = arith.constant 9984 : i32
        %dma_wait3A_39 = arith.constant 0 : i32
        %dma_wait3A_40 = tpu.memref_slice %arg6[%arg0, %dma_wait3A, %dma_wait3A_39] : memref<2x10000x128xf32, #tpu.memory_space<hbm>> -> memref<1x16x128xf32, #tpu.memory_space<hbm>>
        %dma_wait3A_41 = tpu.memref_squeeze %dma_wait3A_40 : memref<1x16x128xf32, #tpu.memory_space<hbm>> -> memref<16x128xf32, #tpu.memory_space<hbm>>
        %dma_wait3A_42 = arith.constant 9984 : i32
        %dma_wait3A_43 = arith.constant 0 : i32
        %dma_wait3A_44 = tpu.memref_slice %arg13[%dma_wait3A_42, %dma_wait3A_43] : memref<10008x128xf32, #tpu.memory_space<vmem_shared>> -> memref<16x128xf32, #tpu.memory_space<vmem_shared>>
        tpu.wait_dma2 semaphore(%run_scoped3A : memref<!tpu.dma_semaphore, #tpu.memory_space<semaphore_mem>>) src(%dma_wait3A_44 : memref<16x128xf32, #tpu.memory_space<vmem_shared>>) dst(%dma_wait3A_41 : memref<16x128xf32, #tpu.memory_space<hbm>>)
        tpu.yield
      }) : () -> ()
    } else {
    }
    return
  }
}

#map = affine_map<(d0, d1) -> (0, 0)>
#map1 = affine_map<(d0, d1) -> (0, 0, 0)>
module attributes {stable_mosaic.version = 14 : i64} {
  func.func @_deg_body(%arg0: i32, %arg1: i32, %arg2: memref<2560x128xi32, #tpu.memory_space<hbm>>, %arg3: memref<128x128xf32, #tpu.memory_space<hbm>>, %arg4: memref<624x128xf32, #tpu.memory_space<hbm>>, %arg5: memref<2x10000x128xf32, #tpu.memory_space<hbm>>, %arg6: memref<80x128xi32, #tpu.memory_space<vmem>>, %arg7: memref<128x128xf32, #tpu.memory_space<vmem>>, %arg8: memref<10008x128xf32, #tpu.memory_space<vmem_shared>>, %arg9: memref<!tpu.dma_semaphore, #tpu.memory_space<semaphore_mem>>, %arg10: memref<!tpu.dma_semaphore, #tpu.memory_space<semaphore_mem>>) attributes {dimension_semantics = [#tpu.dimension_semantics<core_parallel>, #tpu.dimension_semantics<subcore_parallel>], iteration_bounds = array<i64: 2, 16>, scalar_prefetch = 0 : i64, scratch_operands = 5 : i64, tpu.core_type = #tpu.core_type<sc_vector_subcore>, window_params = [{transform_indices = #map}, {transform_indices = #map}, {transform_indices = #map}, {transform_indices = #map1}]} {
    %mul3A = arith.constant 2 : i32
    %mul3A_0 = arith.muli %arg1, %mul3A : i32
    %add3A = arith.addi %mul3A_0, %arg0 : i32
    %mul3A_1 = arith.constant 624 : i32
    %mul3A_2 = arith.muli %arg1, %mul3A_1 : i32
    "tpu.region"() ({
      %run_scoped3A = tpu.sem_alloc : memref<!tpu.dma_semaphore, #tpu.memory_space<semaphore_mem>>
      %dma_start3A = arith.constant 0 : i32
      %dma_start3A_22 = tpu.memref_slice %arg8[%mul3A_2, %dma_start3A] : memref<10008x128xf32, #tpu.memory_space<vmem_shared>> -> memref<624x128xf32, #tpu.memory_space<vmem_shared>>
      %dma_start3A_23 = arith.constant 0 : i32
      %dma_start3A_24 = arith.constant 0 : i32
      %dma_start3A_25 = tpu.memref_slice %arg4[%dma_start3A_23, %dma_start3A_24] : memref<624x128xf32, #tpu.memory_space<hbm>> -> memref<624x128xf32, #tpu.memory_space<hbm>>
      tpu.enqueue_dma source(%dma_start3A_25 : memref<624x128xf32, #tpu.memory_space<hbm>>) target(%dma_start3A_22 : memref<624x128xf32, #tpu.memory_space<vmem_shared>>) target_semaphore(%run_scoped3A : memref<!tpu.dma_semaphore, #tpu.memory_space<semaphore_mem>>)
      %dma_wait3A = arith.constant 0 : i32
      %dma_wait3A_26 = tpu.memref_slice %arg8[%mul3A_2, %dma_wait3A] : memref<10008x128xf32, #tpu.memory_space<vmem_shared>> -> memref<624x128xf32, #tpu.memory_space<vmem_shared>>
      %dma_wait3A_27 = arith.constant 0 : i32
      %dma_wait3A_28 = arith.constant 0 : i32
      %dma_wait3A_29 = tpu.memref_slice %arg4[%dma_wait3A_27, %dma_wait3A_28] : memref<624x128xf32, #tpu.memory_space<hbm>> -> memref<624x128xf32, #tpu.memory_space<hbm>>
      tpu.wait_dma2 semaphore(%run_scoped3A : memref<!tpu.dma_semaphore, #tpu.memory_space<semaphore_mem>>) src(%dma_wait3A_29 : memref<624x128xf32, #tpu.memory_space<hbm>>) dst(%dma_wait3A_26 : memref<624x128xf32, #tpu.memory_space<vmem_shared>>)
      tpu.yield
    }) : () -> ()
    %eq3A = arith.constant 0 : i32
    %eq3A_3 = arith.cmpi eq, %arg1, %eq3A : i32
    %convert_element_type3A = arith.extui %eq3A_3 : i1 to i32
    %cond3A = arith.constant 0 : i32
    %cond3A_4 = arith.cmpi ne, %convert_element_type3A, %cond3A : i32
    scf.if %cond3A_4 {
      "tpu.region"() ({
        %run_scoped3A = tpu.sem_alloc : memref<!tpu.dma_semaphore, #tpu.memory_space<semaphore_mem>>
        %dma_start3A = arith.constant 9984 : i32
        %dma_start3A_22 = arith.constant 0 : i32
        %dma_start3A_23 = tpu.memref_slice %arg8[%dma_start3A, %dma_start3A_22] : memref<10008x128xf32, #tpu.memory_space<vmem_shared>> -> memref<24x128xf32, #tpu.memory_space<vmem_shared>>
        %dma_start3A_24 = arith.constant 0 : i32
        %dma_start3A_25 = arith.constant 0 : i32
        %dma_start3A_26 = tpu.memref_slice %arg4[%dma_start3A_24, %dma_start3A_25] : memref<624x128xf32, #tpu.memory_space<hbm>> -> memref<24x128xf32, #tpu.memory_space<hbm>>
        tpu.enqueue_dma source(%dma_start3A_26 : memref<24x128xf32, #tpu.memory_space<hbm>>) target(%dma_start3A_23 : memref<24x128xf32, #tpu.memory_space<vmem_shared>>) target_semaphore(%run_scoped3A : memref<!tpu.dma_semaphore, #tpu.memory_space<semaphore_mem>>)
        %dma_wait3A = arith.constant 9984 : i32
        %dma_wait3A_27 = arith.constant 0 : i32
        %dma_wait3A_28 = tpu.memref_slice %arg8[%dma_wait3A, %dma_wait3A_27] : memref<10008x128xf32, #tpu.memory_space<vmem_shared>> -> memref<24x128xf32, #tpu.memory_space<vmem_shared>>
        %dma_wait3A_29 = arith.constant 0 : i32
        %dma_wait3A_30 = arith.constant 0 : i32
        %dma_wait3A_31 = tpu.memref_slice %arg4[%dma_wait3A_29, %dma_wait3A_30] : memref<624x128xf32, #tpu.memory_space<hbm>> -> memref<24x128xf32, #tpu.memory_space<hbm>>
        tpu.wait_dma2 semaphore(%run_scoped3A : memref<!tpu.dma_semaphore, #tpu.memory_space<semaphore_mem>>) src(%dma_wait3A_31 : memref<24x128xf32, #tpu.memory_space<hbm>>) dst(%dma_wait3A_28 : memref<24x128xf32, #tpu.memory_space<vmem_shared>>)
        tpu.yield
      }) : () -> ()
    } else {
    }
    "tpu.region"() ({
      %run_scoped3A = tpu.sem_alloc : memref<!tpu.dma_semaphore, #tpu.memory_space<semaphore_mem>>
      tpu.enqueue_dma source(%arg3 : memref<128x128xf32, #tpu.memory_space<hbm>>) target(%arg7 : memref<128x128xf32, #tpu.memory_space<vmem>>) target_semaphore(%run_scoped3A : memref<!tpu.dma_semaphore, #tpu.memory_space<semaphore_mem>>)
      tpu.wait_dma2 semaphore(%run_scoped3A : memref<!tpu.dma_semaphore, #tpu.memory_space<semaphore_mem>>) src(%arg3 : memref<128x128xf32, #tpu.memory_space<hbm>>) dst(%arg7 : memref<128x128xf32, #tpu.memory_space<vmem>>)
      tpu.yield
    }) : () -> ()
    %mul3A_5 = arith.constant 80 : i32
    %mul3A_6 = arith.muli %add3A, %mul3A_5 : i32
    "tpu.region"() ({
      %run_scoped3A = tpu.sem_alloc : memref<!tpu.dma_semaphore, #tpu.memory_space<semaphore_mem>>
      %dma_start3A = arith.constant 0 : i32
      %dma_start3A_22 = tpu.memref_slice %arg2[%mul3A_6, %dma_start3A] : memref<2560x128xi32, #tpu.memory_space<hbm>> -> memref<80x128xi32, #tpu.memory_space<hbm>>
      %dma_start3A_23 = arith.constant 0 : i32
      %dma_start3A_24 = tpu.memref_slice %arg2[%mul3A_6, %dma_start3A_23] : memref<2560x128xi32, #tpu.memory_space<hbm>> -> memref<80x128xi32, #tpu.memory_space<hbm>>
      tpu.enqueue_dma source(%dma_start3A_24 : memref<80x128xi32, #tpu.memory_space<hbm>>) target(%arg6 : memref<80x128xi32, #tpu.memory_space<vmem>>) target_semaphore(%run_scoped3A : memref<!tpu.dma_semaphore, #tpu.memory_space<semaphore_mem>>)
      %dma_wait3A = arith.constant 0 : i32
      %dma_wait3A_25 = tpu.memref_slice %arg2[%mul3A_6, %dma_wait3A] : memref<2560x128xi32, #tpu.memory_space<hbm>> -> memref<80x128xi32, #tpu.memory_space<hbm>>
      %dma_wait3A_26 = arith.constant 0 : i32
      %dma_wait3A_27 = tpu.memref_slice %arg2[%mul3A_6, %dma_wait3A_26] : memref<2560x128xi32, #tpu.memory_space<hbm>> -> memref<80x128xi32, #tpu.memory_space<hbm>>
      tpu.wait_dma2 semaphore(%run_scoped3A : memref<!tpu.dma_semaphore, #tpu.memory_space<semaphore_mem>>) src(%dma_wait3A_27 : memref<80x128xi32, #tpu.memory_space<hbm>>) dst(%arg6 : memref<80x128xi32, #tpu.memory_space<vmem>>)
      tpu.yield
    }) : () -> ()
    %barrier3A = arith.constant 0 : index
    tpu.barrier barrier_id(%barrier3A)
    %scan3A = arith.constant 0 : i32
    %scan3A_7 = arith.constant 0 : i32
    %scan3A_8 = arith.constant 40 : i32
    %scan3A_9 = arith.addi %scan3A_7, %scan3A_8 : i32
    %scan3A_10 = arith.constant 1 : i32
    scf.for %scan3A_22 = %scan3A_7 to %scan3A_9 step %scan3A_10  : i32 {
      %mul3A_23 = arith.constant 2 : i32
      %mul3A_24 = arith.muli %mul3A_23, %scan3A_22 : i32
      %dma_start3A = arith.constant 0 : i32
      %dma_start3A_25 = tpu.memref_slice %arg6[%mul3A_24, %dma_start3A] : memref<80x128xi32, #tpu.memory_space<vmem>> -> memref<1x128xi32, #tpu.memory_space<vmem>>
      %dma_start3A_26 = tpu.memref_squeeze %dma_start3A_25 : memref<1x128xi32, #tpu.memory_space<vmem>> -> memref<128xi32, #tpu.memory_space<vmem>>
      %dma_start3A_27 = arith.constant 0 : i32
      %dma_start3A_28 = arith.constant 0 : i32
      %dma_start3A_29 = tpu.memref_slice %arg8[%dma_start3A_27, %dma_start3A_28] : memref<10008x128xf32, #tpu.memory_space<vmem_shared>> -> memref<10008x128xf32, #tpu.memory_space<vmem_shared>>
      tpu.enqueue_indirect_dma source(%arg7 : memref<128x128xf32, #tpu.memory_space<vmem>>) target(%dma_start3A_29 : memref<10008x128xf32, #tpu.memory_space<vmem_shared>>) offsets(%dma_start3A_26 : memref<128xi32, #tpu.memory_space<vmem>>) semaphore(%arg9 : memref<!tpu.dma_semaphore, #tpu.memory_space<semaphore_mem>>) {add = true}
      %mul3A_30 = arith.constant 2 : i32
      %mul3A_31 = arith.muli %mul3A_30, %scan3A_22 : i32
      %add3A_32 = arith.constant 1 : i32
      %add3A_33 = arith.addi %mul3A_31, %add3A_32 : i32
      %dma_start3A_34 = arith.constant 0 : i32
      %dma_start3A_35 = tpu.memref_slice %arg6[%add3A_33, %dma_start3A_34] : memref<80x128xi32, #tpu.memory_space<vmem>> -> memref<1x128xi32, #tpu.memory_space<vmem>>
      %dma_start3A_36 = tpu.memref_squeeze %dma_start3A_35 : memref<1x128xi32, #tpu.memory_space<vmem>> -> memref<128xi32, #tpu.memory_space<vmem>>
      %dma_start3A_37 = arith.constant 0 : i32
      %dma_start3A_38 = arith.constant 0 : i32
      %dma_start3A_39 = tpu.memref_slice %arg8[%dma_start3A_37, %dma_start3A_38] : memref<10008x128xf32, #tpu.memory_space<vmem_shared>> -> memref<10008x128xf32, #tpu.memory_space<vmem_shared>>
      tpu.enqueue_indirect_dma source(%arg7 : memref<128x128xf32, #tpu.memory_space<vmem>>) target(%dma_start3A_39 : memref<10008x128xf32, #tpu.memory_space<vmem_shared>>) offsets(%dma_start3A_36 : memref<128xi32, #tpu.memory_space<vmem>>) semaphore(%arg10 : memref<!tpu.dma_semaphore, #tpu.memory_space<semaphore_mem>>) {add = true}
      %mul3A_40 = arith.constant 2 : i32
      %mul3A_41 = arith.muli %mul3A_40, %scan3A_22 : i32
      %dma_wait3A = arith.constant 0 : i32
      %dma_wait3A_42 = tpu.memref_slice %arg6[%mul3A_41, %dma_wait3A] : memref<80x128xi32, #tpu.memory_space<vmem>> -> memref<1x128xi32, #tpu.memory_space<vmem>>
      %dma_wait3A_43 = tpu.memref_squeeze %dma_wait3A_42 : memref<1x128xi32, #tpu.memory_space<vmem>> -> memref<128xi32, #tpu.memory_space<vmem>>
      %dma_wait3A_44 = arith.constant 0 : i32
      %dma_wait3A_45 = arith.constant 0 : i32
      %dma_wait3A_46 = tpu.memref_slice %arg8[%dma_wait3A_44, %dma_wait3A_45] : memref<10008x128xf32, #tpu.memory_space<vmem_shared>> -> memref<10008x128xf32, #tpu.memory_space<vmem_shared>>
      tpu.wait_indirect_dma semaphore(%arg9 : memref<!tpu.dma_semaphore, #tpu.memory_space<semaphore_mem>>) src(%arg7 : memref<128x128xf32, #tpu.memory_space<vmem>>) dst(%dma_wait3A_46 : memref<10008x128xf32, #tpu.memory_space<vmem_shared>>)
      %mul3A_47 = arith.constant 2 : i32
      %mul3A_48 = arith.muli %mul3A_47, %scan3A_22 : i32
      %add3A_49 = arith.constant 1 : i32
      %add3A_50 = arith.addi %mul3A_48, %add3A_49 : i32
      %dma_wait3A_51 = arith.constant 0 : i32
      %dma_wait3A_52 = tpu.memref_slice %arg6[%add3A_50, %dma_wait3A_51] : memref<80x128xi32, #tpu.memory_space<vmem>> -> memref<1x128xi32, #tpu.memory_space<vmem>>
      %dma_wait3A_53 = tpu.memref_squeeze %dma_wait3A_52 : memref<1x128xi32, #tpu.memory_space<vmem>> -> memref<128xi32, #tpu.memory_space<vmem>>
      %dma_wait3A_54 = arith.constant 0 : i32
      %dma_wait3A_55 = arith.constant 0 : i32
      %dma_wait3A_56 = tpu.memref_slice %arg8[%dma_wait3A_54, %dma_wait3A_55] : memref<10008x128xf32, #tpu.memory_space<vmem_shared>> -> memref<10008x128xf32, #tpu.memory_space<vmem_shared>>
      tpu.wait_indirect_dma semaphore(%arg10 : memref<!tpu.dma_semaphore, #tpu.memory_space<semaphore_mem>>) src(%arg7 : memref<128x128xf32, #tpu.memory_space<vmem>>) dst(%dma_wait3A_56 : memref<10008x128xf32, #tpu.memory_space<vmem_shared>>)
    }
    %scan3A_11 = arith.constant 40 : i32
    %barrier3A_12 = arith.constant 0 : index
    tpu.barrier barrier_id(%barrier3A_12)
    %mul3A_13 = arith.constant 624 : i32
    %mul3A_14 = arith.muli %arg1, %mul3A_13 : i32
    %mul3A_15 = arith.constant 624 : i32
    %mul3A_16 = arith.muli %arg1, %mul3A_15 : i32
    "tpu.region"() ({
      %run_scoped3A = tpu.sem_alloc : memref<!tpu.dma_semaphore, #tpu.memory_space<semaphore_mem>>
      %dma_start3A = arith.constant 0 : i32
      %dma_start3A_22 = tpu.memref_slice %arg5[%arg0, %mul3A_16, %dma_start3A] : memref<2x10000x128xf32, #tpu.memory_space<hbm>> -> memref<1x624x128xf32, #tpu.memory_space<hbm>>
      %dma_start3A_23 = tpu.memref_squeeze %dma_start3A_22 : memref<1x624x128xf32, #tpu.memory_space<hbm>> -> memref<624x128xf32, #tpu.memory_space<hbm>>
      %dma_start3A_24 = arith.constant 0 : i32
      %dma_start3A_25 = tpu.memref_slice %arg8[%mul3A_14, %dma_start3A_24] : memref<10008x128xf32, #tpu.memory_space<vmem_shared>> -> memref<624x128xf32, #tpu.memory_space<vmem_shared>>
      tpu.enqueue_dma source(%dma_start3A_25 : memref<624x128xf32, #tpu.memory_space<vmem_shared>>) target(%dma_start3A_23 : memref<624x128xf32, #tpu.memory_space<hbm>>) target_semaphore(%run_scoped3A : memref<!tpu.dma_semaphore, #tpu.memory_space<semaphore_mem>>)
      %dma_wait3A = arith.constant 0 : i32
      %dma_wait3A_26 = tpu.memref_slice %arg5[%arg0, %mul3A_16, %dma_wait3A] : memref<2x10000x128xf32, #tpu.memory_space<hbm>> -> memref<1x624x128xf32, #tpu.memory_space<hbm>>
      %dma_wait3A_27 = tpu.memref_squeeze %dma_wait3A_26 : memref<1x624x128xf32, #tpu.memory_space<hbm>> -> memref<624x128xf32, #tpu.memory_space<hbm>>
      %dma_wait3A_28 = arith.constant 0 : i32
      %dma_wait3A_29 = tpu.memref_slice %arg8[%mul3A_14, %dma_wait3A_28] : memref<10008x128xf32, #tpu.memory_space<vmem_shared>> -> memref<624x128xf32, #tpu.memory_space<vmem_shared>>
      tpu.wait_dma2 semaphore(%run_scoped3A : memref<!tpu.dma_semaphore, #tpu.memory_space<semaphore_mem>>) src(%dma_wait3A_29 : memref<624x128xf32, #tpu.memory_space<vmem_shared>>) dst(%dma_wait3A_27 : memref<624x128xf32, #tpu.memory_space<hbm>>)
      tpu.yield
    }) : () -> ()
    %eq3A_17 = arith.constant 0 : i32
    %eq3A_18 = arith.cmpi eq, %arg1, %eq3A_17 : i32
    %convert_element_type3A_19 = arith.extui %eq3A_18 : i1 to i32
    %cond3A_20 = arith.constant 0 : i32
    %cond3A_21 = arith.cmpi ne, %convert_element_type3A_19, %cond3A_20 : i32
    scf.if %cond3A_21 {
      "tpu.region"() ({
        %run_scoped3A = tpu.sem_alloc : memref<!tpu.dma_semaphore, #tpu.memory_space<semaphore_mem>>
        %dma_start3A = arith.constant 9984 : i32
        %dma_start3A_22 = arith.constant 0 : i32
        %dma_start3A_23 = tpu.memref_slice %arg5[%arg0, %dma_start3A, %dma_start3A_22] : memref<2x10000x128xf32, #tpu.memory_space<hbm>> -> memref<1x16x128xf32, #tpu.memory_space<hbm>>
        %dma_start3A_24 = tpu.memref_squeeze %dma_start3A_23 : memref<1x16x128xf32, #tpu.memory_space<hbm>> -> memref<16x128xf32, #tpu.memory_space<hbm>>
        %dma_start3A_25 = arith.constant 9984 : i32
        %dma_start3A_26 = arith.constant 0 : i32
        %dma_start3A_27 = tpu.memref_slice %arg8[%dma_start3A_25, %dma_start3A_26] : memref<10008x128xf32, #tpu.memory_space<vmem_shared>> -> memref<16x128xf32, #tpu.memory_space<vmem_shared>>
        tpu.enqueue_dma source(%dma_start3A_27 : memref<16x128xf32, #tpu.memory_space<vmem_shared>>) target(%dma_start3A_24 : memref<16x128xf32, #tpu.memory_space<hbm>>) target_semaphore(%run_scoped3A : memref<!tpu.dma_semaphore, #tpu.memory_space<semaphore_mem>>)
        %dma_wait3A = arith.constant 9984 : i32
        %dma_wait3A_28 = arith.constant 0 : i32
        %dma_wait3A_29 = tpu.memref_slice %arg5[%arg0, %dma_wait3A, %dma_wait3A_28] : memref<2x10000x128xf32, #tpu.memory_space<hbm>> -> memref<1x16x128xf32, #tpu.memory_space<hbm>>
        %dma_wait3A_30 = tpu.memref_squeeze %dma_wait3A_29 : memref<1x16x128xf32, #tpu.memory_space<hbm>> -> memref<16x128xf32, #tpu.memory_space<hbm>>
        %dma_wait3A_31 = arith.constant 9984 : i32
        %dma_wait3A_32 = arith.constant 0 : i32
        %dma_wait3A_33 = tpu.memref_slice %arg8[%dma_wait3A_31, %dma_wait3A_32] : memref<10008x128xf32, #tpu.memory_space<vmem_shared>> -> memref<16x128xf32, #tpu.memory_space<vmem_shared>>
        tpu.wait_dma2 semaphore(%run_scoped3A : memref<!tpu.dma_semaphore, #tpu.memory_space<semaphore_mem>>) src(%dma_wait3A_33 : memref<16x128xf32, #tpu.memory_space<vmem_shared>>) dst(%dma_wait3A_30 : memref<16x128xf32, #tpu.memory_space<hbm>>)
        tpu.yield
      }) : () -> ()
    } else {
    }
    return
  }
}

module attributes {stable_mosaic.version = 14 : i64} {
  func.func @_tc1_body(%arg0: i32, %arg1: memref<2x1000x128xf32, #tpu.memory_space<vmem>>, %arg2: memref<1000x128xf32, #tpu.memory_space<vmem>>, %arg3: memref<128x128xf32, #tpu.memory_space<vmem>>, %arg4: memref<1000x128xf32, #tpu.memory_space<vmem>>, %arg5: memref<1000x8xf32, #tpu.memory_space<vmem>>) attributes {dimension_semantics = [#tpu.dimension_semantics<arbitrary>], iteration_bounds = array<i64: 10>, scalar_prefetch = 0 : i64, scratch_operands = 0 : i64, tpu.core_type = #tpu.core_type<tc>, window_params = [{transform_indices = @transform_0, window_bounds = array<i64: 2, 1000, 128>}, {transform_indices = @transform_1, window_bounds = array<i64: 1000, 128>}, {pipeline_mode = #tpu.pipeline_mode<synchronous>, transform_indices = @transform_2, window_bounds = array<i64: 128, 128>}, {transform_indices = @transform_3, window_bounds = array<i64: 1000, 128>}, {transform_indices = @transform_4, window_bounds = array<i64: 1000, 8>}]} {
    %get3A = arith.constant 0 : index
    %get3A_0 = arith.constant 0 : index
    %get3A_1 = arith.constant 0 : index
    %get3A_2 = vector.load %arg1[%get3A, %get3A_0, %get3A_1] : memref<2x1000x128xf32, #tpu.memory_space<vmem>>, vector<1x1000x128xf32>
    %get3A_3 = vector.shape_cast %get3A_2 : vector<1x1000x128xf32> to vector<1000x128xf32>
    %slice3A = vector.extract_strided_slice %get3A_3 {offsets = [0, 0], sizes = [1000, 1], strides = [1, 1]} : vector<1000x128xf32> to vector<1000x1xf32>
    %get3A_4 = arith.constant 1 : index
    %get3A_5 = arith.constant 0 : index
    %get3A_6 = arith.constant 0 : index
    %get3A_7 = vector.load %arg1[%get3A_4, %get3A_5, %get3A_6] : memref<2x1000x128xf32, #tpu.memory_space<vmem>>, vector<1x1000x128xf32>
    %get3A_8 = vector.shape_cast %get3A_7 : vector<1x1000x128xf32> to vector<1000x128xf32>
    %slice3A_9 = vector.extract_strided_slice %get3A_8 {offsets = [0, 0], sizes = [1000, 1], strides = [1, 1]} : vector<1000x128xf32> to vector<1000x1xf32>
    %add3A = arith.addf %slice3A, %slice3A_9 : vector<1000x1xf32>
    %add3A_10 = arith.constant 1.000000e+00 : f32
    %add3A_11 = vector.broadcast %add3A_10 : f32 to vector<1000x1xf32>
    %add3A_12 = arith.addf %add3A, %add3A_11 : vector<1000x1xf32>
    %max3A = arith.constant 9.99999996E-13 : f32
    %max3A_13 = vector.broadcast %max3A : f32 to vector<1000x1xf32>
    %max3A_14 = arith.maximumf %add3A_12, %max3A_13 : vector<1000x1xf32>
    %rsqrt3A = math.rsqrt %max3A_14 : vector<1000x1xf32>
    %get3A_15 = arith.constant 0 : index
    %get3A_16 = arith.constant 0 : index
    %get3A_17 = vector.load %arg2[%get3A_15, %get3A_16] : memref<1000x128xf32, #tpu.memory_space<vmem>>, vector<1000x128xf32>
    %get3A_18 = arith.constant 0 : index
    %get3A_19 = arith.constant 0 : index
    %get3A_20 = vector.load %arg3[%get3A_18, %get3A_19] : memref<128x128xf32, #tpu.memory_space<vmem>>, vector<128x128xf32>
    %dot_general3A = arith.constant dense<0.000000e+00> : vector<1000x128xf32>
    %dot_general3A_21 = tpu.matmul %get3A_17, %get3A_20, %dot_general3A {dimension_numbers = #tpu.dot_dimension_numbers<[1], [0], [0], [1], [0, 0, 1, 1], [], []>, transpose_lhs_hint = false} : vector<1000x128xf32>, vector<128x128xf32>, vector<1000x128xf32> -> vector<1000x128xf32>
    %mul3A = vector.broadcast %rsqrt3A : vector<1000x1xf32> to vector<1000x128xf32>
    %mul3A_22 = arith.mulf %mul3A, %dot_general3A_21 : vector<1000x128xf32>
    %swap3A = arith.constant 0 : index
    %swap3A_23 = arith.constant 0 : index
    %swap3A_24 = vector.load %arg4[%swap3A, %swap3A_23] : memref<1000x128xf32, #tpu.memory_space<vmem>>, vector<1000x128xf32>
    tpu.vector_store %arg4[%swap3A, %swap3A_23], %mul3A_22 {strides = array<i32>} : memref<1000x128xf32, #tpu.memory_space<vmem>>, vector<1000x128xf32>,
    %broadcast_in_dim3A = vector.shape_cast %rsqrt3A : vector<1000x1xf32> to vector<1000x1xf32>
    %broadcast_in_dim3A_25 = vector.broadcast %broadcast_in_dim3A : vector<1000x1xf32> to vector<1000x8xf32>
    %swap3A_26 = arith.constant 0 : index
    %swap3A_27 = arith.constant 0 : index
    %swap3A_28 = vector.load %arg5[%swap3A_26, %swap3A_27] : memref<1000x8xf32, #tpu.memory_space<vmem>>, vector<1000x8xf32>
    tpu.vector_store %arg5[%swap3A_26, %swap3A_27], %broadcast_in_dim3A_25 {strides = array<i32>} : memref<1000x8xf32, #tpu.memory_space<vmem>>, vector<1000x8xf32>,
    return
  }
  func.func @transform_0(%arg0: i32) -> (i32, i32, i32) {
    %c0_i32 = arith.constant 0 : i32
    %c0_i32_0 = arith.constant 0 : i32
    %c0_i32_1 = arith.constant 0 : i32
    return %c0_i32, %arg0, %c0_i32_0 : i32, i32, i32
  }
  func.func @transform_1(%arg0: i32) -> (i32, i32) {
    %c0_i32 = arith.constant 0 : i32
    %c0_i32_0 = arith.constant 0 : i32
    return %arg0, %c0_i32 : i32, i32
  }
  func.func @transform_2(%arg0: i32) -> (i32, i32) {
    %c0_i32 = arith.constant 0 : i32
    %c0_i32_0 = arith.constant 0 : i32
    %c0_i32_1 = arith.constant 0 : i32
    return %c0_i32, %c0_i32_0 : i32, i32
  }
  func.func @transform_3(%arg0: i32) -> (i32, i32) {
    %c0_i32 = arith.constant 0 : i32
    %c0_i32_0 = arith.constant 0 : i32
    return %arg0, %c0_i32 : i32, i32
  }
  func.func @transform_4(%arg0: i32) -> (i32, i32) {
    %c0_i32 = arith.constant 0 : i32
    %c0_i32_0 = arith.constant 0 : i32
    return %arg0, %c0_i32 : i32, i32
  }
}

module attributes {stable_mosaic.version = 14 : i64} {
  func.func @_tc2_body(%arg0: i32, %arg1: memref<2x1000x128xf32, #tpu.memory_space<vmem>>, %arg2: memref<1000x128xf32, #tpu.memory_space<vmem>>, %arg3: memref<1000x8xf32, #tpu.memory_space<vmem>>, %arg4: memref<1x128xf32, #tpu.memory_space<vmem>>, %arg5: memref<128x128xf32, #tpu.memory_space<vmem>>, %arg6: memref<1000x128xf32, #tpu.memory_space<vmem>>) attributes {dimension_semantics = [#tpu.dimension_semantics<arbitrary>], iteration_bounds = array<i64: 10>, scalar_prefetch = 0 : i64, scratch_operands = 0 : i64, tpu.core_type = #tpu.core_type<tc>, window_params = [{transform_indices = @transform_0, window_bounds = array<i64: 2, 1000, 128>}, {transform_indices = @transform_1, window_bounds = array<i64: 1000, 128>}, {transform_indices = @transform_2, window_bounds = array<i64: 1000, 8>}, {pipeline_mode = #tpu.pipeline_mode<synchronous>, transform_indices = @transform_3, window_bounds = array<i64: 1, 128>}, {pipeline_mode = #tpu.pipeline_mode<synchronous>, transform_indices = @transform_4, window_bounds = array<i64: 128, 128>}, {transform_indices = @transform_5, window_bounds = array<i64: 1000, 128>}]} {
    %get3A = arith.constant 0 : index
    %get3A_0 = arith.constant 0 : index
    %get3A_1 = vector.load %arg3[%get3A, %get3A_0] : memref<1000x8xf32, #tpu.memory_space<vmem>>, vector<1000x1xf32>
    %get3A_2 = arith.constant 0 : index
    %get3A_3 = arith.constant 0 : index
    %get3A_4 = arith.constant 0 : index
    %get3A_5 = vector.load %arg1[%get3A_2, %get3A_3, %get3A_4] : memref<2x1000x128xf32, #tpu.memory_space<vmem>>, vector<1x1000x128xf32>
    %get3A_6 = vector.shape_cast %get3A_5 : vector<1x1000x128xf32> to vector<1000x128xf32>
    %get3A_7 = arith.constant 1 : index
    %get3A_8 = arith.constant 0 : index
    %get3A_9 = arith.constant 0 : index
    %get3A_10 = vector.load %arg1[%get3A_7, %get3A_8, %get3A_9] : memref<2x1000x128xf32, #tpu.memory_space<vmem>>, vector<1x1000x128xf32>
    %get3A_11 = vector.shape_cast %get3A_10 : vector<1x1000x128xf32> to vector<1000x128xf32>
    %add3A = arith.addf %get3A_6, %get3A_11 : vector<1000x128xf32>
    %get3A_12 = arith.constant 0 : index
    %get3A_13 = arith.constant 0 : index
    %get3A_14 = vector.load %arg2[%get3A_12, %get3A_13] : memref<1000x128xf32, #tpu.memory_space<vmem>>, vector<1000x128xf32>
    %add3A_15 = arith.addf %add3A, %get3A_14 : vector<1000x128xf32>
    %mul3A = vector.broadcast %get3A_1 : vector<1000x1xf32> to vector<1000x128xf32>
    %mul3A_16 = arith.mulf %mul3A, %add3A_15 : vector<1000x128xf32>
    %get3A_17 = arith.constant 0 : index
    %get3A_18 = arith.constant 0 : index
    %get3A_19 = vector.load %arg4[%get3A_17, %get3A_18] : memref<1x128xf32, #tpu.memory_space<vmem>>, vector<1x128xf32>
    %add3A_20 = vector.broadcast %get3A_19 : vector<1x128xf32> to vector<1000x128xf32>
    %add3A_21 = arith.addf %mul3A_16, %add3A_20 : vector<1000x128xf32>
    %max3A = arith.constant 0.000000e+00 : f32
    %max3A_22 = vector.broadcast %max3A : f32 to vector<1000x128xf32>
    %max3A_23 = arith.maximumf %add3A_21, %max3A_22 : vector<1000x128xf32>
    %get3A_24 = arith.constant 0 : index
    %get3A_25 = arith.constant 0 : index
    %get3A_26 = vector.load %arg5[%get3A_24, %get3A_25] : memref<128x128xf32, #tpu.memory_space<vmem>>, vector<128x128xf32>
    %dot_general3A = arith.constant dense<0.000000e+00> : vector<1000x128xf32>
    %dot_general3A_27 = tpu.matmul %max3A_23, %get3A_26, %dot_general3A {dimension_numbers = #tpu.dot_dimension_numbers<[1], [0], [0], [1], [0, 0, 1, 1], [], []>, transpose_lhs_hint = false} : vector<1000x128xf32>, vector<128x128xf32>, vector<1000x128xf32> -> vector<1000x128xf32>
    %mul3A_28 = vector.broadcast %get3A_1 : vector<1000x1xf32> to vector<1000x128xf32>
    %mul3A_29 = arith.mulf %mul3A_28, %dot_general3A_27 : vector<1000x128xf32>
    %swap3A = arith.constant 0 : index
    %swap3A_30 = arith.constant 0 : index
    %swap3A_31 = vector.load %arg6[%swap3A, %swap3A_30] : memref<1000x128xf32, #tpu.memory_space<vmem>>, vector<1000x128xf32>
    tpu.vector_store %arg6[%swap3A, %swap3A_30], %mul3A_29 {strides = array<i32>} : memref<1000x128xf32, #tpu.memory_space<vmem>>, vector<1000x128xf32>,
    return
  }
  func.func @transform_0(%arg0: i32) -> (i32, i32, i32) {
    %c0_i32 = arith.constant 0 : i32
    %c0_i32_0 = arith.constant 0 : i32
    %c0_i32_1 = arith.constant 0 : i32
    return %c0_i32, %arg0, %c0_i32_0 : i32, i32, i32
  }
  func.func @transform_1(%arg0: i32) -> (i32, i32) {
    %c0_i32 = arith.constant 0 : i32
    %c0_i32_0 = arith.constant 0 : i32
    return %arg0, %c0_i32 : i32, i32
  }
  func.func @transform_2(%arg0: i32) -> (i32, i32) {
    %c0_i32 = arith.constant 0 : i32
    %c0_i32_0 = arith.constant 0 : i32
    return %arg0, %c0_i32 : i32, i32
  }
  func.func @transform_3(%arg0: i32) -> (i32, i32) {
    %c0_i32 = arith.constant 0 : i32
    %c0_i32_0 = arith.constant 0 : i32
    %c0_i32_1 = arith.constant 0 : i32
    return %c0_i32, %c0_i32_0 : i32, i32
  }
  func.func @transform_4(%arg0: i32) -> (i32, i32) {
    %c0_i32 = arith.constant 0 : i32
    %c0_i32_0 = arith.constant 0 : i32
    %c0_i32_1 = arith.constant 0 : i32
    return %c0_i32, %c0_i32_0 : i32, i32
  }
  func.func @transform_5(%arg0: i32) -> (i32, i32) {
    %c0_i32 = arith.constant 0 : i32
    %c0_i32_0 = arith.constant 0 : i32
    return %arg0, %c0_i32 : i32, i32
  }
}

module attributes {stable_mosaic.version = 14 : i64} {
  func.func @_tc3_body(%arg0: i32, %arg1: memref<2x1000x128xf32, #tpu.memory_space<vmem>>, %arg2: memref<1000x128xf32, #tpu.memory_space<vmem>>, %arg3: memref<1000x8xf32, #tpu.memory_space<vmem>>, %arg4: memref<1x128xf32, #tpu.memory_space<vmem>>, %arg5: memref<1000x128xf32, #tpu.memory_space<vmem>>) attributes {dimension_semantics = [#tpu.dimension_semantics<arbitrary>], iteration_bounds = array<i64: 10>, scalar_prefetch = 0 : i64, scratch_operands = 0 : i64, tpu.core_type = #tpu.core_type<tc>, window_params = [{transform_indices = @transform_0, window_bounds = array<i64: 2, 1000, 128>}, {transform_indices = @transform_1, window_bounds = array<i64: 1000, 128>}, {transform_indices = @transform_2, window_bounds = array<i64: 1000, 8>}, {pipeline_mode = #tpu.pipeline_mode<synchronous>, transform_indices = @transform_3, window_bounds = array<i64: 1, 128>}, {transform_indices = @transform_4, window_bounds = array<i64: 1000, 128>}]} {
    %get3A = arith.constant 0 : index
    %get3A_0 = arith.constant 0 : index
    %get3A_1 = vector.load %arg3[%get3A, %get3A_0] : memref<1000x8xf32, #tpu.memory_space<vmem>>, vector<1000x1xf32>
    %get3A_2 = arith.constant 0 : index
    %get3A_3 = arith.constant 0 : index
    %get3A_4 = arith.constant 0 : index
    %get3A_5 = vector.load %arg1[%get3A_2, %get3A_3, %get3A_4] : memref<2x1000x128xf32, #tpu.memory_space<vmem>>, vector<1x1000x128xf32>
    %get3A_6 = vector.shape_cast %get3A_5 : vector<1x1000x128xf32> to vector<1000x128xf32>
    %get3A_7 = arith.constant 1 : index
    %get3A_8 = arith.constant 0 : index
    %get3A_9 = arith.constant 0 : index
    %get3A_10 = vector.load %arg1[%get3A_7, %get3A_8, %get3A_9] : memref<2x1000x128xf32, #tpu.memory_space<vmem>>, vector<1x1000x128xf32>
    %get3A_11 = vector.shape_cast %get3A_10 : vector<1x1000x128xf32> to vector<1000x128xf32>
    %add3A = arith.addf %get3A_6, %get3A_11 : vector<1000x128xf32>
    %get3A_12 = arith.constant 0 : index
    %get3A_13 = arith.constant 0 : index
    %get3A_14 = vector.load %arg2[%get3A_12, %get3A_13] : memref<1000x128xf32, #tpu.memory_space<vmem>>, vector<1000x128xf32>
    %add3A_15 = arith.addf %add3A, %get3A_14 : vector<1000x128xf32>
    %mul3A = vector.broadcast %get3A_1 : vector<1000x1xf32> to vector<1000x128xf32>
    %mul3A_16 = arith.mulf %mul3A, %add3A_15 : vector<1000x128xf32>
    %get3A_17 = arith.constant 0 : index
    %get3A_18 = arith.constant 0 : index
    %get3A_19 = vector.load %arg4[%get3A_17, %get3A_18] : memref<1x128xf32, #tpu.memory_space<vmem>>, vector<1x128xf32>
    %add3A_20 = vector.broadcast %get3A_19 : vector<1x128xf32> to vector<1000x128xf32>
    %add3A_21 = arith.addf %mul3A_16, %add3A_20 : vector<1000x128xf32>
    %swap3A = arith.constant 0 : index
    %swap3A_22 = arith.constant 0 : index
    %swap3A_23 = vector.load %arg5[%swap3A, %swap3A_22] : memref<1000x128xf32, #tpu.memory_space<vmem>>, vector<1000x128xf32>
    tpu.vector_store %arg5[%swap3A, %swap3A_22], %add3A_21 {strides = array<i32>} : memref<1000x128xf32, #tpu.memory_space<vmem>>, vector<1000x128xf32>,
    return
  }
  func.func @transform_0(%arg0: i32) -> (i32, i32, i32) {
    %c0_i32 = arith.constant 0 : i32
    %c0_i32_0 = arith.constant 0 : i32
    %c0_i32_1 = arith.constant 0 : i32
    return %c0_i32, %arg0, %c0_i32_0 : i32, i32, i32
  }
  func.func @transform_1(%arg0: i32) -> (i32, i32) {
    %c0_i32 = arith.constant 0 : i32
    %c0_i32_0 = arith.constant 0 : i32
    return %arg0, %c0_i32 : i32, i32
  }
  func.func @transform_2(%arg0: i32) -> (i32, i32) {
    %c0_i32 = arith.constant 0 : i32
    %c0_i32_0 = arith.constant 0 : i32
    return %arg0, %c0_i32 : i32, i32
  }
  func.func @transform_3(%arg0: i32) -> (i32, i32) {
    %c0_i32 = arith.constant 0 : i32
    %c0_i32_0 = arith.constant 0 : i32
    %c0_i32_1 = arith.constant 0 : i32
    return %c0_i32, %c0_i32_0 : i32, i32
  }
  func.func @transform_4(%arg0: i32) -> (i32, i32) {
    %c0_i32 = arith.constant 0 : i32
    %c0_i32_0 = arith.constant 0 : i32
    return %arg0, %c0_i32 : i32, i32
  }
}

</mosaic_0001>

<sc_bundles>
// kernel: kernel.11.cloned.1.call-start
scs
__scs_entry_jumppad:
0x0: {  	(pc) =	sbr.rel $0x88, $3  }
0x1: {  	(tag) =	ssettag $0x0;
	lr =	simm.s32 $0x1  }
0x2: {  	[smem:$0x3F9B] =	sst lr;
	_ =	strace $0xD0000000  }
0x3: {  	_ = 	snop  }
0x4: {  	_ = 	snop  }
0x5: {  	_ = 	snop  }
0x6: {  	_ = 	snop  }
0x7: {  	_ = 	snop  }
__scs_overlays_trampoline_lowered:
0x8: {  	[smem:$0x3FAA] =	sst s0  }
0x9: {  	[smem:$0x3FAB] =	sst s1  }
0xa: {  	[smem:$0x3FAC] =	sst s2  }
0xb: {  	[smem:$0x3FAD] =	sst s3  }
0xc: {  	[smem:$0x3FAE] =	sst s4  }
0xd: {  	[smem:$0x3FAF] =	sst s5  }
0xe: {  	[smem:$0x3FB0] =	sst s6  }
0xf: {  	[smem:$0x3FB1] =	sst s7  }
0x10: {  	[smem:$0x3FB2] =	sst s8  }
0x11: {  	[smem:$0x3FB3] =	sst s9;
	s0 =	simm.s32 @!p0 $0x0  }
0x12: {  	s1 =	sld [smem:$0x3F99];
	s0 =	simm.s32 @p0 $0x1  }
0x13: {  	[smem:$0x3FB4] =	sst s0;
	s0 =	simm.s32 @!p1 $0x0  }
0x14: {  	s2 =	sld [smem:$0x3F98];
	s0 =	simm.s32 @p1 $0x1  }
0x15: {  	[smem:$0x3FB5] =	sst s0;
	s0 =	simm.s32 @!p2 $0x0  }
0x16: {  	s3 =	sld [smem:$0x3FDB];
	s0 =	simm.s32 @p2 $0x1  }
0x17: {  	s4 =	simm.s32 $0x1BF5;
	[smem:$0x3FB7] =	sst s0  }
0x18: {  	s0 =	sld [smem:$0x3F9A];
	_ =	swait.ge [sflag:s4], $0x0  }
0x19: {  	s7 =	sld [smem:$0x3F9B]  }
0x1a: {  	s8 =	sadd.s32 $0xFFFFE003, lr  }
0x1b: {  	s9 =	sadd.s32 $0xFFFFFEF7, lr;
	s5 =	simm.s32 $0xFFFFFFFF;
	p2 =	slt.u32 s8, $0xFFFFF086  }
0x1c: {  	p1 =	slt.u32 s9, $0xF7A;
	s5 =	simm.s32 @!p2 $0x0  }
0x1d: {  	s5 =	simm.s32 @p1 $0x1;
	p0 =	seq.s32 s7, s2  }
0x1e: {  	s7 =	smul.u32 @!p0 $0xF7A, s2;
	p2 =	seq.s32 @!p0 s5, $0x0  }
0x1f: {  	s9 =	smul.u32 $0xF7A, s1;
	s8 =	simm.s32 @!p0 $0x1BF5;
	p2 =	por !p2, p0  }
0x20: {  	[sflag:s8] =	ssyncset.s32 @!p0 $0xFFFFF086;
	s6 =	sadd.s32 @!p0 s3, s7;
	s7 =	simm.s32 @!p0 $0x108  }
0x21: {  	s3 =	sadd.s32 s3, s9;
	s6 =	sadd.s32 @!p0 $0x88, s6;
	s7 =	simm.s32 @p2 $0x1082  }
0x22: {  	[simem:s7], [sflag:s8] =	dma.local @!p0 [hbm:s6], $0xF7A  }
0x23: {  	s9 =	sor.u32 $0xD0000000, s2;
	s6 =	simm.s32 $0x108;
	_ =	swait.ge @!p0 [sflag:s8], $0x0  }
0x24: {  	s3 =	sadd.s32 $0x88, s3;
	s6 =	simm.s32 @!p1 $0x1082;
	[sflag:s4] =	ssyncset.s32 $0xFFFFF086  }
0x25: {  	[simem:s6], [sflag:s4] =	dma.local [hbm:s3], $0xF7A  }
0x26: {  	[smem:$0x3F9B] =	sst s1;
	(tag) =	ssettag s2;
	_ =	strace s9  }
0x27: {  	s1 =	sld [smem:$0x3FAB]  }
0x28: {  	s2 =	sld [smem:$0x3FAC]  }
0x29: {  	s4 =	sld [smem:$0x3FAE]  }
0x2a: {  	p0 =	seq.s32 s5, $0x0;
	s5 =	sld [smem:$0x3FAF]  }
0x2b: {  	s6 =	sld [smem:$0x3FB0]  }
0x2c: {  	s7 =	sld [smem:$0x3FB1]  }
0x2d: {  	s3 =	simm.s32 $0x108;
	s8 =	sld [smem:$0x3FB2]  }
0x2e: {  	s3 =	simm.s32 @!p0 $0x1082;
	s9 =	sld [smem:$0x3FB3]  }
0x2f: {  	lr =	sadd.s32 s0, s3;
	s0 =	sld [smem:$0x3FAA]  }
0x30: {  	s3 =	sld [smem:$0x3FAD]  }
0x31: {  	[smem:$0x3FB6] =	sst s10  }
0x32: {  	s10 =	sld [smem:$0x3FB4];
	_ =	sdelay $0x3  }
0x33: {  	p0 =	seq.s32 s10, $0x1;
	s10 =	sld [smem:$0x3FB6];
	_ =	sdelay $0x3  }
0x34: {  	[smem:$0x3FB6] =	sst s10  }
0x35: {  	s10 =	sld [smem:$0x3FB5];
	_ =	sdelay $0x3  }
0x36: {  	p1 =	seq.s32 s10, $0x1;
	s10 =	sld [smem:$0x3FB6];
	_ =	sdelay $0x3  }
0x37: {  	[smem:$0x3FB6] =	sst s10  }
0x38: {  	s10 =	sld [smem:$0x3FB7]  }
0x39: {  	_ = 	snop;
	(pc) =	sbr.ind lr, $3  }
0x3a: {  	_ = 	snop  }
0x3b: {  	_ = 	snop  }
0x3c: {  	p2 =	seq.s32 s10, $0x1;
	s10 =	sld [smem:$0x3FB6]  }
0x3d: {  	_ =	shalt  }
0x3e: {  	_ =	shalt  }
0x3f: {  	_ =	shalt  }
0x40: {  	_ =	shalt  }
0x41: {  	_ =	shalt  }
0x42: {  	_ =	shalt  }
0x43: {  	_ =	shalt  }
0x44: {  	_ =	shalt  }
0x45: {  	_ =	shalt  }
0x46: {  	_ =	shalt  }
0x47: {  	_ =	shalt  }
0x48: {  	_ =	shalt  }
0x49: {  	_ =	shalt  }
0x4a: {  	_ =	shalt  }
0x4b: {  	_ =	shalt  }
0x4c: {  	_ =	shalt  }
0x4d: {  	_ =	shalt  }
0x4e: {  	_ =	shalt  }
0x4f: {  	_ =	shalt  }
0x50: {  	_ =	shalt  }
0x51: {  	_ =	shalt  }
0x52: {  	_ =	shalt  }
0x53: {  	_ =	shalt  }
0x54: {  	_ =	shalt  }
0x55: {  	_ =	shalt  }
0x56: {  	_ =	shalt  }
0x57: {  	_ =	shalt  }
0x58: {  	_ =	shalt  }
0x59: {  	_ =	shalt  }
0x5a: {  	_ =	shalt  }
0x5b: {  	_ =	shalt  }
0x5c: {  	_ =	shalt  }
0x5d: {  	_ =	shalt  }
0x5e: {  	_ =	shalt  }
0x5f: {  	_ =	shalt  }
0x60: {  	_ =	shalt  }
0x61: {  	_ =	shalt  }
0x62: {  	_ =	shalt  }
0x63: {  	_ =	shalt  }
0x64: {  	_ =	shalt  }
0x65: {  	_ =	shalt  }
0x66: {  	_ =	shalt  }
0x67: {  	_ =	shalt  }
0x68: {  	_ =	shalt  }
0x69: {  	_ =	shalt  }
0x6a: {  	_ =	shalt  }
0x6b: {  	_ =	shalt  }
0x6c: {  	_ =	shalt  }
0x6d: {  	_ =	shalt  }
0x6e: {  	_ =	shalt  }
0x6f: {  	_ =	shalt  }
0x70: {  	_ =	shalt  }
0x71: {  	_ =	shalt  }
0x72: {  	_ =	shalt  }
0x73: {  	_ =	shalt  }
0x74: {  	_ =	shalt  }
0x75: {  	_ =	shalt  }
0x76: {  	_ =	shalt  }
0x77: {  	_ =	shalt  }
0x78: {  	_ =	shalt  }
0x79: {  	_ =	shalt  }
0x7a: {  	_ =	shalt  }
0x7b: {  	_ =	shalt  }
0x7c: {  	_ =	shalt  }
0x7d: {  	_ =	shalt  }
0x7e: {  	_ =	shalt  }
0x7f: {  	_ =	shalt  }
0x80: {  	_ =	shalt  }
0x81: {  	_ =	shalt  }
0x82: {  	_ =	shalt  }
0x83: {  	_ =	shalt  }
0x84: {  	_ =	shalt  }
0x85: {  	_ =	shalt  }
0x86: {  	_ =	shalt  }
0x87: {  	_ =	shalt  }
.Lfunc_end0:
.L_simem_size_0:
called_computation.1_lowered:
.L_overlay_start_0:
0x88: {  	s2 =	sld [smem:$0x3FD9]  }
0x89: {  	s3 =	sld [smem:$0x3FFE];
	_ =	sdelay $0x1  }
0x8a: {  	s1 =	srdreg.scid  }
0x8b: {  	s0 =	sand.u32 $0x1, s1  }
0x8c: {  	s17 =	sshll.u32 s0, $0xA;
	s2 =	sadd.s32 s3, s2  }
0x8d: {  	s2 =	sadd.s32 s2, s17  }
0x8e: {  	[smem:$0x3FC2] =	sst s2  }
0x8f: {  	_ = 	snop  }
0x90: {  	s2 =	sld [smem:$0x3FD0];
	(tm) =	ssettm $0x1  }
0x91: {  	s18 =	sld [smem:$0x3FFB];
	_ =	sdelay $0x3  }
0x92: {  	_ =	strace s18  }
0x93: {  	s3 =	sld [smem:$0x3FFC];
	_ =	sdelay $0x3  }
0x94: {  	_ =	strace s3  }
0x95: {  	s3 =	sld [smem:$0x3FFD];
	_ =	sdelay $0x3  }
0x96: {  	_ =	strace s3  }
0x97: {  	_ =	strace $0x8FFFFFFF  }
0x98: {  	s19 =	sld [smem:$0x3FDB];
	_ =	sdelay $0x1  }
0x99: {  	s4 =	simm.s32 $_scs_section_size  }
0x9a: {  	s5 =	simm.s32 $_size__tile_overlayer_lowered;
	s6 =	simm.s32 $_tile_overlayer_lowered  }
0x9b: {  	s22 =	simm.s32 $0x1BFF;
	s21 =	sshll.u32 s6, $0x1;
	s3 =	sadd.s32 s4, s19  }
0x9c: {  	s7 =	simm.s32 $0x0;
	s20 =	sshll.u32 s5, $0x1;
	s5 =	sadd.s32 s21, s3  }
0x9d: {  	[timem:s7], [sflag:s22] =	dma.local [hbm:s5], s20  }
0x9e: {  	_ =	swait.ge [sflag:s22], s20  }
0x9f: {  	s4 =	ssub.s32 $0x0, s20;
	[sflag:s22] =	ssyncset.done $0x0  }
0xa0: {  	[sflag:s22] =	ssyncadd.s32 s4;
	_ =	sdelay $0x1  }
0xa1: {  	s23 =	simm.s32 $0x1B8B  }
0xa2: {  	_ =	swait.ge [sflag:s23], $0x1  }
0xa3: {  	[sflag:s23] =	ssyncset.done $0x0  }
0xa4: {  	s25 =	simm.s32 $0x1B8E;
	s24 =	sld [smem:$0x3FFE];
	[sflag:s23] =	ssyncadd.s32 $0xFFFFFFFF  }
0xa5: {  	s26 =	simm.s32 $execute0_lowered;
	[smem:$0x3FD2] =	sst s25  }
0xa6: {  	s5 =	sshll.u32 s26, $0x1;
	_ =	strace $0x80000049;
	[dreg:$0x1] =	wrdreg $0xFFFFFFFF  }
0xa7: {  	s28 =	simm.s32 $_size_execute0_lowered;
	s3 =	sadd.s32 s3, s5;
	[dreg:$0x0] =	wrdreg $0x0  }
0xa8: {  	s5 =	sshll.u32 s28, $0x1;
	[dreg:$0x2] =	wrdreg s3  }
0xa9: {  	[dreg:$0x3] =	wrdreg s5  }
0xaa: {  	[dreg:$0x4] =	wrdreg $0xC0  }
0xab: {  	_ =	task [dreg:s7], $0x5FFFF  }
0xac: {  	[dreg:$0x1] =	wrdreg $0xFFFFFFFF  }
0xad: {  	[dreg:$0x0] =	wrdreg $0x60  }
0xae: {  	[dreg:$0x2] =	wrdreg s2  }
0xaf: {  	[dreg:$0x3] =	wrdreg s24  }
0xb0: {  	[dreg:$0x4] =	wrdreg $0xA0000  }
0xb1: {  	[dreg:$0x5] =	wrdreg $0x9  }
0xb2: {  	_ =	task.clear_ibuf [dreg:s7], $0x6FFFF;
	_ =	strace $0x90000049  }
0xb3: {  	s29 =	simm.s32 $0x9;
	_ =	strace $0x8000004B  }
0xb4: {  	_ =	swait.ge [sflag:s29], $0x1  }
0xb5: {  	[sflag:s29] =	ssyncadd.s32 $0xFFFFFFFF  }
0xb6: {  	_ =	strace $0x9000004B  }
0xb7: {  	_ =	sfence  }
0xb8: {  	s30 =	sld [smem:$0x0];
	_ =	sdelay $0x2  }
0xb9: {  	s31 =	sshll.u32 s1, $0xD;
	s1 =	sshrl.u32 s1, $0x2  }
0xba: {  	s3 =	sand.u32 $0x4000, s31;
	s1 =	sadd.s32 s1, s30  }
0xbb: {  	s0 =	sor.u32 s3, s0;
	s1 =	sshll.u32 s1, $0x11  }
0xbc: {  	s0 =	sor.u32 s1, s0  }
0xbd: {  	s0 =	sadd.s32 $0x8F2B, s0  }
0xbe: {  	[sflag:s0] =	ssyncadd.remote.s32 $0x1  }
0xbf: {  	_ =	sfence.sel $0xFFFF  }
0xc0: {  	[dreg:$0x0] =	wrdreg $0xFFFFFFFF;
	(pc) =	sbr.abs _section_cstart, $3  }
0xc1: {  	[dreg:$0x1] =	wrdreg $0xFFFFFFFF  }
0xc2: {  	_ =	task.clear_ibuf [dreg:s7], $0x2FFFF;
	_ =	strace $0x9FFFFFFF  }
0xc3: {  	(tm) =	ssettm $0x7FFFFFFF  }
tec
execute0_lowered:
.L_overlay_start_1:
0x0: {  	(tag) =	ssettag $0x1  }
0x1: {  	s1 =	rddreg [dreg:$0x0]  }
0x2: {  	s0 =	rddreg [dreg:$0x1]  }
0x3: {  	s2 =	rddreg [dreg:$0x2];
	s3 =	simm.s32 $0x0;
	s5 =	srdreg.scid  }
0x4: {  	s11 =	stileid.u32;
	s17 =	simm.s32 $0x1000;
	s18 =	simm.s32 $0x40  }
0x5: {  	s19 =	simm.s32 $0x2000;
	s20 =	simm.s32 $0x4000;
	s28 =	simm.s32 $0x5  }
0x6: {  	s29 =	simm.s32 $0x6;
	s30 =	simm.s32 $0x7;
	[smem:$0x7FF] =	sst s3  }
0x7: {  	s4 =	sadd.s32 $0x53A00, s0;
	s7 =	sand.u32 $0x1, s5;
	s8 =	smul.u32 $0x4E000, s11  }
0x8: {  	s5 =	sadd.s32 $0x67A00, s0;
	s6 =	sadd.s32 $0x3000, s0;
	s0 =	sadd.s32 $0x5800, s0  }
0x9: {  	s21 =	sshll.u32 s11, $0x6;
	s22 =	sshll.u32 s11, $0xD;
	s13 =	sshll.u32 s11, $0xF  }
0xa: {  	s15 =	smul.u32 $0x13800, s11;
	s16 =	sadd.s32 $0x138000, s2;
	_ =	strace $0x8000004A  }
0xb: {  	s9 =	ssub.s32 $0x2, s7;
	p0 =	seq.s32 s7, $0x0;
	s23 =	smul.u32 $0x138800, s7  }
0xc: {  	s7 =	sor.u32 $0x80000, s22;
	s22 =	simm.s32 $0x8000;
	s10 =	sshrl.u32 s9, $0x1  }
0xd: {  	s8 =	sshrl.u32 s8, $0x2;
	s7 =	smov.u32 @p0 s13;
	s12 =	ssub.s32 s9, s10  }
0xe: {  	s14 =	sadd.s32 s8, s2;
	s8 =	sor.u32 $0x1C09, s21;
	s9 =	simm.s32 $0x8  }
0xf: {  	s24 =	sadd.s32 s15, s23;
	s25 =	sshrl.u32 s23, $0x3;
	s10 =	simm.s32 $0x8  }
0x10: {  	s21 =	simm.s32 $0x6000;
	s23 =	simm.s32 $0x1;
	s13 =	sshrl.u32 s24, $0x3  }
0x11: {  	s15 =	sadd.s32 s0, s25;
	s10 =	simm.s32 @!p0 $0x2;
	s31 =	smax.u32 s12, $0x1  }
0x12: {  	p0 =	sne.s32 s11, $0x0;
	s14 =	sshrl.u32 s14, $0x3;
	s24 =	simm.s32 $0x2  }
0x13: {  	s25 =	simm.s32 $0x3;
	s0 =	sadd.s32 s0, s13;
	[dreg:$0x6] =	wrdreg s31  }
0x14: {  	s26 =	sadd.s32 $0x27000, s15;
	s15 =	simm.s32 $0x9;
	[dreg:$0x4] =	wrdreg s0  }
0x15: {  	s16 =	sshrl.u32 @!p0 s16, $0x3;
	[dreg:$0x5] =	wrdreg s26;
	s26 =	simm.s32 $0x4  }
.LBB2_1:
0x16: {  	[spmem:s14], [sflag:s8] =	dma.local [hbm:s6], $0x2700  }
0x17: {  	_ =	swait.ge [sflag:s15], $0x2700  }
0x18: {  	[sflag:s15] =	ssyncset.done $0x0  }
0x19: {  	s0 =	simm.s32 @!p0 $0x9;
	[sflag:s15] =	ssyncadd.s32 $0xFFFFD900  }
0x1a: {  	[spmem:s16], [sflag:s8] =	dma.local @!p0 [hbm:s6], $0x180  }
0x1b: {  	_ =	swait.ge @!p0 [sflag:s0], $0x180  }
0x1c: {  	[sflag:s0] =	ssyncset.done @!p0 $0x0  }
0x1d: {  	[sflag:s0] =	ssyncadd.s32 @!p0 $0xFFFFFE80  }
0x1e: {  	s31 =	simm.s32 $0x0;
	[bflag:$0x0] =	sbarrier.arrive $0xFFFF  }
.LBB2_2:
0x1f: {  	s0 =	sshll.u32 s31, $0xC  }
0x20: {  	s0 =	sadd.s32 s7, s0  }
0x21: {  	s0 =	sshrl.u32 s0, $0x3  }
0x22: {  	s12 =	simm.s32 $0x0;
	s11 =	sadd.s32 s4, s0  }
0x23: {  	[tilespmem:s12], [sflag:$0x9] =	stream.linear.gather [hbm4b:s11+s12], $0x1000, $0x38;
	[tilespmem:$0x1D8C0] =	vst v63  }
0x24: {  	_ =	swait.ge [sflag:s15], $0x1000  }
0x25: {  	[sflag:s15] =	ssyncset.done $0x0  }
0x26: {  	s0 =	sadd.s32 s5, s0;
	[sflag:s15] =	ssyncadd.s32 $0xFFFFF000  }
0x27: {  	[tilespmem:s17], [sflag:$0x9] =	stream.linear.gather [hbm4b:s0+s12], $0x1000, $0x38;
	[tilespmem:$0x1D8C0] =	vst v63  }
0x28: {  	_ =	swait.ge [sflag:s15], $0x1000  }
0x29: {  	[sflag:s15] =	ssyncset.done $0x0  }
0x2a: {  	s12 =	simm.s32 $0x0;
	[sflag:s15] =	ssyncadd.s32 $0xFFFFF000  }
0x2b: {  	[tilespmem:s19], [sflag:$0x1] =	stream.indirect.gather [hbm4b:s1+s18], $0x80, s12, s18, $0xb8;
	[tilespmem:$0x1D8C0] =	vst v63  }
0x2c: {  	s13 =	simm.s32 $0x80  }
0x2d: {  	[tilespmem:s20], [sflag:$0x2] =	stream.indirect.gather [hbm4b:s1+s18], $0x80, s13, s18, $0xb8;
	[tilespmem:$0x1D8C0] =	vst v63  }
0x2e: {  	s11 =	simm.s32 $0x100  }
0x2f: {  	[tilespmem:s21], [sflag:$0x3] =	stream.indirect.gather [hbm4b:s1+s18], $0x80, s11, s18, $0xb8;
	[tilespmem:$0x1D8C0] =	vst v63  }
0x30: {  	s12 =	simm.s32 $0x180  }
0x31: {  	[tilespmem:s22], [sflag:$0x4] =	stream.indirect.gather [hbm4b:s1+s18], $0x80, s12, s18, $0xb8;
	[tilespmem:$0x1D8C0] =	vst v63  }
0x32: {  	_ =	swait.ge [sflag:s23], $0x2000  }
0x33: {  	[sflag:s23] =	ssyncset.done $0x0  }
0x34: {  	s13 =	simm.s32 $0x1000;
	[sflag:s23] =	ssyncadd.s32 $0xFFFFE000  }
0x35: {  	[spmem:s2] =	stream.indirect.scatter.add.f32 [tilespmem:s19], [sflag:$0x5], $0x80, s13, s18, $0xb8;
	[tilespmem:$0x1D8C0] =	vst v63  }
0x36: {  	_ =	swait.ge [sflag:s24], $0x2000  }
0x37: {  	[sflag:s24] =	ssyncset.done $0x0  }
0x38: {  	s11 =	simm.s32 $0x1080;
	[sflag:s24] =	ssyncadd.s32 $0xFFFFE000  }
0x39: {  	[spmem:s2] =	stream.indirect.scatter.add.f32 [tilespmem:s20], [sflag:$0x6], $0x80, s11, s18, $0xb8;
	[tilespmem:$0x1D8C0] =	vst v63  }
0x3a: {  	_ =	swait.ge [sflag:s25], $0x2000  }
0x3b: {  	[sflag:s25] =	ssyncset.done $0x0  }
0x3c: {  	s12 =	simm.s32 $0x1100;
	[sflag:s25] =	ssyncadd.s32 $0xFFFFE000  }
0x3d: {  	[spmem:s2] =	stream.indirect.scatter.add.f32 [tilespmem:s21], [sflag:$0x7], $0x80, s12, s18, $0xb8;
	[tilespmem:$0x1D8C0] =	vst v63  }
0x3e: {  	_ =	swait.ge [sflag:s26], $0x2000  }
0x3f: {  	[sflag:s26] =	ssyncset.done $0x0  }
0x40: {  	s13 =	simm.s32 $0x1180;
	[sflag:s26] =	ssyncadd.s32 $0xFFFFE000  }
0x41: {  	[spmem:s2] =	stream.indirect.scatter.add.f32 [tilespmem:s22], [sflag:$0x8], $0x80, s13, s18, $0xb8;
	[tilespmem:$0x1D8C0] =	vst v63  }
0x42: {  	_ =	swait.ge [sflag:s28], $0x2000  }
0x43: {  	[sflag:s28] =	ssyncset.done $0x0  }
0x44: {  	[sflag:s28] =	ssyncadd.s32 $0xFFFFE000  }
0x45: {  	_ =	swait.ge [sflag:s29], $0x2000  }
0x46: {  	[sflag:s29] =	ssyncset.done $0x0  }
0x47: {  	[sflag:s29] =	ssyncadd.s32 $0xFFFFE000  }
0x48: {  	_ =	swait.ge [sflag:s30], $0x2000  }
0x49: {  	[sflag:s30] =	ssyncset.done $0x0  }
0x4a: {  	[sflag:s30] =	ssyncadd.s32 $0xFFFFE000  }
0x4b: {  	_ =	swait.ge [sflag:s9], $0x2000  }
0x4c: {  	s0 =	simm.s32 $0x800;
	s11 =	simm.s32 $0x1000;
	[sflag:s9] =	ssyncset.done $0x0  }
.LBB2_3:
0x4d: {  	s13 =	sshra.s32 s0, $0x2  }
0x4e: {  	[sflag:s9] =	ssyncadd.s32 $0xFFFFE000;
	s0 =	smov.u32 s11;
	s12 =	sadd.s32 $0x800, s11  }
0x4f: {  	[tilespmem:s19], [sflag:$0x1] =	stream.indirect.gather [hbm4b:s1+s18], $0x80, s13, s18, $0xb8;
	[tilespmem:$0x1D8C0] =	vst v63  }
0x50: {  	p1 =	sne.s32 s11, $0x3800;
	s11 =	sadd.s32 $0x80, s13  }
0x51: {  	[tilespmem:s20], [sflag:$0x2] =	stream.indirect.gather [hbm4b:s1+s18], $0x80, s11, s18, $0xb8;
	[tilespmem:$0x1D8C0] =	vst v63  }
0x52: {  	s11 =	sadd.s32 $0x100, s13  }
0x53: {  	[tilespmem:s21], [sflag:$0x3] =	stream.indirect.gather [hbm4b:s1+s18], $0x80, s11, s18, $0xb8;
	[tilespmem:$0x1D8C0] =	vst v63  }
0x54: {  	s11 =	sadd.s32 $0x180, s13  }
0x55: {  	[tilespmem:s22], [sflag:$0x4] =	stream.indirect.gather [hbm4b:s1+s18], $0x80, s11, s18, $0xb8;
	[tilespmem:$0x1D8C0] =	vst v63  }
0x56: {  	_ =	swait.ge [sflag:s23], $0x2000  }
0x57: {  	[sflag:s23] =	ssyncset.done $0x0  }
0x58: {  	s11 =	sadd.s32 $0x1000, s13;
	[sflag:s23] =	ssyncadd.s32 $0xFFFFE000  }
0x59: {  	[spmem:s2] =	stream.indirect.scatter.add.f32 [tilespmem:s19], [sflag:$0x5], $0x80, s11, s18, $0xb8;
	[tilespmem:$0x1D8C0] =	vst v63  }
0x5a: {  	_ =	swait.ge [sflag:s24], $0x2000  }
0x5b: {  	[sflag:s24] =	ssyncset.done $0x0  }
0x5c: {  	s11 =	sadd.s32 $0x1080, s13;
	[sflag:s24] =	ssyncadd.s32 $0xFFFFE000  }
0x5d: {  	[spmem:s2] =	stream.indirect.scatter.add.f32 [tilespmem:s20], [sflag:$0x6], $0x80, s11, s18, $0xb8;
	[tilespmem:$0x1D8C0] =	vst v63  }
0x5e: {  	_ =	swait.ge [sflag:s25], $0x2000  }
0x5f: {  	[sflag:s25] =	ssyncset.done $0x0  }
0x60: {  	s11 =	sadd.s32 $0x1100, s13;
	[sflag:s25] =	ssyncadd.s32 $0xFFFFE000  }
0x61: {  	[spmem:s2] =	stream.indirect.scatter.add.f32 [tilespmem:s21], [sflag:$0x7], $0x80, s11, s18, $0xb8;
	[tilespmem:$0x1D8C0] =	vst v63  }
0x62: {  	_ =	swait.ge [sflag:s26], $0x2000  }
0x63: {  	[sflag:s26] =	ssyncset.done $0x0  }
0x64: {  	s11 =	sadd.s32 $0x1180, s13;
	[sflag:s26] =	ssyncadd.s32 $0xFFFFE000  }
0x65: {  	[spmem:s2] =	stream.indirect.scatter.add.f32 [tilespmem:s22], [sflag:$0x8], $0x80, s11, s18, $0xb8;
	[tilespmem:$0x1D8C0] =	vst v63  }
0x66: {  	_ =	swait.ge [sflag:s28], $0x2000  }
0x67: {  	[sflag:s28] =	ssyncset.done $0x0  }
0x68: {  	[sflag:s28] =	ssyncadd.s32 $0xFFFFE000  }
0x69: {  	_ =	swait.ge [sflag:s29], $0x2000  }
0x6a: {  	[sflag:s29] =	ssyncset.done $0x0  }
0x6b: {  	[sflag:s29] =	ssyncadd.s32 $0xFFFFE000  }
.Ltmp0:
0x6c: {  	_ =	swait.ge [sflag:s30], $0x2000;
	(pc) =	sbr.rel @p1 .LBB2_3-.Ltmp0, $4  }
0x6d: {  	[sflag:s30] =	ssyncset.done $0x0  }
0x6e: {  	[sflag:s30] =	ssyncadd.s32 $0xFFFFE000  }
0x6f: {  	_ =	swait.ge [sflag:s9], $0x2000  }
0x70: {  	s11 =	smov.u32 s12;
	[sflag:s9] =	ssyncset.done $0x0  }
0x71: {  	s0 =	sshra.s32 s0, $0x2;
	[sflag:s9] =	ssyncadd.s32 $0xFFFFE000  }
0x72: {  	[tilespmem:s19], [sflag:$0x1] =	stream.indirect.gather [hbm4b:s1+s18], $0x80, s0, s18, $0xb8;
	[tilespmem:$0x1D8C0] =	vst v63  }
0x73: {  	s11 =	sadd.s32 $0x80, s0  }
0x74: {  	[tilespmem:s20], [sflag:$0x2] =	stream.indirect.gather [hbm4b:s1+s18], $0x80, s11, s18, $0xb8;
	[tilespmem:$0x1D8C0] =	vst v63  }
0x75: {  	s13 =	sadd.s32 $0x100, s0  }
0x76: {  	[tilespmem:s21], [sflag:$0x3] =	stream.indirect.gather [hbm4b:s1+s18], $0x80, s13, s18, $0xb8;
	[tilespmem:$0x1D8C0] =	vst v63  }
0x77: {  	s12 =	sadd.s32 $0x180, s0  }
0x78: {  	[tilespmem:s22], [sflag:$0x4] =	stream.indirect.gather [hbm4b:s1+s18], $0x80, s12, s18, $0xb8;
	[tilespmem:$0x1D8C0] =	vst v63  }
0x79: {  	_ =	swait.ge [sflag:s23], $0x2000  }
0x7a: {  	[sflag:s23] =	ssyncset.done $0x0  }
0x7b: {  	s13 =	sadd.s32 $0x1000, s0;
	[sflag:s23] =	ssyncadd.s32 $0xFFFFE000  }
0x7c: {  	[spmem:s2] =	stream.indirect.scatter.add.f32 [tilespmem:s19], [sflag:$0x5], $0x80, s13, s18, $0xb8;
	[tilespmem:$0x1D8C0] =	vst v63  }
0x7d: {  	_ =	swait.ge [sflag:s24], $0x2000  }
0x7e: {  	[sflag:s24] =	ssyncset.done $0x0  }
0x7f: {  	s12 =	sadd.s32 $0x1080, s0;
	[sflag:s24] =	ssyncadd.s32 $0xFFFFE000  }
0x80: {  	[spmem:s2] =	stream.indirect.scatter.add.f32 [tilespmem:s20], [sflag:$0x6], $0x80, s12, s18, $0xb8;
	[tilespmem:$0x1D8C0] =	vst v63  }
0x81: {  	_ =	swait.ge [sflag:s25], $0x2000  }
0x82: {  	[sflag:s25] =	ssyncset.done $0x0  }
0x83: {  	s13 =	sadd.s32 $0x1100, s0;
	[sflag:s25] =	ssyncadd.s32 $0xFFFFE000  }
0x84: {  	[spmem:s2] =	stream.indirect.scatter.add.f32 [tilespmem:s21], [sflag:$0x7], $0x80, s13, s18, $0xb8;
	[tilespmem:$0x1D8C0] =	vst v63  }
0x85: {  	_ =	swait.ge [sflag:s26], $0x2000  }
0x86: {  	[sflag:s26] =	ssyncset.done $0x0  }
0x87: {  	s0 =	sadd.s32 $0x1180, s0;
	[sflag:s26] =	ssyncadd.s32 $0xFFFFE000  }
0x88: {  	[spmem:s2] =	stream.indirect.scatter.add.f32 [tilespmem:s22], [sflag:$0x8], $0x80, s0, s18, $0xb8;
	[tilespmem:$0x1D8C0] =	vst v63  }
0x89: {  	_ =	swait.ge [sflag:s28], $0x2000  }
0x8a: {  	[sflag:s28] =	ssyncset.done $0x0  }
0x8b: {  	[sflag:s28] =	ssyncadd.s32 $0xFFFFE000  }
0x8c: {  	_ =	swait.ge [sflag:s29], $0x2000  }
0x8d: {  	[sflag:s29] =	ssyncset.done $0x0  }
0x8e: {  	s31 =	sadd.s32 $0x1, s31;
	[sflag:s29] =	ssyncadd.s32 $0xFFFFE000  }
0x8f: {  	p1 =	sne.s32 s31, s10;
	_ =	swait.ge [sflag:s30], $0x2000  }
.Ltmp1:
0x90: {  	[sflag:s30] =	ssyncset.done $0x0;
	(pc) =	sbr.rel @p1 .LBB2_2-.Ltmp1, $4  }
0x91: {  	[sflag:s30] =	ssyncadd.s32 $0xFFFFE000  }
0x92: {  	_ =	swait.ge [sflag:s9], $0x2000  }
0x93: {  	[sflag:s9] =	ssyncset.done $0x0  }
0x94: {  	[sflag:s9] =	ssyncadd.s32 $0xFFFFE000  }
0x95: {  	[bflag:$0x0] =	sbarrier.arrive $0xFFFF  }
0x96: {  	s0 =	rddreg [dreg:$0x4]  }
0x97: {  	[hbm:s0], [sflag:s8] =	dma.local [spmem:s14], $0x2700  }
0x98: {  	_ =	swait.ge [sflag:s15], $0x2700  }
0x99: {  	[sflag:s15] =	ssyncset.done $0x0  }
0x9a: {  	s0 =	rddreg [dreg:$0x5];
	[sflag:s15] =	ssyncadd.s32 $0xFFFFD900  }
0x9b: {  	[hbm:s0], [sflag:s8] =	dma.local @!p0 [spmem:s16], $0x100  }
0x9c: {  	s0 =	simm.s32 @!p0 $0x9  }
0x9d: {  	_ =	swait.ge @!p0 [sflag:s0], $0x100  }
0x9e: {  	s3 =	sadd.s32 $0x1, s3;
	s11 =	rddreg [dreg:$0x6]  }
0x9f: {  	p1 =	sne.s32 s3, s11  }
.Ltmp2:
0xa0: {  	_ = 	snop;
	(pc) =	sbr.rel @p1 .LBB2_1-.Ltmp2, $3  }
0xa1: {  	_ =	sdelay $0x1  }
0xa2: {  	[sflag:s0] =	ssyncset.done @!p0 $0x0  }
0xa3: {  	[sflag:s0] =	ssyncadd.s32 @!p0 $0xFFFFFF00  }
0xa4: {  	_ =	sfence.sel $0x180000  }
0xa5: {  	[bflag:$0x0] =	sbarrier.arrive $0xFFFF  }
0xa6: {  	_ =	strace $0x9000004A  }
0xa7: {  	[bflag:$0x2] =	sbarrier.arrive $0xFFFF  }
0xa8: {  	s0 =	rddreg [dreg:$0x3]  }
0xa9: {  	s0 =	sadd.s32 @!p0 $0x100000, s0  }
0xaa: {  	[sflag:s0] =	ssyncadd.tile.s32 @!p0 $0x1;
	_ =	shalt  }
.Lfunc_end2:
_tile_overlayer_lowered:
.L_overlay_start_2:
0xab: {  	(tag) =	ssettag $0x2  }
0xac: {  	s0 =	rddreg [dreg:$0x0];
	s2 =	stileid.u32  }
0xad: {  	s1 =	rddreg [dreg:$0x1];
	p0 =	sne.s32 s2, $0x0  }
0xae: {  	s3 =	rddreg [dreg:$0x2];
	[bflag:$0x3] =	sbarrier.arrive $0xFFFF;
	s2 =	simm.s32 @!p0 $0x1C09  }
0xaf: {  	[timem:s3], [sflag:s2] =	dma.local @!p0 [hbm:s0], s1  }
0xb0: {  	s0 =	simm.s32 @!p0 $0x9  }
0xb1: {  	_ =	swait.ge @!p0 [sflag:s0], s1  }
0xb2: {  	s1 =	ssub.s32 @!p0 $0x0, s1;
	[sflag:s0] =	ssyncset.done @!p0 $0x0  }
0xb3: {  	[sflag:s0] =	ssyncadd.s32 @!p0 s1  }
0xb4: {  	[bflag:$0x3] =	sbarrier.arrive $0xFFFF  }
0xb5: {  	_ =	shalt  }

// kernel: kernel.14.cloned.1.call-start
scs
__scs_entry_jumppad:
0x0: {  	(pc) =	sbr.rel $0x88, $3  }
0x1: {  	(tag) =	ssettag $0x0;
	lr =	simm.s32 $0x1  }
0x2: {  	[smem:$0x3F9B] =	sst lr;
	_ =	strace $0xD0000000  }
0x3: {  	_ = 	snop  }
0x4: {  	_ = 	snop  }
0x5: {  	_ = 	snop  }
0x6: {  	_ = 	snop  }
0x7: {  	_ = 	snop  }
__scs_overlays_trampoline_lowered:
0x8: {  	[smem:$0x3FAA] =	sst s0  }
0x9: {  	[smem:$0x3FAB] =	sst s1  }
0xa: {  	[smem:$0x3FAC] =	sst s2  }
0xb: {  	[smem:$0x3FAD] =	sst s3  }
0xc: {  	[smem:$0x3FAE] =	sst s4  }
0xd: {  	[smem:$0x3FAF] =	sst s5  }
0xe: {  	[smem:$0x3FB0] =	sst s6  }
0xf: {  	[smem:$0x3FB1] =	sst s7  }
0x10: {  	[smem:$0x3FB2] =	sst s8  }
0x11: {  	[smem:$0x3FB3] =	sst s9;
	s0 =	simm.s32 @!p0 $0x0  }
0x12: {  	s1 =	sld [smem:$0x3F99];
	s0 =	simm.s32 @p0 $0x1  }
0x13: {  	[smem:$0x3FB4] =	sst s0;
	s0 =	simm.s32 @!p1 $0x0  }
0x14: {  	s2 =	sld [smem:$0x3F98];
	s0 =	simm.s32 @p1 $0x1  }
0x15: {  	[smem:$0x3FB5] =	sst s0;
	s0 =	simm.s32 @!p2 $0x0  }
0x16: {  	s3 =	sld [smem:$0x3FDB];
	s0 =	simm.s32 @p2 $0x1  }
0x17: {  	s4 =	simm.s32 $0x1BF5;
	[smem:$0x3FB7] =	sst s0  }
0x18: {  	s0 =	sld [smem:$0x3F9A];
	_ =	swait.ge [sflag:s4], $0x0  }
0x19: {  	s7 =	sld [smem:$0x3F9B]  }
0x1a: {  	s8 =	sadd.s32 $0xFFFFE003, lr  }
0x1b: {  	s9 =	sadd.s32 $0xFFFFFEF7, lr;
	s5 =	simm.s32 $0xFFFFFFFF;
	p2 =	slt.u32 s8, $0xFFFFF086  }
0x1c: {  	p1 =	slt.u32 s9, $0xF7A;
	s5 =	simm.s32 @!p2 $0x0  }
0x1d: {  	s5 =	simm.s32 @p1 $0x1;
	p0 =	seq.s32 s7, s2  }
0x1e: {  	s7 =	smul.u32 @!p0 $0xF7A, s2;
	p2 =	seq.s32 @!p0 s5, $0x0  }
0x1f: {  	s9 =	smul.u32 $0xF7A, s1;
	s8 =	simm.s32 @!p0 $0x1BF5;
	p2 =	por !p2, p0  }
0x20: {  	[sflag:s8] =	ssyncset.s32 @!p0 $0xFFFFF086;
	s6 =	sadd.s32 @!p0 s3, s7;
	s7 =	simm.s32 @!p0 $0x108  }
0x21: {  	s3 =	sadd.s32 s3, s9;
	s6 =	sadd.s32 @!p0 $0x88, s6;
	s7 =	simm.s32 @p2 $0x1082  }
0x22: {  	[simem:s7], [sflag:s8] =	dma.local @!p0 [hbm:s6], $0xF7A  }
0x23: {  	s9 =	sor.u32 $0xD0000000, s2;
	s6 =	simm.s32 $0x108;
	_ =	swait.ge @!p0 [sflag:s8], $0x0  }
0x24: {  	s3 =	sadd.s32 $0x88, s3;
	s6 =	simm.s32 @!p1 $0x1082;
	[sflag:s4] =	ssyncset.s32 $0xFFFFF086  }
0x25: {  	[simem:s6], [sflag:s4] =	dma.local [hbm:s3], $0xF7A  }
0x26: {  	[smem:$0x3F9B] =	sst s1;
	(tag) =	ssettag s2;
	_ =	strace s9  }
0x27: {  	s1 =	sld [smem:$0x3FAB]  }
0x28: {  	s2 =	sld [smem:$0x3FAC]  }
0x29: {  	s4 =	sld [smem:$0x3FAE]  }
0x2a: {  	p0 =	seq.s32 s5, $0x0;
	s5 =	sld [smem:$0x3FAF]  }
0x2b: {  	s6 =	sld [smem:$0x3FB0]  }
0x2c: {  	s7 =	sld [smem:$0x3FB1]  }
0x2d: {  	s3 =	simm.s32 $0x108;
	s8 =	sld [smem:$0x3FB2]  }
0x2e: {  	s3 =	simm.s32 @!p0 $0x1082;
	s9 =	sld [smem:$0x3FB3]  }
0x2f: {  	lr =	sadd.s32 s0, s3;
	s0 =	sld [smem:$0x3FAA]  }
0x30: {  	s3 =	sld [smem:$0x3FAD]  }
0x31: {  	[smem:$0x3FB6] =	sst s10  }
0x32: {  	s10 =	sld [smem:$0x3FB4];
	_ =	sdelay $0x3  }
0x33: {  	p0 =	seq.s32 s10, $0x1;
	s10 =	sld [smem:$0x3FB6];
	_ =	sdelay $0x3  }
0x34: {  	[smem:$0x3FB6] =	sst s10  }
0x35: {  	s10 =	sld [smem:$0x3FB5];
	_ =	sdelay $0x3  }
0x36: {  	p1 =	seq.s32 s10, $0x1;
	s10 =	sld [smem:$0x3FB6];
	_ =	sdelay $0x3  }
0x37: {  	[smem:$0x3FB6] =	sst s10  }
0x38: {  	s10 =	sld [smem:$0x3FB7]  }
0x39: {  	_ = 	snop;
	(pc) =	sbr.ind lr, $3  }
0x3a: {  	_ = 	snop  }
0x3b: {  	_ = 	snop  }
0x3c: {  	p2 =	seq.s32 s10, $0x1;
	s10 =	sld [smem:$0x3FB6]  }
0x3d: {  	_ =	shalt  }
0x3e: {  	_ =	shalt  }
0x3f: {  	_ =	shalt  }
0x40: {  	_ =	shalt  }
0x41: {  	_ =	shalt  }
0x42: {  	_ =	shalt  }
0x43: {  	_ =	shalt  }
0x44: {  	_ =	shalt  }
0x45: {  	_ =	shalt  }
0x46: {  	_ =	shalt  }
0x47: {  	_ =	shalt  }
0x48: {  	_ =	shalt  }
0x49: {  	_ =	shalt  }
0x4a: {  	_ =	shalt  }
0x4b: {  	_ =	shalt  }
0x4c: {  	_ =	shalt  }
0x4d: {  	_ =	shalt  }
0x4e: {  	_ =	shalt  }
0x4f: {  	_ =	shalt  }
0x50: {  	_ =	shalt  }
0x51: {  	_ =	shalt  }
0x52: {  	_ =	shalt  }
0x53: {  	_ =	shalt  }
0x54: {  	_ =	shalt  }
0x55: {  	_ =	shalt  }
0x56: {  	_ =	shalt  }
0x57: {  	_ =	shalt  }
0x58: {  	_ =	shalt  }
0x59: {  	_ =	shalt  }
0x5a: {  	_ =	shalt  }
0x5b: {  	_ =	shalt  }
0x5c: {  	_ =	shalt  }
0x5d: {  	_ =	shalt  }
0x5e: {  	_ =	shalt  }
0x5f: {  	_ =	shalt  }
0x60: {  	_ =	shalt  }
0x61: {  	_ =	shalt  }
0x62: {  	_ =	shalt  }
0x63: {  	_ =	shalt  }
0x64: {  	_ =	shalt  }
0x65: {  	_ =	shalt  }
0x66: {  	_ =	shalt  }
0x67: {  	_ =	shalt  }
0x68: {  	_ =	shalt  }
0x69: {  	_ =	shalt  }
0x6a: {  	_ =	shalt  }
0x6b: {  	_ =	shalt  }
0x6c: {  	_ =	shalt  }
0x6d: {  	_ =	shalt  }
0x6e: {  	_ =	shalt  }
0x6f: {  	_ =	shalt  }
0x70: {  	_ =	shalt  }
0x71: {  	_ =	shalt  }
0x72: {  	_ =	shalt  }
0x73: {  	_ =	shalt  }
0x74: {  	_ =	shalt  }
0x75: {  	_ =	shalt  }
0x76: {  	_ =	shalt  }
0x77: {  	_ =	shalt  }
0x78: {  	_ =	shalt  }
0x79: {  	_ =	shalt  }
0x7a: {  	_ =	shalt  }
0x7b: {  	_ =	shalt  }
0x7c: {  	_ =	shalt  }
0x7d: {  	_ =	shalt  }
0x7e: {  	_ =	shalt  }
0x7f: {  	_ =	shalt  }
0x80: {  	_ =	shalt  }
0x81: {  	_ =	shalt  }
0x82: {  	_ =	shalt  }
0x83: {  	_ =	shalt  }
0x84: {  	_ =	shalt  }
0x85: {  	_ =	shalt  }
0x86: {  	_ =	shalt  }
0x87: {  	_ =	shalt  }
.Lfunc_end0:
.L_simem_size_0:
called_computation.2_lowered:
.L_overlay_start_0:
0x88: {  	s2 =	sld [smem:$0x3FD9]  }
0x89: {  	s3 =	sld [smem:$0x3FFE];
	_ =	sdelay $0x1  }
0x8a: {  	s1 =	srdreg.scid  }
0x8b: {  	s0 =	sand.u32 $0x1, s1  }
0x8c: {  	s17 =	sshll.u32 s0, $0xA;
	s2 =	sadd.s32 s3, s2  }
0x8d: {  	s2 =	sadd.s32 s2, s17  }
0x8e: {  	[smem:$0x3FC2] =	sst s2  }
0x8f: {  	_ = 	snop  }
0x90: {  	s2 =	sld [smem:$0x3FD0];
	(tm) =	ssettm $0x1  }
0x91: {  	s18 =	sld [smem:$0x3FFB];
	_ =	sdelay $0x3  }
0x92: {  	_ =	strace s18  }
0x93: {  	s3 =	sld [smem:$0x3FFC];
	_ =	sdelay $0x3  }
0x94: {  	_ =	strace s3  }
0x95: {  	s3 =	sld [smem:$0x3FFD];
	_ =	sdelay $0x3  }
0x96: {  	_ =	strace s3  }
0x97: {  	_ =	strace $0x8FFFFFFF  }
0x98: {  	s19 =	sld [smem:$0x3FDB];
	_ =	sdelay $0x1  }
0x99: {  	s4 =	simm.s32 $_scs_section_size  }
0x9a: {  	s5 =	simm.s32 $_size__tile_overlayer_lowered;
	s6 =	simm.s32 $_tile_overlayer_lowered  }
0x9b: {  	s22 =	simm.s32 $0x1BFF;
	s21 =	sshll.u32 s6, $0x1;
	s3 =	sadd.s32 s4, s19  }
0x9c: {  	s7 =	simm.s32 $0x0;
	s20 =	sshll.u32 s5, $0x1;
	s5 =	sadd.s32 s21, s3  }
0x9d: {  	[timem:s7], [sflag:s22] =	dma.local [hbm:s5], s20  }
0x9e: {  	_ =	swait.ge [sflag:s22], s20  }
0x9f: {  	s4 =	ssub.s32 $0x0, s20;
	[sflag:s22] =	ssyncset.done $0x0  }
0xa0: {  	[sflag:s22] =	ssyncadd.s32 s4;
	_ =	sdelay $0x1  }
0xa1: {  	s23 =	simm.s32 $0x1B8B  }
0xa2: {  	_ =	swait.ge [sflag:s23], $0x1  }
0xa3: {  	[sflag:s23] =	ssyncset.done $0x0  }
0xa4: {  	s25 =	simm.s32 $0x1B8E;
	s24 =	sld [smem:$0x3FFE];
	[sflag:s23] =	ssyncadd.s32 $0xFFFFFFFF  }
0xa5: {  	s26 =	simm.s32 $execute0_lowered;
	[smem:$0x3FD2] =	sst s25  }
0xa6: {  	s5 =	sshll.u32 s26, $0x1;
	_ =	strace $0x8000004C;
	[dreg:$0x1] =	wrdreg $0xFFFFFFFF  }
0xa7: {  	s28 =	simm.s32 $_size_execute0_lowered;
	s3 =	sadd.s32 s3, s5;
	[dreg:$0x0] =	wrdreg $0x0  }
0xa8: {  	s5 =	sshll.u32 s28, $0x1;
	[dreg:$0x2] =	wrdreg s3  }
0xa9: {  	[dreg:$0x3] =	wrdreg s5  }
0xaa: {  	[dreg:$0x4] =	wrdreg $0xC0  }
0xab: {  	_ =	task [dreg:s7], $0x5FFFF  }
0xac: {  	[dreg:$0x1] =	wrdreg $0xFFFFFFFF  }
0xad: {  	[dreg:$0x0] =	wrdreg $0x60  }
0xae: {  	[dreg:$0x2] =	wrdreg s2  }
0xaf: {  	[dreg:$0x3] =	wrdreg s24  }
0xb0: {  	[dreg:$0x4] =	wrdreg $0xA0000  }
0xb1: {  	[dreg:$0x5] =	wrdreg $0x9  }
0xb2: {  	_ =	task.clear_ibuf [dreg:s7], $0x6FFFF;
	_ =	strace $0x9000004C  }
0xb3: {  	s29 =	simm.s32 $0x9;
	_ =	strace $0x8000004E  }
0xb4: {  	_ =	swait.ge [sflag:s29], $0x1  }
0xb5: {  	[sflag:s29] =	ssyncadd.s32 $0xFFFFFFFF  }
0xb6: {  	_ =	strace $0x9000004E  }
0xb7: {  	_ =	sfence  }
0xb8: {  	s30 =	sld [smem:$0x0];
	_ =	sdelay $0x2  }
0xb9: {  	s31 =	sshll.u32 s1, $0xD;
	s1 =	sshrl.u32 s1, $0x2  }
0xba: {  	s3 =	sand.u32 $0x4000, s31;
	s1 =	sadd.s32 s1, s30  }
0xbb: {  	s0 =	sor.u32 s3, s0;
	s1 =	sshll.u32 s1, $0x11  }
0xbc: {  	s0 =	sor.u32 s1, s0  }
0xbd: {  	s0 =	sadd.s32 $0x8F2B, s0  }
0xbe: {  	[sflag:s0] =	ssyncadd.remote.s32 $0x1  }
0xbf: {  	_ =	sfence.sel $0xFFFF  }
0xc0: {  	[dreg:$0x0] =	wrdreg $0xFFFFFFFF;
	(pc) =	sbr.abs _section_cstart, $3  }
0xc1: {  	[dreg:$0x1] =	wrdreg $0xFFFFFFFF  }
0xc2: {  	_ =	task.clear_ibuf [dreg:s7], $0x2FFFF;
	_ =	strace $0x9FFFFFFF  }
0xc3: {  	(tm) =	ssettm $0x7FFFFFFF  }
tec
execute0_lowered:
.L_overlay_start_1:
0x0: {  	(tag) =	ssettag $0x1  }
0x1: {  	s1 =	rddreg [dreg:$0x0]  }
0x2: {  	s0 =	rddreg [dreg:$0x1]  }
0x3: {  	s2 =	rddreg [dreg:$0x2];
	s3 =	simm.s32 $0x0;
	s5 =	srdreg.scid  }
0x4: {  	s11 =	stileid.u32;
	s17 =	simm.s32 $0x1000;
	s18 =	simm.s32 $0x40  }
0x5: {  	s19 =	simm.s32 $0x2000;
	s20 =	simm.s32 $0x4000;
	s28 =	simm.s32 $0x5  }
0x6: {  	s29 =	simm.s32 $0x6;
	s30 =	simm.s32 $0x7;
	[smem:$0x7FF] =	sst s3  }
0x7: {  	s4 =	sadd.s32 $0x53A00, s0;
	s7 =	sand.u32 $0x1, s5;
	s8 =	smul.u32 $0x4E000, s11  }
0x8: {  	s5 =	sadd.s32 $0x67A00, s0;
	s6 =	sadd.s32 $0x3000, s0;
	s0 =	sadd.s32 $0x5800, s0  }
0x9: {  	s21 =	sshll.u32 s11, $0x6;
	s22 =	sshll.u32 s11, $0xD;
	s13 =	sshll.u32 s11, $0xF  }
0xa: {  	s15 =	smul.u32 $0x13800, s11;
	s16 =	sadd.s32 $0x138000, s2;
	_ =	strace $0x8000004D  }
0xb: {  	s9 =	ssub.s32 $0x2, s7;
	p0 =	seq.s32 s7, $0x0;
	s23 =	smul.u32 $0x138800, s7  }
0xc: {  	s7 =	sor.u32 $0x80000, s22;
	s22 =	simm.s32 $0x8000;
	s10 =	sshrl.u32 s9, $0x1  }
0xd: {  	s8 =	sshrl.u32 s8, $0x2;
	s7 =	smov.u32 @p0 s13;
	s12 =	ssub.s32 s9, s10  }
0xe: {  	s14 =	sadd.s32 s8, s2;
	s8 =	sor.u32 $0x1C09, s21;
	s9 =	simm.s32 $0x8  }
0xf: {  	s24 =	sadd.s32 s15, s23;
	s25 =	sshrl.u32 s23, $0x3;
	s10 =	simm.s32 $0x8  }
0x10: {  	s21 =	simm.s32 $0x6000;
	s23 =	simm.s32 $0x1;
	s13 =	sshrl.u32 s24, $0x3  }
0x11: {  	s15 =	sadd.s32 s0, s25;
	s10 =	simm.s32 @!p0 $0x2;
	s31 =	smax.u32 s12, $0x1  }
0x12: {  	p0 =	sne.s32 s11, $0x0;
	s14 =	sshrl.u32 s14, $0x3;
	s24 =	simm.s32 $0x2  }
0x13: {  	s25 =	simm.s32 $0x3;
	s0 =	sadd.s32 s0, s13;
	[dreg:$0x6] =	wrdreg s31  }
0x14: {  	s26 =	sadd.s32 $0x27000, s15;
	s15 =	simm.s32 $0x9;
	[dreg:$0x4] =	wrdreg s0  }
0x15: {  	s16 =	sshrl.u32 @!p0 s16, $0x3;
	[dreg:$0x5] =	wrdreg s26;
	s26 =	simm.s32 $0x4  }
.LBB2_1:
0x16: {  	[spmem:s14], [sflag:s8] =	dma.local [hbm:s6], $0x2700  }
0x17: {  	_ =	swait.ge [sflag:s15], $0x2700  }
0x18: {  	[sflag:s15] =	ssyncset.done $0x0  }
0x19: {  	s0 =	simm.s32 @!p0 $0x9;
	[sflag:s15] =	ssyncadd.s32 $0xFFFFD900  }
0x1a: {  	[spmem:s16], [sflag:s8] =	dma.local @!p0 [hbm:s6], $0x180  }
0x1b: {  	_ =	swait.ge @!p0 [sflag:s0], $0x180  }
0x1c: {  	[sflag:s0] =	ssyncset.done @!p0 $0x0  }
0x1d: {  	[sflag:s0] =	ssyncadd.s32 @!p0 $0xFFFFFE80  }
0x1e: {  	s31 =	simm.s32 $0x0;
	[bflag:$0x0] =	sbarrier.arrive $0xFFFF  }
.LBB2_2:
0x1f: {  	s0 =	sshll.u32 s31, $0xC  }
0x20: {  	s0 =	sadd.s32 s7, s0  }
0x21: {  	s0 =	sshrl.u32 s0, $0x3  }
0x22: {  	s12 =	simm.s32 $0x0;
	s11 =	sadd.s32 s4, s0  }
0x23: {  	[tilespmem:s12], [sflag:$0x9] =	stream.linear.gather [hbm4b:s11+s12], $0x1000, $0x38;
	[tilespmem:$0x1D8C0] =	vst v63  }
0x24: {  	_ =	swait.ge [sflag:s15], $0x1000  }
0x25: {  	[sflag:s15] =	ssyncset.done $0x0  }
0x26: {  	s0 =	sadd.s32 s5, s0;
	[sflag:s15] =	ssyncadd.s32 $0xFFFFF000  }
0x27: {  	[tilespmem:s17], [sflag:$0x9] =	stream.linear.gather [hbm4b:s0+s12], $0x1000, $0x38;
	[tilespmem:$0x1D8C0] =	vst v63  }
0x28: {  	_ =	swait.ge [sflag:s15], $0x1000  }
0x29: {  	[sflag:s15] =	ssyncset.done $0x0  }
0x2a: {  	s12 =	simm.s32 $0x0;
	[sflag:s15] =	ssyncadd.s32 $0xFFFFF000  }
0x2b: {  	[tilespmem:s19], [sflag:$0x1] =	stream.indirect.gather [hbm4b:s1+s18], $0x80, s12, s18, $0xb8;
	[tilespmem:$0x1D8C0] =	vst v63  }
0x2c: {  	s13 =	simm.s32 $0x80  }
0x2d: {  	[tilespmem:s20], [sflag:$0x2] =	stream.indirect.gather [hbm4b:s1+s18], $0x80, s13, s18, $0xb8;
	[tilespmem:$0x1D8C0] =	vst v63  }
0x2e: {  	s11 =	simm.s32 $0x100  }
0x2f: {  	[tilespmem:s21], [sflag:$0x3] =	stream.indirect.gather [hbm4b:s1+s18], $0x80, s11, s18, $0xb8;
	[tilespmem:$0x1D8C0] =	vst v63  }
0x30: {  	s12 =	simm.s32 $0x180  }
0x31: {  	[tilespmem:s22], [sflag:$0x4] =	stream.indirect.gather [hbm4b:s1+s18], $0x80, s12, s18, $0xb8;
	[tilespmem:$0x1D8C0] =	vst v63  }
0x32: {  	_ =	swait.ge [sflag:s23], $0x2000  }
0x33: {  	[sflag:s23] =	ssyncset.done $0x0  }
0x34: {  	s13 =	simm.s32 $0x1000;
	[sflag:s23] =	ssyncadd.s32 $0xFFFFE000  }
0x35: {  	[spmem:s2] =	stream.indirect.scatter.add.f32 [tilespmem:s19], [sflag:$0x5], $0x80, s13, s18, $0xb8;
	[tilespmem:$0x1D8C0] =	vst v63  }
0x36: {  	_ =	swait.ge [sflag:s24], $0x2000  }
0x37: {  	[sflag:s24] =	ssyncset.done $0x0  }
0x38: {  	s11 =	simm.s32 $0x1080;
	[sflag:s24] =	ssyncadd.s32 $0xFFFFE000  }
0x39: {  	[spmem:s2] =	stream.indirect.scatter.add.f32 [tilespmem:s20], [sflag:$0x6], $0x80, s11, s18, $0xb8;
	[tilespmem:$0x1D8C0] =	vst v63  }
0x3a: {  	_ =	swait.ge [sflag:s25], $0x2000  }
0x3b: {  	[sflag:s25] =	ssyncset.done $0x0  }
0x3c: {  	s12 =	simm.s32 $0x1100;
	[sflag:s25] =	ssyncadd.s32 $0xFFFFE000  }
0x3d: {  	[spmem:s2] =	stream.indirect.scatter.add.f32 [tilespmem:s21], [sflag:$0x7], $0x80, s12, s18, $0xb8;
	[tilespmem:$0x1D8C0] =	vst v63  }
0x3e: {  	_ =	swait.ge [sflag:s26], $0x2000  }
0x3f: {  	[sflag:s26] =	ssyncset.done $0x0  }
0x40: {  	s13 =	simm.s32 $0x1180;
	[sflag:s26] =	ssyncadd.s32 $0xFFFFE000  }
0x41: {  	[spmem:s2] =	stream.indirect.scatter.add.f32 [tilespmem:s22], [sflag:$0x8], $0x80, s13, s18, $0xb8;
	[tilespmem:$0x1D8C0] =	vst v63  }
0x42: {  	_ =	swait.ge [sflag:s28], $0x2000  }
0x43: {  	[sflag:s28] =	ssyncset.done $0x0  }
0x44: {  	[sflag:s28] =	ssyncadd.s32 $0xFFFFE000  }
0x45: {  	_ =	swait.ge [sflag:s29], $0x2000  }
0x46: {  	[sflag:s29] =	ssyncset.done $0x0  }
0x47: {  	[sflag:s29] =	ssyncadd.s32 $0xFFFFE000  }
0x48: {  	_ =	swait.ge [sflag:s30], $0x2000  }
0x49: {  	[sflag:s30] =	ssyncset.done $0x0  }
0x4a: {  	[sflag:s30] =	ssyncadd.s32 $0xFFFFE000  }
0x4b: {  	_ =	swait.ge [sflag:s9], $0x2000  }
0x4c: {  	s0 =	simm.s32 $0x800;
	s11 =	simm.s32 $0x1000;
	[sflag:s9] =	ssyncset.done $0x0  }
.LBB2_3:
0x4d: {  	s13 =	sshra.s32 s0, $0x2  }
0x4e: {  	[sflag:s9] =	ssyncadd.s32 $0xFFFFE000;
	s0 =	smov.u32 s11;
	s12 =	sadd.s32 $0x800, s11  }
0x4f: {  	[tilespmem:s19], [sflag:$0x1] =	stream.indirect.gather [hbm4b:s1+s18], $0x80, s13, s18, $0xb8;
	[tilespmem:$0x1D8C0] =	vst v63  }
0x50: {  	p1 =	sne.s32 s11, $0x3800;
	s11 =	sadd.s32 $0x80, s13  }
0x51: {  	[tilespmem:s20], [sflag:$0x2] =	stream.indirect.gather [hbm4b:s1+s18], $0x80, s11, s18, $0xb8;
	[tilespmem:$0x1D8C0] =	vst v63  }
0x52: {  	s11 =	sadd.s32 $0x100, s13  }
0x53: {  	[tilespmem:s21], [sflag:$0x3] =	stream.indirect.gather [hbm4b:s1+s18], $0x80, s11, s18, $0xb8;
	[tilespmem:$0x1D8C0] =	vst v63  }
0x54: {  	s11 =	sadd.s32 $0x180, s13  }
0x55: {  	[tilespmem:s22], [sflag:$0x4] =	stream.indirect.gather [hbm4b:s1+s18], $0x80, s11, s18, $0xb8;
	[tilespmem:$0x1D8C0] =	vst v63  }
0x56: {  	_ =	swait.ge [sflag:s23], $0x2000  }
0x57: {  	[sflag:s23] =	ssyncset.done $0x0  }
0x58: {  	s11 =	sadd.s32 $0x1000, s13;
	[sflag:s23] =	ssyncadd.s32 $0xFFFFE000  }
0x59: {  	[spmem:s2] =	stream.indirect.scatter.add.f32 [tilespmem:s19], [sflag:$0x5], $0x80, s11, s18, $0xb8;
	[tilespmem:$0x1D8C0] =	vst v63  }
0x5a: {  	_ =	swait.ge [sflag:s24], $0x2000  }
0x5b: {  	[sflag:s24] =	ssyncset.done $0x0  }
0x5c: {  	s11 =	sadd.s32 $0x1080, s13;
	[sflag:s24] =	ssyncadd.s32 $0xFFFFE000  }
0x5d: {  	[spmem:s2] =	stream.indirect.scatter.add.f32 [tilespmem:s20], [sflag:$0x6], $0x80, s11, s18, $0xb8;
	[tilespmem:$0x1D8C0] =	vst v63  }
0x5e: {  	_ =	swait.ge [sflag:s25], $0x2000  }
0x5f: {  	[sflag:s25] =	ssyncset.done $0x0  }
0x60: {  	s11 =	sadd.s32 $0x1100, s13;
	[sflag:s25] =	ssyncadd.s32 $0xFFFFE000  }
0x61: {  	[spmem:s2] =	stream.indirect.scatter.add.f32 [tilespmem:s21], [sflag:$0x7], $0x80, s11, s18, $0xb8;
	[tilespmem:$0x1D8C0] =	vst v63  }
0x62: {  	_ =	swait.ge [sflag:s26], $0x2000  }
0x63: {  	[sflag:s26] =	ssyncset.done $0x0  }
0x64: {  	s11 =	sadd.s32 $0x1180, s13;
	[sflag:s26] =	ssyncadd.s32 $0xFFFFE000  }
0x65: {  	[spmem:s2] =	stream.indirect.scatter.add.f32 [tilespmem:s22], [sflag:$0x8], $0x80, s11, s18, $0xb8;
	[tilespmem:$0x1D8C0] =	vst v63  }
0x66: {  	_ =	swait.ge [sflag:s28], $0x2000  }
0x67: {  	[sflag:s28] =	ssyncset.done $0x0  }
0x68: {  	[sflag:s28] =	ssyncadd.s32 $0xFFFFE000  }
0x69: {  	_ =	swait.ge [sflag:s29], $0x2000  }
0x6a: {  	[sflag:s29] =	ssyncset.done $0x0  }
0x6b: {  	[sflag:s29] =	ssyncadd.s32 $0xFFFFE000  }
.Ltmp0:
0x6c: {  	_ =	swait.ge [sflag:s30], $0x2000;
	(pc) =	sbr.rel @p1 .LBB2_3-.Ltmp0, $4  }
0x6d: {  	[sflag:s30] =	ssyncset.done $0x0  }
0x6e: {  	[sflag:s30] =	ssyncadd.s32 $0xFFFFE000  }
0x6f: {  	_ =	swait.ge [sflag:s9], $0x2000  }
0x70: {  	s11 =	smov.u32 s12;
	[sflag:s9] =	ssyncset.done $0x0  }
0x71: {  	s0 =	sshra.s32 s0, $0x2;
	[sflag:s9] =	ssyncadd.s32 $0xFFFFE000  }
0x72: {  	[tilespmem:s19], [sflag:$0x1] =	stream.indirect.gather [hbm4b:s1+s18], $0x80, s0, s18, $0xb8;
	[tilespmem:$0x1D8C0] =	vst v63  }
0x73: {  	s11 =	sadd.s32 $0x80, s0  }
0x74: {  	[tilespmem:s20], [sflag:$0x2] =	stream.indirect.gather [hbm4b:s1+s18], $0x80, s11, s18, $0xb8;
	[tilespmem:$0x1D8C0] =	vst v63  }
0x75: {  	s13 =	sadd.s32 $0x100, s0  }
0x76: {  	[tilespmem:s21], [sflag:$0x3] =	stream.indirect.gather [hbm4b:s1+s18], $0x80, s13, s18, $0xb8;
	[tilespmem:$0x1D8C0] =	vst v63  }
0x77: {  	s12 =	sadd.s32 $0x180, s0  }
0x78: {  	[tilespmem:s22], [sflag:$0x4] =	stream.indirect.gather [hbm4b:s1+s18], $0x80, s12, s18, $0xb8;
	[tilespmem:$0x1D8C0] =	vst v63  }
0x79: {  	_ =	swait.ge [sflag:s23], $0x2000  }
0x7a: {  	[sflag:s23] =	ssyncset.done $0x0  }
0x7b: {  	s13 =	sadd.s32 $0x1000, s0;
	[sflag:s23] =	ssyncadd.s32 $0xFFFFE000  }
0x7c: {  	[spmem:s2] =	stream.indirect.scatter.add.f32 [tilespmem:s19], [sflag:$0x5], $0x80, s13, s18, $0xb8;
	[tilespmem:$0x1D8C0] =	vst v63  }
0x7d: {  	_ =	swait.ge [sflag:s24], $0x2000  }
0x7e: {  	[sflag:s24] =	ssyncset.done $0x0  }
0x7f: {  	s12 =	sadd.s32 $0x1080, s0;
	[sflag:s24] =	ssyncadd.s32 $0xFFFFE000  }
0x80: {  	[spmem:s2] =	stream.indirect.scatter.add.f32 [tilespmem:s20], [sflag:$0x6], $0x80, s12, s18, $0xb8;
	[tilespmem:$0x1D8C0] =	vst v63  }
0x81: {  	_ =	swait.ge [sflag:s25], $0x2000  }
0x82: {  	[sflag:s25] =	ssyncset.done $0x0  }
0x83: {  	s13 =	sadd.s32 $0x1100, s0;
	[sflag:s25] =	ssyncadd.s32 $0xFFFFE000  }
0x84: {  	[spmem:s2] =	stream.indirect.scatter.add.f32 [tilespmem:s21], [sflag:$0x7], $0x80, s13, s18, $0xb8;
	[tilespmem:$0x1D8C0] =	vst v63  }
0x85: {  	_ =	swait.ge [sflag:s26], $0x2000  }
0x86: {  	[sflag:s26] =	ssyncset.done $0x0  }
0x87: {  	s0 =	sadd.s32 $0x1180, s0;
	[sflag:s26] =	ssyncadd.s32 $0xFFFFE000  }
0x88: {  	[spmem:s2] =	stream.indirect.scatter.add.f32 [tilespmem:s22], [sflag:$0x8], $0x80, s0, s18, $0xb8;
	[tilespmem:$0x1D8C0] =	vst v63  }
0x89: {  	_ =	swait.ge [sflag:s28], $0x2000  }
0x8a: {  	[sflag:s28] =	ssyncset.done $0x0  }
0x8b: {  	[sflag:s28] =	ssyncadd.s32 $0xFFFFE000  }
0x8c: {  	_ =	swait.ge [sflag:s29], $0x2000  }
0x8d: {  	[sflag:s29] =	ssyncset.done $0x0  }
0x8e: {  	s31 =	sadd.s32 $0x1, s31;
	[sflag:s29] =	ssyncadd.s32 $0xFFFFE000  }
0x8f: {  	p1 =	sne.s32 s31, s10;
	_ =	swait.ge [sflag:s30], $0x2000  }
.Ltmp1:
0x90: {  	[sflag:s30] =	ssyncset.done $0x0;
	(pc) =	sbr.rel @p1 .LBB2_2-.Ltmp1, $4  }
0x91: {  	[sflag:s30] =	ssyncadd.s32 $0xFFFFE000  }
0x92: {  	_ =	swait.ge [sflag:s9], $0x2000  }
0x93: {  	[sflag:s9] =	ssyncset.done $0x0  }
0x94: {  	[sflag:s9] =	ssyncadd.s32 $0xFFFFE000  }
0x95: {  	[bflag:$0x0] =	sbarrier.arrive $0xFFFF  }
0x96: {  	s0 =	rddreg [dreg:$0x4]  }
0x97: {  	[hbm:s0], [sflag:s8] =	dma.local [spmem:s14], $0x2700  }
0x98: {  	_ =	swait.ge [sflag:s15], $0x2700  }
0x99: {  	[sflag:s15] =	ssyncset.done $0x0  }
0x9a: {  	s0 =	rddreg [dreg:$0x5];
	[sflag:s15] =	ssyncadd.s32 $0xFFFFD900  }
0x9b: {  	[hbm:s0], [sflag:s8] =	dma.local @!p0 [spmem:s16], $0x100  }
0x9c: {  	s0 =	simm.s32 @!p0 $0x9  }
0x9d: {  	_ =	swait.ge @!p0 [sflag:s0], $0x100  }
0x9e: {  	s3 =	sadd.s32 $0x1, s3;
	s11 =	rddreg [dreg:$0x6]  }
0x9f: {  	p1 =	sne.s32 s3, s11  }
.Ltmp2:
0xa0: {  	_ = 	snop;
	(pc) =	sbr.rel @p1 .LBB2_1-.Ltmp2, $3  }
0xa1: {  	_ =	sdelay $0x1  }
0xa2: {  	[sflag:s0] =	ssyncset.done @!p0 $0x0  }
0xa3: {  	[sflag:s0] =	ssyncadd.s32 @!p0 $0xFFFFFF00  }
0xa4: {  	_ =	sfence.sel $0x180000  }
0xa5: {  	[bflag:$0x0] =	sbarrier.arrive $0xFFFF  }
0xa6: {  	_ =	strace $0x9000004D  }
0xa7: {  	[bflag:$0x2] =	sbarrier.arrive $0xFFFF  }
0xa8: {  	s0 =	rddreg [dreg:$0x3]  }
0xa9: {  	s0 =	sadd.s32 @!p0 $0x100000, s0  }
0xaa: {  	[sflag:s0] =	ssyncadd.tile.s32 @!p0 $0x1;
	_ =	shalt  }
.Lfunc_end2:
_tile_overlayer_lowered:
.L_overlay_start_2:
0xab: {  	(tag) =	ssettag $0x2  }
0xac: {  	s0 =	rddreg [dreg:$0x0];
	s2 =	stileid.u32  }
0xad: {  	s1 =	rddreg [dreg:$0x1];
	p0 =	sne.s32 s2, $0x0  }
0xae: {  	s3 =	rddreg [dreg:$0x2];
	[bflag:$0x3] =	sbarrier.arrive $0xFFFF;
	s2 =	simm.s32 @!p0 $0x1C09  }
0xaf: {  	[timem:s3], [sflag:s2] =	dma.local @!p0 [hbm:s0], s1  }
0xb0: {  	s0 =	simm.s32 @!p0 $0x9  }
0xb1: {  	_ =	swait.ge @!p0 [sflag:s0], s1  }
0xb2: {  	s1 =	ssub.s32 @!p0 $0x0, s1;
	[sflag:s0] =	ssyncset.done @!p0 $0x0  }
0xb3: {  	[sflag:s0] =	ssyncadd.s32 @!p0 s1  }
0xb4: {  	[bflag:$0x3] =	sbarrier.arrive $0xFFFF  }
0xb5: {  	_ =	shalt  }

// kernel: kernel.8.cloned.1.call-start
scs
__scs_entry_jumppad:
0x0: {  	(pc) =	sbr.rel $0x88, $3  }
0x1: {  	(tag) =	ssettag $0x0;
	lr =	simm.s32 $0x1  }
0x2: {  	[smem:$0x3F9B] =	sst lr;
	_ =	strace $0xD0000000  }
0x3: {  	_ = 	snop  }
0x4: {  	_ = 	snop  }
0x5: {  	_ = 	snop  }
0x6: {  	_ = 	snop  }
0x7: {  	_ = 	snop  }
__scs_overlays_trampoline_lowered:
0x8: {  	[smem:$0x3FAA] =	sst s0  }
0x9: {  	[smem:$0x3FAB] =	sst s1  }
0xa: {  	[smem:$0x3FAC] =	sst s2  }
0xb: {  	[smem:$0x3FAD] =	sst s3  }
0xc: {  	[smem:$0x3FAE] =	sst s4  }
0xd: {  	[smem:$0x3FAF] =	sst s5  }
0xe: {  	[smem:$0x3FB0] =	sst s6  }
0xf: {  	[smem:$0x3FB1] =	sst s7  }
0x10: {  	[smem:$0x3FB2] =	sst s8  }
0x11: {  	[smem:$0x3FB3] =	sst s9;
	s0 =	simm.s32 @!p0 $0x0  }
0x12: {  	s1 =	sld [smem:$0x3F99];
	s0 =	simm.s32 @p0 $0x1  }
0x13: {  	[smem:$0x3FB4] =	sst s0;
	s0 =	simm.s32 @!p1 $0x0  }
0x14: {  	s2 =	sld [smem:$0x3F98];
	s0 =	simm.s32 @p1 $0x1  }
0x15: {  	[smem:$0x3FB5] =	sst s0;
	s0 =	simm.s32 @!p2 $0x0  }
0x16: {  	s3 =	sld [smem:$0x3FDB];
	s0 =	simm.s32 @p2 $0x1  }
0x17: {  	s4 =	simm.s32 $0x1BF5;
	[smem:$0x3FB7] =	sst s0  }
0x18: {  	s0 =	sld [smem:$0x3F9A];
	_ =	swait.ge [sflag:s4], $0x0  }
0x19: {  	s7 =	sld [smem:$0x3F9B]  }
0x1a: {  	s8 =	sadd.s32 $0xFFFFE003, lr  }
0x1b: {  	s9 =	sadd.s32 $0xFFFFFEF7, lr;
	s5 =	simm.s32 $0xFFFFFFFF;
	p2 =	slt.u32 s8, $0xFFFFF086  }
0x1c: {  	p1 =	slt.u32 s9, $0xF7A;
	s5 =	simm.s32 @!p2 $0x0  }
0x1d: {  	s5 =	simm.s32 @p1 $0x1;
	p0 =	seq.s32 s7, s2  }
0x1e: {  	s7 =	smul.u32 @!p0 $0xF7A, s2;
	p2 =	seq.s32 @!p0 s5, $0x0  }
0x1f: {  	s9 =	smul.u32 $0xF7A, s1;
	s8 =	simm.s32 @!p0 $0x1BF5;
	p2 =	por !p2, p0  }
0x20: {  	[sflag:s8] =	ssyncset.s32 @!p0 $0xFFFFF086;
	s6 =	sadd.s32 @!p0 s3, s7;
	s7 =	simm.s32 @!p0 $0x108  }
0x21: {  	s3 =	sadd.s32 s3, s9;
	s6 =	sadd.s32 @!p0 $0x88, s6;
	s7 =	simm.s32 @p2 $0x1082  }
0x22: {  	[simem:s7], [sflag:s8] =	dma.local @!p0 [hbm:s6], $0xF7A  }
0x23: {  	s9 =	sor.u32 $0xD0000000, s2;
	s6 =	simm.s32 $0x108;
	_ =	swait.ge @!p0 [sflag:s8], $0x0  }
0x24: {  	s3 =	sadd.s32 $0x88, s3;
	s6 =	simm.s32 @!p1 $0x1082;
	[sflag:s4] =	ssyncset.s32 $0xFFFFF086  }
0x25: {  	[simem:s6], [sflag:s4] =	dma.local [hbm:s3], $0xF7A  }
0x26: {  	[smem:$0x3F9B] =	sst s1;
	(tag) =	ssettag s2;
	_ =	strace s9  }
0x27: {  	s1 =	sld [smem:$0x3FAB]  }
0x28: {  	s2 =	sld [smem:$0x3FAC]  }
0x29: {  	s4 =	sld [smem:$0x3FAE]  }
0x2a: {  	p0 =	seq.s32 s5, $0x0;
	s5 =	sld [smem:$0x3FAF]  }
0x2b: {  	s6 =	sld [smem:$0x3FB0]  }
0x2c: {  	s7 =	sld [smem:$0x3FB1]  }
0x2d: {  	s3 =	simm.s32 $0x108;
	s8 =	sld [smem:$0x3FB2]  }
0x2e: {  	s3 =	simm.s32 @!p0 $0x1082;
	s9 =	sld [smem:$0x3FB3]  }
0x2f: {  	lr =	sadd.s32 s0, s3;
	s0 =	sld [smem:$0x3FAA]  }
0x30: {  	s3 =	sld [smem:$0x3FAD]  }
0x31: {  	[smem:$0x3FB6] =	sst s10  }
0x32: {  	s10 =	sld [smem:$0x3FB4];
	_ =	sdelay $0x3  }
0x33: {  	p0 =	seq.s32 s10, $0x1;
	s10 =	sld [smem:$0x3FB6];
	_ =	sdelay $0x3  }
0x34: {  	[smem:$0x3FB6] =	sst s10  }
0x35: {  	s10 =	sld [smem:$0x3FB5];
	_ =	sdelay $0x3  }
0x36: {  	p1 =	seq.s32 s10, $0x1;
	s10 =	sld [smem:$0x3FB6];
	_ =	sdelay $0x3  }
0x37: {  	[smem:$0x3FB6] =	sst s10  }
0x38: {  	s10 =	sld [smem:$0x3FB7]  }
0x39: {  	_ = 	snop;
	(pc) =	sbr.ind lr, $3  }
0x3a: {  	_ = 	snop  }
0x3b: {  	_ = 	snop  }
0x3c: {  	p2 =	seq.s32 s10, $0x1;
	s10 =	sld [smem:$0x3FB6]  }
0x3d: {  	_ =	shalt  }
0x3e: {  	_ =	shalt  }
0x3f: {  	_ =	shalt  }
0x40: {  	_ =	shalt  }
0x41: {  	_ =	shalt  }
0x42: {  	_ =	shalt  }
0x43: {  	_ =	shalt  }
0x44: {  	_ =	shalt  }
0x45: {  	_ =	shalt  }
0x46: {  	_ =	shalt  }
0x47: {  	_ =	shalt  }
0x48: {  	_ =	shalt  }
0x49: {  	_ =	shalt  }
0x4a: {  	_ =	shalt  }
0x4b: {  	_ =	shalt  }
0x4c: {  	_ =	shalt  }
0x4d: {  	_ =	shalt  }
0x4e: {  	_ =	shalt  }
0x4f: {  	_ =	shalt  }
0x50: {  	_ =	shalt  }
0x51: {  	_ =	shalt  }
0x52: {  	_ =	shalt  }
0x53: {  	_ =	shalt  }
0x54: {  	_ =	shalt  }
0x55: {  	_ =	shalt  }
0x56: {  	_ =	shalt  }
0x57: {  	_ =	shalt  }
0x58: {  	_ =	shalt  }
0x59: {  	_ =	shalt  }
0x5a: {  	_ =	shalt  }
0x5b: {  	_ =	shalt  }
0x5c: {  	_ =	shalt  }
0x5d: {  	_ =	shalt  }
0x5e: {  	_ =	shalt  }
0x5f: {  	_ =	shalt  }
0x60: {  	_ =	shalt  }
0x61: {  	_ =	shalt  }
0x62: {  	_ =	shalt  }
0x63: {  	_ =	shalt  }
0x64: {  	_ =	shalt  }
0x65: {  	_ =	shalt  }
0x66: {  	_ =	shalt  }
0x67: {  	_ =	shalt  }
0x68: {  	_ =	shalt  }
0x69: {  	_ =	shalt  }
0x6a: {  	_ =	shalt  }
0x6b: {  	_ =	shalt  }
0x6c: {  	_ =	shalt  }
0x6d: {  	_ =	shalt  }
0x6e: {  	_ =	shalt  }
0x6f: {  	_ =	shalt  }
0x70: {  	_ =	shalt  }
0x71: {  	_ =	shalt  }
0x72: {  	_ =	shalt  }
0x73: {  	_ =	shalt  }
0x74: {  	_ =	shalt  }
0x75: {  	_ =	shalt  }
0x76: {  	_ =	shalt  }
0x77: {  	_ =	shalt  }
0x78: {  	_ =	shalt  }
0x79: {  	_ =	shalt  }
0x7a: {  	_ =	shalt  }
0x7b: {  	_ =	shalt  }
0x7c: {  	_ =	shalt  }
0x7d: {  	_ =	shalt  }
0x7e: {  	_ =	shalt  }
0x7f: {  	_ =	shalt  }
0x80: {  	_ =	shalt  }
0x81: {  	_ =	shalt  }
0x82: {  	_ =	shalt  }
0x83: {  	_ =	shalt  }
0x84: {  	_ =	shalt  }
0x85: {  	_ =	shalt  }
0x86: {  	_ =	shalt  }
0x87: {  	_ =	shalt  }
.Lfunc_end0:
.L_simem_size_0:
called_computation_lowered:
.L_overlay_start_0:
0x88: {  	s2 =	sld [smem:$0x3FD9]  }
0x89: {  	s3 =	sld [smem:$0x3FFE];
	_ =	sdelay $0x1  }
0x8a: {  	s1 =	srdreg.scid  }
0x8b: {  	s0 =	sand.u32 $0x1, s1  }
0x8c: {  	s17 =	sshll.u32 s0, $0xA;
	s2 =	sadd.s32 s3, s2  }
0x8d: {  	s2 =	sadd.s32 s2, s17  }
0x8e: {  	[smem:$0x3FC2] =	sst s2  }
0x8f: {  	_ = 	snop  }
0x90: {  	s2 =	sld [smem:$0x3FD0];
	(tm) =	ssettm $0x1  }
0x91: {  	s18 =	sld [smem:$0x3FFB];
	_ =	sdelay $0x3  }
0x92: {  	_ =	strace s18  }
0x93: {  	s3 =	sld [smem:$0x3FFC];
	_ =	sdelay $0x3  }
0x94: {  	_ =	strace s3  }
0x95: {  	s3 =	sld [smem:$0x3FFD];
	_ =	sdelay $0x3  }
0x96: {  	_ =	strace s3  }
0x97: {  	_ =	strace $0x8FFFFFFF  }
0x98: {  	s19 =	sld [smem:$0x3FDB];
	_ =	sdelay $0x1  }
0x99: {  	s4 =	simm.s32 $_scs_section_size  }
0x9a: {  	s5 =	simm.s32 $_size__tile_overlayer_lowered;
	s6 =	simm.s32 $_tile_overlayer_lowered  }
0x9b: {  	s22 =	simm.s32 $0x1BFF;
	s21 =	sshll.u32 s6, $0x1;
	s3 =	sadd.s32 s4, s19  }
0x9c: {  	s7 =	simm.s32 $0x0;
	s20 =	sshll.u32 s5, $0x1;
	s5 =	sadd.s32 s21, s3  }
0x9d: {  	[timem:s7], [sflag:s22] =	dma.local [hbm:s5], s20  }
0x9e: {  	_ =	swait.ge [sflag:s22], s20  }
0x9f: {  	s4 =	ssub.s32 $0x0, s20;
	[sflag:s22] =	ssyncset.done $0x0  }
0xa0: {  	[sflag:s22] =	ssyncadd.s32 s4;
	_ =	sdelay $0x1  }
0xa1: {  	s23 =	simm.s32 $0x1B8B  }
0xa2: {  	_ =	swait.ge [sflag:s23], $0x1  }
0xa3: {  	[sflag:s23] =	ssyncset.done $0x0  }
0xa4: {  	s25 =	simm.s32 $0x1B8E;
	s24 =	sld [smem:$0x3FFE];
	[sflag:s23] =	ssyncadd.s32 $0xFFFFFFFF  }
0xa5: {  	s26 =	simm.s32 $execute0_lowered;
	[smem:$0x3FD2] =	sst s25  }
0xa6: {  	s5 =	sshll.u32 s26, $0x1;
	_ =	strace $0x80000046;
	[dreg:$0x1] =	wrdreg $0xFFFFFFFF  }
0xa7: {  	s28 =	simm.s32 $_size_execute0_lowered;
	s3 =	sadd.s32 s3, s5;
	[dreg:$0x0] =	wrdreg $0x0  }
0xa8: {  	s5 =	sshll.u32 s28, $0x1;
	[dreg:$0x2] =	wrdreg s3  }
0xa9: {  	[dreg:$0x3] =	wrdreg s5  }
0xaa: {  	[dreg:$0x4] =	wrdreg $0xC0  }
0xab: {  	_ =	task [dreg:s7], $0x5FFFF  }
0xac: {  	[dreg:$0x1] =	wrdreg $0xFFFFFFFF  }
0xad: {  	[dreg:$0x0] =	wrdreg $0x60  }
0xae: {  	[dreg:$0x2] =	wrdreg s2  }
0xaf: {  	[dreg:$0x3] =	wrdreg s24  }
0xb0: {  	[dreg:$0x4] =	wrdreg $0x68000  }
0xb1: {  	[dreg:$0x5] =	wrdreg $0x9  }
0xb2: {  	_ =	task.clear_ibuf [dreg:s7], $0x6FFFF;
	_ =	strace $0x90000046  }
0xb3: {  	s29 =	simm.s32 $0x9;
	_ =	strace $0x80000048  }
0xb4: {  	_ =	swait.ge [sflag:s29], $0x1  }
0xb5: {  	[sflag:s29] =	ssyncadd.s32 $0xFFFFFFFF  }
0xb6: {  	_ =	strace $0x90000048  }
0xb7: {  	_ =	sfence  }
0xb8: {  	s30 =	sld [smem:$0x0];
	_ =	sdelay $0x2  }
0xb9: {  	s31 =	sshll.u32 s1, $0xD;
	s1 =	sshrl.u32 s1, $0x2  }
0xba: {  	s3 =	sand.u32 $0x4000, s31;
	s1 =	sadd.s32 s1, s30  }
0xbb: {  	s0 =	sor.u32 s3, s0;
	s1 =	sshll.u32 s1, $0x11  }
0xbc: {  	s0 =	sor.u32 s1, s0  }
0xbd: {  	s0 =	sadd.s32 $0x8F2B, s0  }
0xbe: {  	[sflag:s0] =	ssyncadd.remote.s32 $0x1  }
0xbf: {  	_ =	sfence.sel $0xFFFF  }
0xc0: {  	[dreg:$0x0] =	wrdreg $0xFFFFFFFF;
	(pc) =	sbr.abs _section_cstart, $3  }
0xc1: {  	[dreg:$0x1] =	wrdreg $0xFFFFFFFF  }
0xc2: {  	_ =	task.clear_ibuf [dreg:s7], $0x2FFFF;
	_ =	strace $0x9FFFFFFF  }
0xc3: {  	(tm) =	ssettm $0x7FFFFFFF  }
tec
execute0_lowered:
.L_overlay_start_1:
0x0: {  	(tag) =	ssettag $0x1  }
0x1: {  	s6 =	rddreg [dreg:$0x0]  }
0x2: {  	s5 =	rddreg [dreg:$0x1]  }
0x3: {  	s1 =	rddreg [dreg:$0x2]  }
0x4: {  	s0 =	rddreg [dreg:$0x3];
	s2 =	simm.s32 $0x0  }
0x5: {  	s7 =	srdreg.scid;
	s10 =	stileid.u32;
	s15 =	simm.s32 $0x1  }
0x6: {  	s16 =	simm.s32 $0x2;
	s17 =	simm.s32 $0x0;
	[smem:$0x7FF] =	sst s2  }
0x7: {  	s3 =	sadd.s32 $0x2800, s5;
	s4 =	sadd.s32 $0x3000, s5;
	s7 =	sand.u32 $0x1, s7  }
0x8: {  	s8 =	sadd.s32 $0x5800, s5;
	s11 =	sshll.u32 s10, $0x1;
	s12 =	smul.u32 $0x4E000, s10  }
0x9: {  	s29 =	sshll.u32 s10, $0x6;
	s13 =	smul.u32 $0x13800, s10;
	p0 =	sne.s32 s10, $0x0  }
0xa: {  	_ =	strace $0x80000047;
	s26 =	ssub.s32 $0x2, s7;
	s11 =	sor.u32 s7, s11  }
0xb: {  	s7 =	smul.u32 $0x138800, s7;
	s5 =	sor.u32 $0x1C03, s29;
	s9 =	sshrl.u32 s26, $0x1  }
0xc: {  	s28 =	sshrl.u32 s12, $0x2;
	s11 =	smul.u32 $0x500, s11;
	s12 =	sadd.s32 $0x138000, s1  }
0xd: {  	s9 =	ssub.s32 s26, s9;
	s14 =	sadd.s32 s28, s1;
	s13 =	sadd.s32 s13, s7  }
0xe: {  	s7 =	sshrl.u32 s7, $0x3;
	s12 =	sshrl.u32 @!p0 s12, $0x3;
	s6 =	sadd.s32 s6, s11  }
0xf: {  	s30 =	sshrl.u32 s13, $0x3;
	s31 =	sadd.s32 s8, s7;
	s9 =	smax.u32 s9, $0x1  }
0x10: {  	s10 =	sshrl.u32 s14, $0x3;
	s11 =	simm.s32 $0x3;
	s13 =	simm.s32 $0x2800  }
0x11: {  	s14 =	simm.s32 $0x80;
	s7 =	sadd.s32 s8, s30;
	s8 =	sadd.s32 $0x27000, s31  }
.LBB2_1:
0x12: {  	[spmem:s10], [sflag:s5] =	dma.local [hbm:s4], $0x2700  }
0x13: {  	_ =	swait.ge [sflag:s11], $0x2700  }
0x14: {  	[sflag:s11] =	ssyncset.done $0x0  }
0x15: {  	s18 =	simm.s32 @!p0 $0x3;
	[sflag:s11] =	ssyncadd.s32 $0xFFFFD900  }
0x16: {  	[spmem:s12], [sflag:s5] =	dma.local @!p0 [hbm:s4], $0x180  }
0x17: {  	_ =	swait.ge @!p0 [sflag:s18], $0x180  }
0x18: {  	[sflag:s18] =	ssyncset.done @!p0 $0x0  }
0x19: {  	[sflag:s18] =	ssyncadd.s32 @!p0 $0xFFFFFE80  }
0x1a: {  	[tilespmem:s13], [sflag:$0x3] =	stream.linear.gather [hbm4b:s3+s2], $0x4000, $0x38;
	[tilespmem:$0x1A0C0] =	vst v63  }
0x1b: {  	_ =	swait.ge [sflag:s11], $0x4000  }
0x1c: {  	[sflag:s11] =	ssyncset.done $0x0  }
0x1d: {  	[sflag:s11] =	ssyncadd.s32 $0xFFFFC000  }
0x1e: {  	[tilespmem:s2], [sflag:$0x3] =	stream.linear.gather [hbm4b:s6+s2], $0x2800, $0x38;
	[tilespmem:$0x1A0C0] =	vst v63  }
0x1f: {  	_ =	swait.ge [sflag:s11], $0x2800  }
0x20: {  	[sflag:s11] =	ssyncset.done $0x0  }
0x21: {  	[sflag:s11] =	ssyncadd.s32 $0xFFFFD800  }
0x22: {  	s30 =	simm.s32 $0x0;
	[bflag:$0x0] =	sbarrier.arrive $0xFFFF  }
0x23: {  	[spmem:s1] =	stream.indirect.scatter.add.f32 [tilespmem:s13], [sflag:$0x1], $0x80, s30, s14, $0xb8;
	[tilespmem:$0x1A0C0] =	vst v63  }
0x24: {  	s31 =	simm.s32 $0x80  }
0x25: {  	[spmem:s1] =	stream.indirect.scatter.add.f32 [tilespmem:s13], [sflag:$0x2], $0x80, s31, s14, $0xb8;
	[tilespmem:$0x1A0C0] =	vst v63  }
0x26: {  	_ =	swait.ge [sflag:s15], $0x4000  }
0x27: {  	[sflag:s15] =	ssyncset.done $0x0  }
0x28: {  	[sflag:s15] =	ssyncadd.s32 $0xFFFFC000  }
0x29: {  	_ =	swait.ge [sflag:s16], $0x4000  }
0x2a: {  	s19 =	simm.s32 $0x800;
	s18 =	simm.s32 $0x400;
	[sflag:s16] =	ssyncset.done $0x0  }
.LBB2_2:
0x2b: {  	s20 =	sshra.s32 s18, $0x2  }
0x2c: {  	[sflag:s16] =	ssyncadd.s32 $0xFFFFC000;
	s18 =	smov.u32 s19;
	s21 =	sadd.s32 $0x400, s19  }
0x2d: {  	[spmem:s1] =	stream.indirect.scatter.add.f32 [tilespmem:s13], [sflag:$0x1], $0x80, s20, s14, $0xb8;
	[tilespmem:$0x1A0C0] =	vst v63  }
0x2e: {  	p1 =	sne.s32 s19, $0x9C00;
	s19 =	sadd.s32 $0x80, s20  }
0x2f: {  	[spmem:s1] =	stream.indirect.scatter.add.f32 [tilespmem:s13], [sflag:$0x2], $0x80, s19, s14, $0xb8;
	[tilespmem:$0x1A0C0] =	vst v63  }
.Ltmp0:
0x30: {  	_ =	swait.ge [sflag:s15], $0x4000;
	(pc) =	sbr.rel @p1 .LBB2_2-.Ltmp0, $4  }
0x31: {  	[sflag:s15] =	ssyncset.done $0x0  }
0x32: {  	[sflag:s15] =	ssyncadd.s32 $0xFFFFC000  }
0x33: {  	_ =	swait.ge [sflag:s16], $0x4000  }
0x34: {  	s19 =	smov.u32 s21;
	[sflag:s16] =	ssyncset.done $0x0  }
0x35: {  	s18 =	sshra.s32 s18, $0x2;
	[sflag:s16] =	ssyncadd.s32 $0xFFFFC000  }
0x36: {  	[spmem:s1] =	stream.indirect.scatter.add.f32 [tilespmem:s13], [sflag:$0x1], $0x80, s18, s14, $0xb8;
	[tilespmem:$0x1A0C0] =	vst v63  }
0x37: {  	s18 =	sadd.s32 $0x80, s18  }
0x38: {  	[spmem:s1] =	stream.indirect.scatter.add.f32 [tilespmem:s13], [sflag:$0x2], $0x80, s18, s14, $0xb8;
	[tilespmem:$0x1A0C0] =	vst v63  }
0x39: {  	_ =	swait.ge [sflag:s15], $0x4000  }
0x3a: {  	[sflag:s15] =	ssyncset.done $0x0  }
0x3b: {  	[sflag:s15] =	ssyncadd.s32 $0xFFFFC000  }
0x3c: {  	_ =	swait.ge [sflag:s16], $0x4000  }
0x3d: {  	[sflag:s16] =	ssyncset.done $0x0  }
0x3e: {  	[sflag:s16] =	ssyncadd.s32 $0xFFFFC000  }
0x3f: {  	[bflag:$0x0] =	sbarrier.arrive $0xFFFF  }
0x40: {  	[hbm:s7], [sflag:s5] =	dma.local [spmem:s10], $0x2700  }
0x41: {  	s17 =	sadd.s32 $0x1, s17;
	_ =	swait.ge [sflag:s11], $0x2700  }
0x42: {  	p1 =	sne.s32 s17, s9;
	[sflag:s11] =	ssyncset.done $0x0  }
.Ltmp1:
0x43: {  	s18 =	simm.s32 @!p0 $0x3;
	[sflag:s11] =	ssyncadd.s32 $0xFFFFD900;
	(pc) =	sbr.rel @p1 .LBB2_1-.Ltmp1, $4  }
0x44: {  	[hbm:s8], [sflag:s5] =	dma.local @!p0 [spmem:s12], $0x100  }
0x45: {  	_ =	swait.ge @!p0 [sflag:s18], $0x100  }
0x46: {  	[sflag:s18] =	ssyncset.done @!p0 $0x0  }
0x47: {  	[sflag:s18] =	ssyncadd.s32 @!p0 $0xFFFFFF00  }
0x48: {  	_ =	sfence.sel $0x180000  }
0x49: {  	[bflag:$0x0] =	sbarrier.arrive $0xFFFF  }
0x4a: {  	_ =	strace $0x90000047  }
0x4b: {  	s0 =	sadd.s32 @!p0 $0x100000, s0;
	[bflag:$0x2] =	sbarrier.arrive $0xFFFF  }
0x4c: {  	[sflag:s0] =	ssyncadd.tile.s32 @!p0 $0x1;
	_ =	shalt  }
.Lfunc_end2:
_tile_overlayer_lowered:
.L_overlay_start_2:
0x4d: {  	(tag) =	ssettag $0x2  }
0x4e: {  	s0 =	rddreg [dreg:$0x0];
	s2 =	stileid.u32  }
0x4f: {  	s1 =	rddreg [dreg:$0x1];
	p0 =	sne.s32 s2, $0x0  }
0x50: {  	s3 =	rddreg [dreg:$0x2];
	[bflag:$0x3] =	sbarrier.arrive $0xFFFF;
	s2 =	simm.s32 @!p0 $0x1C03  }
0x51: {  	[timem:s3], [sflag:s2] =	dma.local @!p0 [hbm:s0], s1  }
0x52: {  	s0 =	simm.s32 @!p0 $0x3  }
0x53: {  	_ =	swait.ge @!p0 [sflag:s0], s1  }
0x54: {  	s1 =	ssub.s32 @!p0 $0x0, s1;
	[sflag:s0] =	ssyncset.done @!p0 $0x0  }
0x55: {  	[sflag:s0] =	ssyncadd.s32 @!p0 s1  }
0x56: {  	[bflag:$0x3] =	sbarrier.arrive $0xFFFF  }
0x57: {  	_ =	shalt  }

</sc_bundles>
